<compile_context>
chip_gen: v7x
topology: tpu7x:2x2x1
jax: 0.10.2.dev20260603
libtpu: 0.0.44.dev20260713+nightly
codegen_flags: <defaults>
</compile_context>

<pallas_src>
import functools

import jax
import jax.numpy as jnp
from jax import lax
from jax.experimental import pallas as pl
from jax.experimental.pallas import tpu as pltpu
from jax.experimental.pallas import tpu_sc as plsc

_VOCAB = 1000000
_HALFV = _VOCAB // 2
_EMBED = 64
_NEG = 10
_BATCH = 16384
_ROWS = _BATCH * (_NEG + 2)
_WIDE = 2 * _EMBED

_NC = 2
_NS = 16
_NW = _NC * _NS
_RPW = _ROWS // _NW
_CHUNK = 128
_NCH = _RPW // _CHUNK
_K = 6
_NGRP = _NCH // _K

_BB = 512
_GRID = _BATCH // _BB
_NBB = _BB * _NEG

_TCOL = 16384


def _transpose_body(xa_ref, out_ref):
    ta = jnp.transpose(xa_ref[...])
    out_ref[...] = jnp.concatenate([ta, ta], axis=1)


def _tc_relayout(embT):
    nblk = (_VOCAB + _TCOL - 1) // _TCOL
    return pl.pallas_call(
        _transpose_body,
        grid_spec=pl.GridSpec(
            grid=(nblk,),
            in_specs=[
                pl.BlockSpec((_EMBED, _TCOL), lambda i: (0, i)),
            ],
            out_specs=pl.BlockSpec((_TCOL, _WIDE), lambda i: (i, 0)),
        ),
        out_shape=jax.ShapeDtypeStruct((_VOCAB, _WIDE), jnp.float32),
        compiler_params=pltpu.CompilerParams(
            vmem_limit_bytes=100 * 1024 * 1024),
    )(embT)


def _sc_gather(table, ids3):
    nch = ids3.shape[1]
    ngrp = nch // _K
    mesh = plsc.VectorSubcoreMesh(
        core_axis_name="c", subcore_axis_name="s",
        num_cores=_NC, num_subcores=_NS)

    @functools.partial(
        pl.kernel,
        out_type=jax.ShapeDtypeStruct((_NW, nch, _CHUNK, _WIDE), jnp.float32),
        mesh=mesh,
        scratch_types=[
            pltpu.VMEM((nch, _CHUNK), jnp.int32),
            pltpu.VMEM((_K, _CHUNK, _WIDE), jnp.float32),
            pltpu.SemaphoreType.DMA,
        ],
        compiler_params=pltpu.CompilerParams(use_tc_tiling_on_sc=True),
    )
    def gather_kernel(emb_hbm, ids_hbm, out_hbm, idx_v, rows_v, sem):
        wid = lax.axis_index("s") * _NC + lax.axis_index("c")
        pltpu.sync_copy(ids_hbm.at[wid], idx_v)
        for g in range(ngrp):
            copies = [
                pltpu.async_copy(
                    emb_hbm.at[idx_v.at[g * _K + j]], rows_v.at[j], sem)
                for j in range(_K)
            ]
            for c in copies:
                c.wait()
            pltpu.sync_copy(rows_v, out_hbm.at[wid, pl.ds(g * _K, _K)])

    return gather_kernel(table, ids3)


def _selu(x):
    alpha = 1.6732632423543772848170429916717
    scale = 1.0507009873554804934193349852946
    return scale * jnp.where(x > 0, x, alpha * (jnp.exp(jnp.minimum(x, 0.0)) - 1.0))


def _log_sigmoid(x):
    return jnp.minimum(x, 0.0) - jnp.log(1.0 + jnp.exp(-jnp.abs(x)))


def _tc_body(neg_ref, c_ref, t_ref, lab_ref,
             encw_ref, encb_ref, decw_ref, decb_ref, deno_ref, cono_ref):
    i = pl.program_id(0)
    w = encw_ref[...]
    b = encb_ref[...]
    enc_c = _selu(jnp.dot(c_ref[:, 0:_EMBED], w,
                          preferred_element_type=jnp.float32) + b)
    enc_t = _selu(jnp.dot(t_ref[:, 0:_EMBED], w,
                          preferred_element_type=jnp.float32) + b)
    enc_n = _selu(jnp.dot(neg_ref[:, 0:_EMBED], w,
                          preferred_element_type=jnp.float32) + b)
    s_true = jnp.sum(enc_c * enc_t, axis=1, keepdims=True)
    n3 = enc_n.reshape(_BB, _NEG, _EMBED)
    s_neg = jnp.sum(n3 * enc_c[:, None, :], axis=2)
    deno_part = (jnp.sum(_log_sigmoid(s_true), keepdims=True)
                 + jnp.sum(_log_sigmoid(-s_neg), keepdims=True))
    logits = jnp.dot(enc_c, decw_ref[...], preferred_element_type=jnp.float32)
    logits = logits + decb_ref[...]
    l0 = logits[:, 0:1]
    l1 = logits[:, 1:2]
    m = jnp.maximum(l0, l1)
    lse = m + jnp.log(jnp.exp(l0 - m) + jnp.exp(l1 - m))
    picked = jnp.where(lab_ref[...] == 0, l0, l1) - lse
    cono_part = jnp.sum(picked, keepdims=True)

    @pl.when(i == 0)
    def _init():
        deno_ref[...] = jnp.zeros((1, 1), jnp.float32)
        cono_ref[...] = jnp.zeros((1, 1), jnp.float32)

    deno_ref[...] += deno_part
    cono_ref[...] += cono_part


def _tc_compute(gathered, labels2, enc_W, enc_b2, dec_W, dec_b2):
    nb = labels2.shape[0]
    c_off = nb * _NEG // _BB
    t_off = nb * (_NEG + 1) // _BB
    grid_spec = pl.GridSpec(
        grid=(nb // _BB,),
        in_specs=[
            pl.BlockSpec((_NBB, _WIDE), lambda i: (i, 0)),
            pl.BlockSpec((_BB, _WIDE), lambda i: (i + c_off, 0)),
            pl.BlockSpec((_BB, _WIDE), lambda i: (i + t_off, 0)),
            pl.BlockSpec((_BB, 1), lambda i: (i, 0)),
            pl.BlockSpec((_EMBED, _EMBED), lambda i: (0, 0)),
            pl.BlockSpec((1, _EMBED), lambda i: (0, 0)),
            pl.BlockSpec((_EMBED, 2), lambda i: (0, 0)),
            pl.BlockSpec((1, 2), lambda i: (0, 0)),
        ],
        out_specs=[
            pl.BlockSpec((1, 1), lambda i: (0, 0)),
            pl.BlockSpec((1, 1), lambda i: (0, 0)),
        ],
    )
    return pl.pallas_call(
        _tc_body,
        grid_spec=grid_spec,
        out_shape=[
            jax.ShapeDtypeStruct((1, 1), jnp.float32),
            jax.ShapeDtypeStruct((1, 1), jnp.float32),
        ],
        compiler_params=pltpu.CompilerParams(
            vmem_limit_bytes=100 * 1024 * 1024),
    )(gathered, gathered, gathered, labels2, enc_W, enc_b2, dec_W, dec_b2)


def kernel(center_word_ids, context_word_ids, party_labels,
           negative_context_ids, embedding, enc_W, enc_b, dec_W, dec_b):
    table = _tc_relayout(jnp.transpose(embedding))
    nslice = 4
    nb = _BATCH // nslice
    deno_sum = jnp.zeros((), jnp.float32)
    cono_sum = jnp.zeros((), jnp.float32)
    for s in range(nslice):
        sl = slice(s * nb, (s + 1) * nb)
        ids = jnp.concatenate([
            negative_context_ids[sl].reshape(-1),
            center_word_ids[sl],
            context_word_ids[sl],
        ]).astype(jnp.int32)
        nrows = nb * (_NEG + 2)
        ids3 = ids.reshape(_NW, nrows // (_NW * _CHUNK), _CHUNK)
        gathered = _sc_gather(table, ids3).reshape(nrows, _WIDE)
        d_s, c_s = _tc_compute(
            gathered,
            party_labels[sl].reshape(nb, 1).astype(jnp.int32),
            enc_W,
            enc_b.reshape(1, _EMBED),
            dec_W,
            dec_b.reshape(1, 2),
        )
        deno_sum += d_s[0, 0]
        cono_sum += c_s[0, 0]
    deno_loss = -(deno_sum / _BATCH)
    cono_loss = -(cono_sum / _BATCH)
    return (deno_loss + cono_loss, deno_loss, cono_loss)

# --- scband reference (transcript-rebuilt; emitter-appended) ---
"""Pipeline reference for scband-adversarial-decomposer-38740605010288 (READ-ONLY COPY).

The authoritative reference and input builder live on the scoring server;
editing this copy changes nothing except your own understanding.
"""

import jax, jax.numpy as jnp
import numpy as np

VOCAB = 1000000
EMBED = 64
ENC = 64
NEG = 10
CLASSES = 2
BATCH = 16384


def setup_inputs(seed: int = 0) -> dict:
    key = jax.random.key(seed)
    ks = jax.random.split(key, 8)
    init_range = 1.0 / EMBED
    inp = {}
    inp["center_word_ids"] = jax.random.randint(ks[0], (BATCH,), 0, VOCAB)
    inp["context_word_ids"] = jax.random.randint(ks[1], (BATCH,), 0, VOCAB)
    inp["party_labels"] = jax.random.randint(ks[2], (BATCH,), 0, CLASSES)
    inp["negative_context_ids"] = jax.random.randint(ks[3], (BATCH, NEG), 0, VOCAB)
    inp["embedding"] = jax.random.uniform(ks[4], (VOCAB, EMBED), minval=-init_range, maxval=init_range, dtype=jnp.float32)
    inp["enc_W"] = jax.random.normal(ks[5], (EMBED, ENC), dtype=jnp.float32) * 0.05
    inp["enc_b"] = jnp.zeros((ENC,), dtype=jnp.float32)
    inp["dec_W"] = jax.random.normal(ks[6], (ENC, CLASSES), dtype=jnp.float32) * 0.05
    inp["dec_b"] = jnp.zeros((CLASSES,), dtype=jnp.float32)
    return inp


def reference(center_word_ids, context_word_ids, party_labels, negative_context_ids, embedding, enc_W, enc_b, dec_W, dec_b):
    deno_w = 1.0
    cono_w = 1.0
    # encoder: Linear + SELU applied to embedding lookups
    enc_center = jax.nn.selu(jnp.take(embedding, center_word_ids, axis=0) @ enc_W + enc_b)
    enc_true = jax.nn.selu(jnp.take(embedding, context_word_ids, axis=0) @ enc_W + enc_b)
    enc_neg = jax.nn.selu(jnp.take(embedding, negative_context_ids, axis=0) @ enc_W + enc_b)  # [B, NEG, ENC]
    # deno_forward (SGNS objective)
    objective = jax.nn.log_sigmoid(jnp.sum(enc_center * enc_true, axis=1))
    neg_obj = jnp.einsum('bke,be->bk', enc_neg, enc_center)
    neg_obj = jnp.sum(jax.nn.log_sigmoid(-neg_obj), axis=1)
    deno_loss = -jnp.mean(objective + neg_obj)
    # connotation classifier + cross entropy
    cono_logits = enc_center @ dec_W + dec_b
    logp = jax.nn.log_softmax(cono_logits, axis=1)
    cono_loss = -jnp.mean(jnp.take_along_axis(logp, party_labels[:, None], axis=1))
    encoder_loss = deno_w * deno_loss + cono_w * cono_loss
    return (encoder_loss, deno_loss, cono_loss)

if __name__ == "__main__":
    import jax
    _d = setup_inputs()
    print(jax.jit(kernel)(*tuple(_d.values())))

</pallas_src>

<mosaic_0001>
#map = affine_map<(d0, d1) -> (0, 0)>
#map1 = affine_map<(d0, d1) -> (0, 0, 0)>
#map2 = affine_map<(d0, d1) -> (0, 0, 0, 0)>
module attributes {stable_mosaic.version = 14 : i64} {
  func.func @gather_kernel(%arg0: i32, %arg1: i32, %arg2: memref<1000000x128xf32, #tpu.memory_space<hbm>>, %arg3: memref<32x12x128xi32, #tpu.memory_space<hbm>>, %arg4: memref<32x12x128x128xf32, #tpu.memory_space<hbm>>, %arg5: memref<12x128xi32, #tpu.memory_space<vmem>>, %arg6: memref<6x128x128xf32, #tpu.memory_space<vmem>>, %arg7: memref<!tpu.dma_semaphore, #tpu.memory_space<semaphore_mem>>) attributes {dimension_semantics = [#tpu.dimension_semantics<core_parallel>, #tpu.dimension_semantics<subcore_parallel>], iteration_bounds = array<i64: 2, 16>, scalar_prefetch = 0 : i64, scratch_operands = 3 : i64, tpu.core_type = #tpu.core_type<sc_vector_subcore>, window_params = [{transform_indices = #map}, {transform_indices = #map1}, {transform_indices = #map2}]} {
    %mul3A = arith.constant 2 : i32
    %mul3A_0 = arith.muli %arg1, %mul3A : i32
    %add3A = arith.addi %mul3A_0, %arg0 : i32
    "tpu.region"() ({
      %run_scoped3A = tpu.sem_alloc : memref<!tpu.dma_semaphore, #tpu.memory_space<semaphore_mem>>
      %dma_start3A_287 = arith.constant 0 : i32
      %dma_start3A_288 = arith.constant 0 : i32
      %dma_start3A_289 = tpu.memref_slice %arg3[%add3A, %dma_start3A_287, %dma_start3A_288] : memref<32x12x128xi32, #tpu.memory_space<hbm>> -> memref<1x12x128xi32, #tpu.memory_space<hbm>>
      %dma_start3A_290 = tpu.memref_squeeze %dma_start3A_289 : memref<1x12x128xi32, #tpu.memory_space<hbm>> -> memref<12x128xi32, #tpu.memory_space<hbm>>
      %dma_start3A_291 = arith.constant 0 : i32
      %dma_start3A_292 = arith.constant 0 : i32
      %dma_start3A_293 = tpu.memref_slice %arg3[%add3A, %dma_start3A_291, %dma_start3A_292] : memref<32x12x128xi32, #tpu.memory_space<hbm>> -> memref<1x12x128xi32, #tpu.memory_space<hbm>>
      %dma_start3A_294 = tpu.memref_squeeze %dma_start3A_293 : memref<1x12x128xi32, #tpu.memory_space<hbm>> -> memref<12x128xi32, #tpu.memory_space<hbm>>
      tpu.enqueue_dma source(%dma_start3A_294 : memref<12x128xi32, #tpu.memory_space<hbm>>) target(%arg5 : memref<12x128xi32, #tpu.memory_space<vmem>>) target_semaphore(%run_scoped3A : memref<!tpu.dma_semaphore, #tpu.memory_space<semaphore_mem>>)
      %dma_wait3A_295 = arith.constant 0 : i32
      %dma_wait3A_296 = arith.constant 0 : i32
      %dma_wait3A_297 = tpu.memref_slice %arg3[%add3A, %dma_wait3A_295, %dma_wait3A_296] : memref<32x12x128xi32, #tpu.memory_space<hbm>> -> memref<1x12x128xi32, #tpu.memory_space<hbm>>
      %dma_wait3A_298 = tpu.memref_squeeze %dma_wait3A_297 : memref<1x12x128xi32, #tpu.memory_space<hbm>> -> memref<12x128xi32, #tpu.memory_space<hbm>>
      %dma_wait3A_299 = arith.constant 0 : i32
      %dma_wait3A_300 = arith.constant 0 : i32
      %dma_wait3A_301 = tpu.memref_slice %arg3[%add3A, %dma_wait3A_299, %dma_wait3A_300] : memref<32x12x128xi32, #tpu.memory_space<hbm>> -> memref<1x12x128xi32, #tpu.memory_space<hbm>>
      %dma_wait3A_302 = tpu.memref_squeeze %dma_wait3A_301 : memref<1x12x128xi32, #tpu.memory_space<hbm>> -> memref<12x128xi32, #tpu.memory_space<hbm>>
      tpu.wait_dma2 semaphore(%run_scoped3A : memref<!tpu.dma_semaphore, #tpu.memory_space<semaphore_mem>>) src(%dma_wait3A_302 : memref<12x128xi32, #tpu.memory_space<hbm>>) dst(%arg5 : memref<12x128xi32, #tpu.memory_space<vmem>>)
      tpu.yield
    }) : () -> ()
    %dma_start3A = arith.constant 0 : i32
    %dma_start3A_1 = arith.constant 0 : i32
    %dma_start3A_2 = arith.constant 0 : i32
    %dma_start3A_3 = arith.constant 0 : i32
    %dma_start3A_4 = tpu.memref_slice %arg6[%dma_start3A_1, %dma_start3A_2, %dma_start3A_3] : memref<6x128x128xf32, #tpu.memory_space<vmem>> -> memref<1x128x128xf32, #tpu.memory_space<vmem>>
    %dma_start3A_5 = tpu.memref_squeeze %dma_start3A_4 : memref<1x128x128xf32, #tpu.memory_space<vmem>> -> memref<128x128xf32, #tpu.memory_space<vmem>>
    %dma_start3A_6 = arith.constant 0 : i32
    %dma_start3A_7 = tpu.memref_slice %arg5[%dma_start3A, %dma_start3A_6] : memref<12x128xi32, #tpu.memory_space<vmem>> -> memref<1x128xi32, #tpu.memory_space<vmem>>
    %dma_start3A_8 = tpu.memref_squeeze %dma_start3A_7 : memref<1x128xi32, #tpu.memory_space<vmem>> -> memref<128xi32, #tpu.memory_space<vmem>>
    %dma_start3A_9 = arith.constant 0 : i32
    %dma_start3A_10 = arith.constant 0 : i32
    %dma_start3A_11 = tpu.memref_slice %arg2[%dma_start3A_9, %dma_start3A_10] : memref<1000000x128xf32, #tpu.memory_space<hbm>> -> memref<1000000x128xf32, #tpu.memory_space<hbm>>
    tpu.enqueue_indirect_dma source(%dma_start3A_11 : memref<1000000x128xf32, #tpu.memory_space<hbm>>) target(%dma_start3A_5 : memref<128x128xf32, #tpu.memory_space<vmem>>) offsets(%dma_start3A_8 : memref<128xi32, #tpu.memory_space<vmem>>) semaphore(%arg7 : memref<!tpu.dma_semaphore, #tpu.memory_space<semaphore_mem>>)
    %dma_start3A_12 = arith.constant 1 : i32
    %dma_start3A_13 = arith.constant 1 : i32
    %dma_start3A_14 = arith.constant 0 : i32
    %dma_start3A_15 = arith.constant 0 : i32
    %dma_start3A_16 = tpu.memref_slice %arg6[%dma_start3A_13, %dma_start3A_14, %dma_start3A_15] : memref<6x128x128xf32, #tpu.memory_space<vmem>> -> memref<1x128x128xf32, #tpu.memory_space<vmem>>
    %dma_start3A_17 = tpu.memref_squeeze %dma_start3A_16 : memref<1x128x128xf32, #tpu.memory_space<vmem>> -> memref<128x128xf32, #tpu.memory_space<vmem>>
    %dma_start3A_18 = arith.constant 0 : i32
    %dma_start3A_19 = tpu.memref_slice %arg5[%dma_start3A_12, %dma_start3A_18] : memref<12x128xi32, #tpu.memory_space<vmem>> -> memref<1x128xi32, #tpu.memory_space<vmem>>
    %dma_start3A_20 = tpu.memref_squeeze %dma_start3A_19 : memref<1x128xi32, #tpu.memory_space<vmem>> -> memref<128xi32, #tpu.memory_space<vmem>>
    %dma_start3A_21 = arith.constant 0 : i32
    %dma_start3A_22 = arith.constant 0 : i32
    %dma_start3A_23 = tpu.memref_slice %arg2[%dma_start3A_21, %dma_start3A_22] : memref<1000000x128xf32, #tpu.memory_space<hbm>> -> memref<1000000x128xf32, #tpu.memory_space<hbm>>
    tpu.enqueue_indirect_dma source(%dma_start3A_23 : memref<1000000x128xf32, #tpu.memory_space<hbm>>) target(%dma_start3A_17 : memref<128x128xf32, #tpu.memory_space<vmem>>) offsets(%dma_start3A_20 : memref<128xi32, #tpu.memory_space<vmem>>) semaphore(%arg7 : memref<!tpu.dma_semaphore, #tpu.memory_space<semaphore_mem>>)
    %dma_start3A_24 = arith.constant 2 : i32
    %dma_start3A_25 = arith.constant 2 : i32
    %dma_start3A_26 = arith.constant 0 : i32
    %dma_start3A_27 = arith.constant 0 : i32
    %dma_start3A_28 = tpu.memref_slice %arg6[%dma_start3A_25, %dma_start3A_26, %dma_start3A_27] : memref<6x128x128xf32, #tpu.memory_space<vmem>> -> memref<1x128x128xf32, #tpu.memory_space<vmem>>
    %dma_start3A_29 = tpu.memref_squeeze %dma_start3A_28 : memref<1x128x128xf32, #tpu.memory_space<vmem>> -> memref<128x128xf32, #tpu.memory_space<vmem>>
    %dma_start3A_30 = arith.constant 0 : i32
    %dma_start3A_31 = tpu.memref_slice %arg5[%dma_start3A_24, %dma_start3A_30] : memref<12x128xi32, #tpu.memory_space<vmem>> -> memref<1x128xi32, #tpu.memory_space<vmem>>
    %dma_start3A_32 = tpu.memref_squeeze %dma_start3A_31 : memref<1x128xi32, #tpu.memory_space<vmem>> -> memref<128xi32, #tpu.memory_space<vmem>>
    %dma_start3A_33 = arith.constant 0 : i32
    %dma_start3A_34 = arith.constant 0 : i32
    %dma_start3A_35 = tpu.memref_slice %arg2[%dma_start3A_33, %dma_start3A_34] : memref<1000000x128xf32, #tpu.memory_space<hbm>> -> memref<1000000x128xf32, #tpu.memory_space<hbm>>
    tpu.enqueue_indirect_dma source(%dma_start3A_35 : memref<1000000x128xf32, #tpu.memory_space<hbm>>) target(%dma_start3A_29 : memref<128x128xf32, #tpu.memory_space<vmem>>) offsets(%dma_start3A_32 : memref<128xi32, #tpu.memory_space<vmem>>) semaphore(%arg7 : memref<!tpu.dma_semaphore, #tpu.memory_space<semaphore_mem>>)
    %dma_start3A_36 = arith.constant 3 : i32
    %dma_start3A_37 = arith.constant 3 : i32
    %dma_start3A_38 = arith.constant 0 : i32
    %dma_start3A_39 = arith.constant 0 : i32
    %dma_start3A_40 = tpu.memref_slice %arg6[%dma_start3A_37, %dma_start3A_38, %dma_start3A_39] : memref<6x128x128xf32, #tpu.memory_space<vmem>> -> memref<1x128x128xf32, #tpu.memory_space<vmem>>
    %dma_start3A_41 = tpu.memref_squeeze %dma_start3A_40 : memref<1x128x128xf32, #tpu.memory_space<vmem>> -> memref<128x128xf32, #tpu.memory_space<vmem>>
    %dma_start3A_42 = arith.constant 0 : i32
    %dma_start3A_43 = tpu.memref_slice %arg5[%dma_start3A_36, %dma_start3A_42] : memref<12x128xi32, #tpu.memory_space<vmem>> -> memref<1x128xi32, #tpu.memory_space<vmem>>
    %dma_start3A_44 = tpu.memref_squeeze %dma_start3A_43 : memref<1x128xi32, #tpu.memory_space<vmem>> -> memref<128xi32, #tpu.memory_space<vmem>>
    %dma_start3A_45 = arith.constant 0 : i32
    %dma_start3A_46 = arith.constant 0 : i32
    %dma_start3A_47 = tpu.memref_slice %arg2[%dma_start3A_45, %dma_start3A_46] : memref<1000000x128xf32, #tpu.memory_space<hbm>> -> memref<1000000x128xf32, #tpu.memory_space<hbm>>
    tpu.enqueue_indirect_dma source(%dma_start3A_47 : memref<1000000x128xf32, #tpu.memory_space<hbm>>) target(%dma_start3A_41 : memref<128x128xf32, #tpu.memory_space<vmem>>) offsets(%dma_start3A_44 : memref<128xi32, #tpu.memory_space<vmem>>) semaphore(%arg7 : memref<!tpu.dma_semaphore, #tpu.memory_space<semaphore_mem>>)
    %dma_start3A_48 = arith.constant 4 : i32
    %dma_start3A_49 = arith.constant 4 : i32
    %dma_start3A_50 = arith.constant 0 : i32
    %dma_start3A_51 = arith.constant 0 : i32
    %dma_start3A_52 = tpu.memref_slice %arg6[%dma_start3A_49, %dma_start3A_50, %dma_start3A_51] : memref<6x128x128xf32, #tpu.memory_space<vmem>> -> memref<1x128x128xf32, #tpu.memory_space<vmem>>
    %dma_start3A_53 = tpu.memref_squeeze %dma_start3A_52 : memref<1x128x128xf32, #tpu.memory_space<vmem>> -> memref<128x128xf32, #tpu.memory_space<vmem>>
    %dma_start3A_54 = arith.constant 0 : i32
    %dma_start3A_55 = tpu.memref_slice %arg5[%dma_start3A_48, %dma_start3A_54] : memref<12x128xi32, #tpu.memory_space<vmem>> -> memref<1x128xi32, #tpu.memory_space<vmem>>
    %dma_start3A_56 = tpu.memref_squeeze %dma_start3A_55 : memref<1x128xi32, #tpu.memory_space<vmem>> -> memref<128xi32, #tpu.memory_space<vmem>>
    %dma_start3A_57 = arith.constant 0 : i32
    %dma_start3A_58 = arith.constant 0 : i32
    %dma_start3A_59 = tpu.memref_slice %arg2[%dma_start3A_57, %dma_start3A_58] : memref<1000000x128xf32, #tpu.memory_space<hbm>> -> memref<1000000x128xf32, #tpu.memory_space<hbm>>
    tpu.enqueue_indirect_dma source(%dma_start3A_59 : memref<1000000x128xf32, #tpu.memory_space<hbm>>) target(%dma_start3A_53 : memref<128x128xf32, #tpu.memory_space<vmem>>) offsets(%dma_start3A_56 : memref<128xi32, #tpu.memory_space<vmem>>) semaphore(%arg7 : memref<!tpu.dma_semaphore, #tpu.memory_space<semaphore_mem>>)
    %dma_start3A_60 = arith.constant 5 : i32
    %dma_start3A_61 = arith.constant 5 : i32
    %dma_start3A_62 = arith.constant 0 : i32
    %dma_start3A_63 = arith.constant 0 : i32
    %dma_start3A_64 = tpu.memref_slice %arg6[%dma_start3A_61, %dma_start3A_62, %dma_start3A_63] : memref<6x128x128xf32, #tpu.memory_space<vmem>> -> memref<1x128x128xf32, #tpu.memory_space<vmem>>
    %dma_start3A_65 = tpu.memref_squeeze %dma_start3A_64 : memref<1x128x128xf32, #tpu.memory_space<vmem>> -> memref<128x128xf32, #tpu.memory_space<vmem>>
    %dma_start3A_66 = arith.constant 0 : i32
    %dma_start3A_67 = tpu.memref_slice %arg5[%dma_start3A_60, %dma_start3A_66] : memref<12x128xi32, #tpu.memory_space<vmem>> -> memref<1x128xi32, #tpu.memory_space<vmem>>
    %dma_start3A_68 = tpu.memref_squeeze %dma_start3A_67 : memref<1x128xi32, #tpu.memory_space<vmem>> -> memref<128xi32, #tpu.memory_space<vmem>>
    %dma_start3A_69 = arith.constant 0 : i32
    %dma_start3A_70 = arith.constant 0 : i32
    %dma_start3A_71 = tpu.memref_slice %arg2[%dma_start3A_69, %dma_start3A_70] : memref<1000000x128xf32, #tpu.memory_space<hbm>> -> memref<1000000x128xf32, #tpu.memory_space<hbm>>
    tpu.enqueue_indirect_dma source(%dma_start3A_71 : memref<1000000x128xf32, #tpu.memory_space<hbm>>) target(%dma_start3A_65 : memref<128x128xf32, #tpu.memory_space<vmem>>) offsets(%dma_start3A_68 : memref<128xi32, #tpu.memory_space<vmem>>) semaphore(%arg7 : memref<!tpu.dma_semaphore, #tpu.memory_space<semaphore_mem>>)
    %dma_wait3A = arith.constant 0 : i32
    %dma_wait3A_72 = arith.constant 0 : i32
    %dma_wait3A_73 = arith.constant 0 : i32
    %dma_wait3A_74 = arith.constant 0 : i32
    %dma_wait3A_75 = tpu.memref_slice %arg6[%dma_wait3A_72, %dma_wait3A_73, %dma_wait3A_74] : memref<6x128x128xf32, #tpu.memory_space<vmem>> -> memref<1x128x128xf32, #tpu.memory_space<vmem>>
    %dma_wait3A_76 = tpu.memref_squeeze %dma_wait3A_75 : memref<1x128x128xf32, #tpu.memory_space<vmem>> -> memref<128x128xf32, #tpu.memory_space<vmem>>
    %dma_wait3A_77 = arith.constant 0 : i32
    %dma_wait3A_78 = tpu.memref_slice %arg5[%dma_wait3A, %dma_wait3A_77] : memref<12x128xi32, #tpu.memory_space<vmem>> -> memref<1x128xi32, #tpu.memory_space<vmem>>
    %dma_wait3A_79 = tpu.memref_squeeze %dma_wait3A_78 : memref<1x128xi32, #tpu.memory_space<vmem>> -> memref<128xi32, #tpu.memory_space<vmem>>
    %dma_wait3A_80 = arith.constant 0 : i32
    %dma_wait3A_81 = arith.constant 0 : i32
    %dma_wait3A_82 = tpu.memref_slice %arg2[%dma_wait3A_80, %dma_wait3A_81] : memref<1000000x128xf32, #tpu.memory_space<hbm>> -> memref<1000000x128xf32, #tpu.memory_space<hbm>>
    tpu.wait_indirect_dma semaphore(%arg7 : memref<!tpu.dma_semaphore, #tpu.memory_space<semaphore_mem>>) src(%dma_wait3A_82 : memref<1000000x128xf32, #tpu.memory_space<hbm>>) dst(%dma_wait3A_76 : memref<128x128xf32, #tpu.memory_space<vmem>>)
    %dma_wait3A_83 = arith.constant 1 : i32
    %dma_wait3A_84 = arith.constant 1 : i32
    %dma_wait3A_85 = arith.constant 0 : i32
    %dma_wait3A_86 = arith.constant 0 : i32
    %dma_wait3A_87 = tpu.memref_slice %arg6[%dma_wait3A_84, %dma_wait3A_85, %dma_wait3A_86] : memref<6x128x128xf32, #tpu.memory_space<vmem>> -> memref<1x128x128xf32, #tpu.memory_space<vmem>>
    %dma_wait3A_88 = tpu.memref_squeeze %dma_wait3A_87 : memref<1x128x128xf32, #tpu.memory_space<vmem>> -> memref<128x128xf32, #tpu.memory_space<vmem>>
    %dma_wait3A_89 = arith.constant 0 : i32
    %dma_wait3A_90 = tpu.memref_slice %arg5[%dma_wait3A_83, %dma_wait3A_89] : memref<12x128xi32, #tpu.memory_space<vmem>> -> memref<1x128xi32, #tpu.memory_space<vmem>>
    %dma_wait3A_91 = tpu.memref_squeeze %dma_wait3A_90 : memref<1x128xi32, #tpu.memory_space<vmem>> -> memref<128xi32, #tpu.memory_space<vmem>>
    %dma_wait3A_92 = arith.constant 0 : i32
    %dma_wait3A_93 = arith.constant 0 : i32
    %dma_wait3A_94 = tpu.memref_slice %arg2[%dma_wait3A_92, %dma_wait3A_93] : memref<1000000x128xf32, #tpu.memory_space<hbm>> -> memref<1000000x128xf32, #tpu.memory_space<hbm>>
    tpu.wait_indirect_dma semaphore(%arg7 : memref<!tpu.dma_semaphore, #tpu.memory_space<semaphore_mem>>) src(%dma_wait3A_94 : memref<1000000x128xf32, #tpu.memory_space<hbm>>) dst(%dma_wait3A_88 : memref<128x128xf32, #tpu.memory_space<vmem>>)
    %dma_wait3A_95 = arith.constant 2 : i32
    %dma_wait3A_96 = arith.constant 2 : i32
    %dma_wait3A_97 = arith.constant 0 : i32
    %dma_wait3A_98 = arith.constant 0 : i32
    %dma_wait3A_99 = tpu.memref_slice %arg6[%dma_wait3A_96, %dma_wait3A_97, %dma_wait3A_98] : memref<6x128x128xf32, #tpu.memory_space<vmem>> -> memref<1x128x128xf32, #tpu.memory_space<vmem>>
    %dma_wait3A_100 = tpu.memref_squeeze %dma_wait3A_99 : memref<1x128x128xf32, #tpu.memory_space<vmem>> -> memref<128x128xf32, #tpu.memory_space<vmem>>
    %dma_wait3A_101 = arith.constant 0 : i32
    %dma_wait3A_102 = tpu.memref_slice %arg5[%dma_wait3A_95, %dma_wait3A_101] : memref<12x128xi32, #tpu.memory_space<vmem>> -> memref<1x128xi32, #tpu.memory_space<vmem>>
    %dma_wait3A_103 = tpu.memref_squeeze %dma_wait3A_102 : memref<1x128xi32, #tpu.memory_space<vmem>> -> memref<128xi32, #tpu.memory_space<vmem>>
    %dma_wait3A_104 = arith.constant 0 : i32
    %dma_wait3A_105 = arith.constant 0 : i32
    %dma_wait3A_106 = tpu.memref_slice %arg2[%dma_wait3A_104, %dma_wait3A_105] : memref<1000000x128xf32, #tpu.memory_space<hbm>> -> memref<1000000x128xf32, #tpu.memory_space<hbm>>
    tpu.wait_indirect_dma semaphore(%arg7 : memref<!tpu.dma_semaphore, #tpu.memory_space<semaphore_mem>>) src(%dma_wait3A_106 : memref<1000000x128xf32, #tpu.memory_space<hbm>>) dst(%dma_wait3A_100 : memref<128x128xf32, #tpu.memory_space<vmem>>)
    %dma_wait3A_107 = arith.constant 3 : i32
    %dma_wait3A_108 = arith.constant 3 : i32
    %dma_wait3A_109 = arith.constant 0 : i32
    %dma_wait3A_110 = arith.constant 0 : i32
    %dma_wait3A_111 = tpu.memref_slice %arg6[%dma_wait3A_108, %dma_wait3A_109, %dma_wait3A_110] : memref<6x128x128xf32, #tpu.memory_space<vmem>> -> memref<1x128x128xf32, #tpu.memory_space<vmem>>
    %dma_wait3A_112 = tpu.memref_squeeze %dma_wait3A_111 : memref<1x128x128xf32, #tpu.memory_space<vmem>> -> memref<128x128xf32, #tpu.memory_space<vmem>>
    %dma_wait3A_113 = arith.constant 0 : i32
    %dma_wait3A_114 = tpu.memref_slice %arg5[%dma_wait3A_107, %dma_wait3A_113] : memref<12x128xi32, #tpu.memory_space<vmem>> -> memref<1x128xi32, #tpu.memory_space<vmem>>
    %dma_wait3A_115 = tpu.memref_squeeze %dma_wait3A_114 : memref<1x128xi32, #tpu.memory_space<vmem>> -> memref<128xi32, #tpu.memory_space<vmem>>
    %dma_wait3A_116 = arith.constant 0 : i32
    %dma_wait3A_117 = arith.constant 0 : i32
    %dma_wait3A_118 = tpu.memref_slice %arg2[%dma_wait3A_116, %dma_wait3A_117] : memref<1000000x128xf32, #tpu.memory_space<hbm>> -> memref<1000000x128xf32, #tpu.memory_space<hbm>>
    tpu.wait_indirect_dma semaphore(%arg7 : memref<!tpu.dma_semaphore, #tpu.memory_space<semaphore_mem>>) src(%dma_wait3A_118 : memref<1000000x128xf32, #tpu.memory_space<hbm>>) dst(%dma_wait3A_112 : memref<128x128xf32, #tpu.memory_space<vmem>>)
    %dma_wait3A_119 = arith.constant 4 : i32
    %dma_wait3A_120 = arith.constant 4 : i32
    %dma_wait3A_121 = arith.constant 0 : i32
    %dma_wait3A_122 = arith.constant 0 : i32
    %dma_wait3A_123 = tpu.memref_slice %arg6[%dma_wait3A_120, %dma_wait3A_121, %dma_wait3A_122] : memref<6x128x128xf32, #tpu.memory_space<vmem>> -> memref<1x128x128xf32, #tpu.memory_space<vmem>>
    %dma_wait3A_124 = tpu.memref_squeeze %dma_wait3A_123 : memref<1x128x128xf32, #tpu.memory_space<vmem>> -> memref<128x128xf32, #tpu.memory_space<vmem>>
    %dma_wait3A_125 = arith.constant 0 : i32
    %dma_wait3A_126 = tpu.memref_slice %arg5[%dma_wait3A_119, %dma_wait3A_125] : memref<12x128xi32, #tpu.memory_space<vmem>> -> memref<1x128xi32, #tpu.memory_space<vmem>>
    %dma_wait3A_127 = tpu.memref_squeeze %dma_wait3A_126 : memref<1x128xi32, #tpu.memory_space<vmem>> -> memref<128xi32, #tpu.memory_space<vmem>>
    %dma_wait3A_128 = arith.constant 0 : i32
    %dma_wait3A_129 = arith.constant 0 : i32
    %dma_wait3A_130 = tpu.memref_slice %arg2[%dma_wait3A_128, %dma_wait3A_129] : memref<1000000x128xf32, #tpu.memory_space<hbm>> -> memref<1000000x128xf32, #tpu.memory_space<hbm>>
    tpu.wait_indirect_dma semaphore(%arg7 : memref<!tpu.dma_semaphore, #tpu.memory_space<semaphore_mem>>) src(%dma_wait3A_130 : memref<1000000x128xf32, #tpu.memory_space<hbm>>) dst(%dma_wait3A_124 : memref<128x128xf32, #tpu.memory_space<vmem>>)
    %dma_wait3A_131 = arith.constant 5 : i32
    %dma_wait3A_132 = arith.constant 5 : i32
    %dma_wait3A_133 = arith.constant 0 : i32
    %dma_wait3A_134 = arith.constant 0 : i32
    %dma_wait3A_135 = tpu.memref_slice %arg6[%dma_wait3A_132, %dma_wait3A_133, %dma_wait3A_134] : memref<6x128x128xf32, #tpu.memory_space<vmem>> -> memref<1x128x128xf32, #tpu.memory_space<vmem>>
    %dma_wait3A_136 = tpu.memref_squeeze %dma_wait3A_135 : memref<1x128x128xf32, #tpu.memory_space<vmem>> -> memref<128x128xf32, #tpu.memory_space<vmem>>
    %dma_wait3A_137 = arith.constant 0 : i32
    %dma_wait3A_138 = tpu.memref_slice %arg5[%dma_wait3A_131, %dma_wait3A_137] : memref<12x128xi32, #tpu.memory_space<vmem>> -> memref<1x128xi32, #tpu.memory_space<vmem>>
    %dma_wait3A_139 = tpu.memref_squeeze %dma_wait3A_138 : memref<1x128xi32, #tpu.memory_space<vmem>> -> memref<128xi32, #tpu.memory_space<vmem>>
    %dma_wait3A_140 = arith.constant 0 : i32
    %dma_wait3A_141 = arith.constant 0 : i32
    %dma_wait3A_142 = tpu.memref_slice %arg2[%dma_wait3A_140, %dma_wait3A_141] : memref<1000000x128xf32, #tpu.memory_space<hbm>> -> memref<1000000x128xf32, #tpu.memory_space<hbm>>
    tpu.wait_indirect_dma semaphore(%arg7 : memref<!tpu.dma_semaphore, #tpu.memory_space<semaphore_mem>>) src(%dma_wait3A_142 : memref<1000000x128xf32, #tpu.memory_space<hbm>>) dst(%dma_wait3A_136 : memref<128x128xf32, #tpu.memory_space<vmem>>)
    "tpu.region"() ({
      %run_scoped3A = tpu.sem_alloc : memref<!tpu.dma_semaphore, #tpu.memory_space<semaphore_mem>>
      %dma_start3A_287 = arith.constant 0 : i32
      %dma_start3A_288 = arith.constant 0 : i32
      %dma_start3A_289 = arith.constant 0 : i32
      %dma_start3A_290 = tpu.memref_slice %arg4[%add3A, %dma_start3A_287, %dma_start3A_288, %dma_start3A_289] : memref<32x12x128x128xf32, #tpu.memory_space<hbm>> -> memref<1x6x128x128xf32, #tpu.memory_space<hbm>>
      %dma_start3A_291 = tpu.memref_squeeze %dma_start3A_290 : memref<1x6x128x128xf32, #tpu.memory_space<hbm>> -> memref<6x128x128xf32, #tpu.memory_space<hbm>>
      %dma_start3A_292 = arith.constant 0 : i32
      %dma_start3A_293 = arith.constant 0 : i32
      %dma_start3A_294 = arith.constant 0 : i32
      %dma_start3A_295 = tpu.memref_slice %arg4[%add3A, %dma_start3A_292, %dma_start3A_293, %dma_start3A_294] : memref<32x12x128x128xf32, #tpu.memory_space<hbm>> -> memref<1x6x128x128xf32, #tpu.memory_space<hbm>>
      %dma_start3A_296 = tpu.memref_squeeze %dma_start3A_295 : memref<1x6x128x128xf32, #tpu.memory_space<hbm>> -> memref<6x128x128xf32, #tpu.memory_space<hbm>>
      tpu.enqueue_dma source(%arg6 : memref<6x128x128xf32, #tpu.memory_space<vmem>>) target(%dma_start3A_296 : memref<6x128x128xf32, #tpu.memory_space<hbm>>) target_semaphore(%run_scoped3A : memref<!tpu.dma_semaphore, #tpu.memory_space<semaphore_mem>>)
      %dma_wait3A_297 = arith.constant 0 : i32
      %dma_wait3A_298 = arith.constant 0 : i32
      %dma_wait3A_299 = arith.constant 0 : i32
      %dma_wait3A_300 = tpu.memref_slice %arg4[%add3A, %dma_wait3A_297, %dma_wait3A_298, %dma_wait3A_299] : memref<32x12x128x128xf32, #tpu.memory_space<hbm>> -> memref<1x6x128x128xf32, #tpu.memory_space<hbm>>
      %dma_wait3A_301 = tpu.memref_squeeze %dma_wait3A_300 : memref<1x6x128x128xf32, #tpu.memory_space<hbm>> -> memref<6x128x128xf32, #tpu.memory_space<hbm>>
      %dma_wait3A_302 = arith.constant 0 : i32
      %dma_wait3A_303 = arith.constant 0 : i32
      %dma_wait3A_304 = arith.constant 0 : i32
      %dma_wait3A_305 = tpu.memref_slice %arg4[%add3A, %dma_wait3A_302, %dma_wait3A_303, %dma_wait3A_304] : memref<32x12x128x128xf32, #tpu.memory_space<hbm>> -> memref<1x6x128x128xf32, #tpu.memory_space<hbm>>
      %dma_wait3A_306 = tpu.memref_squeeze %dma_wait3A_305 : memref<1x6x128x128xf32, #tpu.memory_space<hbm>> -> memref<6x128x128xf32, #tpu.memory_space<hbm>>
      tpu.wait_dma2 semaphore(%run_scoped3A : memref<!tpu.dma_semaphore, #tpu.memory_space<semaphore_mem>>) src(%arg6 : memref<6x128x128xf32, #tpu.memory_space<vmem>>) dst(%dma_wait3A_306 : memref<6x128x128xf32, #tpu.memory_space<hbm>>)
      tpu.yield
    }) : () -> ()
    %dma_start3A_143 = arith.constant 6 : i32
    %dma_start3A_144 = arith.constant 0 : i32
    %dma_start3A_145 = arith.constant 0 : i32
    %dma_start3A_146 = arith.constant 0 : i32
    %dma_start3A_147 = tpu.memref_slice %arg6[%dma_start3A_144, %dma_start3A_145, %dma_start3A_146] : memref<6x128x128xf32, #tpu.memory_space<vmem>> -> memref<1x128x128xf32, #tpu.memory_space<vmem>>
    %dma_start3A_148 = tpu.memref_squeeze %dma_start3A_147 : memref<1x128x128xf32, #tpu.memory_space<vmem>> -> memref<128x128xf32, #tpu.memory_space<vmem>>
    %dma_start3A_149 = arith.constant 0 : i32
    %dma_start3A_150 = tpu.memref_slice %arg5[%dma_start3A_143, %dma_start3A_149] : memref<12x128xi32, #tpu.memory_space<vmem>> -> memref<1x128xi32, #tpu.memory_space<vmem>>
    %dma_start3A_151 = tpu.memref_squeeze %dma_start3A_150 : memref<1x128xi32, #tpu.memory_space<vmem>> -> memref<128xi32, #tpu.memory_space<vmem>>
    %dma_start3A_152 = arith.constant 0 : i32
    %dma_start3A_153 = arith.constant 0 : i32
    %dma_start3A_154 = tpu.memref_slice %arg2[%dma_start3A_152, %dma_start3A_153] : memref<1000000x128xf32, #tpu.memory_space<hbm>> -> memref<1000000x128xf32, #tpu.memory_space<hbm>>
    tpu.enqueue_indirect_dma source(%dma_start3A_154 : memref<1000000x128xf32, #tpu.memory_space<hbm>>) target(%dma_start3A_148 : memref<128x128xf32, #tpu.memory_space<vmem>>) offsets(%dma_start3A_151 : memref<128xi32, #tpu.memory_space<vmem>>) semaphore(%arg7 : memref<!tpu.dma_semaphore, #tpu.memory_space<semaphore_mem>>)
    %dma_start3A_155 = arith.constant 7 : i32
    %dma_start3A_156 = arith.constant 1 : i32
    %dma_start3A_157 = arith.constant 0 : i32
    %dma_start3A_158 = arith.constant 0 : i32
    %dma_start3A_159 = tpu.memref_slice %arg6[%dma_start3A_156, %dma_start3A_157, %dma_start3A_158] : memref<6x128x128xf32, #tpu.memory_space<vmem>> -> memref<1x128x128xf32, #tpu.memory_space<vmem>>
    %dma_start3A_160 = tpu.memref_squeeze %dma_start3A_159 : memref<1x128x128xf32, #tpu.memory_space<vmem>> -> memref<128x128xf32, #tpu.memory_space<vmem>>
    %dma_start3A_161 = arith.constant 0 : i32
    %dma_start3A_162 = tpu.memref_slice %arg5[%dma_start3A_155, %dma_start3A_161] : memref<12x128xi32, #tpu.memory_space<vmem>> -> memref<1x128xi32, #tpu.memory_space<vmem>>
    %dma_start3A_163 = tpu.memref_squeeze %dma_start3A_162 : memref<1x128xi32, #tpu.memory_space<vmem>> -> memref<128xi32, #tpu.memory_space<vmem>>
    %dma_start3A_164 = arith.constant 0 : i32
    %dma_start3A_165 = arith.constant 0 : i32
    %dma_start3A_166 = tpu.memref_slice %arg2[%dma_start3A_164, %dma_start3A_165] : memref<1000000x128xf32, #tpu.memory_space<hbm>> -> memref<1000000x128xf32, #tpu.memory_space<hbm>>
    tpu.enqueue_indirect_dma source(%dma_start3A_166 : memref<1000000x128xf32, #tpu.memory_space<hbm>>) target(%dma_start3A_160 : memref<128x128xf32, #tpu.memory_space<vmem>>) offsets(%dma_start3A_163 : memref<128xi32, #tpu.memory_space<vmem>>) semaphore(%arg7 : memref<!tpu.dma_semaphore, #tpu.memory_space<semaphore_mem>>)
    %dma_start3A_167 = arith.constant 8 : i32
    %dma_start3A_168 = arith.constant 2 : i32
    %dma_start3A_169 = arith.constant 0 : i32
    %dma_start3A_170 = arith.constant 0 : i32
    %dma_start3A_171 = tpu.memref_slice %arg6[%dma_start3A_168, %dma_start3A_169, %dma_start3A_170] : memref<6x128x128xf32, #tpu.memory_space<vmem>> -> memref<1x128x128xf32, #tpu.memory_space<vmem>>
    %dma_start3A_172 = tpu.memref_squeeze %dma_start3A_171 : memref<1x128x128xf32, #tpu.memory_space<vmem>> -> memref<128x128xf32, #tpu.memory_space<vmem>>
    %dma_start3A_173 = arith.constant 0 : i32
    %dma_start3A_174 = tpu.memref_slice %arg5[%dma_start3A_167, %dma_start3A_173] : memref<12x128xi32, #tpu.memory_space<vmem>> -> memref<1x128xi32, #tpu.memory_space<vmem>>
    %dma_start3A_175 = tpu.memref_squeeze %dma_start3A_174 : memref<1x128xi32, #tpu.memory_space<vmem>> -> memref<128xi32, #tpu.memory_space<vmem>>
    %dma_start3A_176 = arith.constant 0 : i32
    %dma_start3A_177 = arith.constant 0 : i32
    %dma_start3A_178 = tpu.memref_slice %arg2[%dma_start3A_176, %dma_start3A_177] : memref<1000000x128xf32, #tpu.memory_space<hbm>> -> memref<1000000x128xf32, #tpu.memory_space<hbm>>
    tpu.enqueue_indirect_dma source(%dma_start3A_178 : memref<1000000x128xf32, #tpu.memory_space<hbm>>) target(%dma_start3A_172 : memref<128x128xf32, #tpu.memory_space<vmem>>) offsets(%dma_start3A_175 : memref<128xi32, #tpu.memory_space<vmem>>) semaphore(%arg7 : memref<!tpu.dma_semaphore, #tpu.memory_space<semaphore_mem>>)
    %dma_start3A_179 = arith.constant 9 : i32
    %dma_start3A_180 = arith.constant 3 : i32
    %dma_start3A_181 = arith.constant 0 : i32
    %dma_start3A_182 = arith.constant 0 : i32
    %dma_start3A_183 = tpu.memref_slice %arg6[%dma_start3A_180, %dma_start3A_181, %dma_start3A_182] : memref<6x128x128xf32, #tpu.memory_space<vmem>> -> memref<1x128x128xf32, #tpu.memory_space<vmem>>
    %dma_start3A_184 = tpu.memref_squeeze %dma_start3A_183 : memref<1x128x128xf32, #tpu.memory_space<vmem>> -> memref<128x128xf32, #tpu.memory_space<vmem>>
    %dma_start3A_185 = arith.constant 0 : i32
    %dma_start3A_186 = tpu.memref_slice %arg5[%dma_start3A_179, %dma_start3A_185] : memref<12x128xi32, #tpu.memory_space<vmem>> -> memref<1x128xi32, #tpu.memory_space<vmem>>
    %dma_start3A_187 = tpu.memref_squeeze %dma_start3A_186 : memref<1x128xi32, #tpu.memory_space<vmem>> -> memref<128xi32, #tpu.memory_space<vmem>>
    %dma_start3A_188 = arith.constant 0 : i32
    %dma_start3A_189 = arith.constant 0 : i32
    %dma_start3A_190 = tpu.memref_slice %arg2[%dma_start3A_188, %dma_start3A_189] : memref<1000000x128xf32, #tpu.memory_space<hbm>> -> memref<1000000x128xf32, #tpu.memory_space<hbm>>
    tpu.enqueue_indirect_dma source(%dma_start3A_190 : memref<1000000x128xf32, #tpu.memory_space<hbm>>) target(%dma_start3A_184 : memref<128x128xf32, #tpu.memory_space<vmem>>) offsets(%dma_start3A_187 : memref<128xi32, #tpu.memory_space<vmem>>) semaphore(%arg7 : memref<!tpu.dma_semaphore, #tpu.memory_space<semaphore_mem>>)
    %dma_start3A_191 = arith.constant 10 : i32
    %dma_start3A_192 = arith.constant 4 : i32
    %dma_start3A_193 = arith.constant 0 : i32
    %dma_start3A_194 = arith.constant 0 : i32
    %dma_start3A_195 = tpu.memref_slice %arg6[%dma_start3A_192, %dma_start3A_193, %dma_start3A_194] : memref<6x128x128xf32, #tpu.memory_space<vmem>> -> memref<1x128x128xf32, #tpu.memory_space<vmem>>
    %dma_start3A_196 = tpu.memref_squeeze %dma_start3A_195 : memref<1x128x128xf32, #tpu.memory_space<vmem>> -> memref<128x128xf32, #tpu.memory_space<vmem>>
    %dma_start3A_197 = arith.constant 0 : i32
    %dma_start3A_198 = tpu.memref_slice %arg5[%dma_start3A_191, %dma_start3A_197] : memref<12x128xi32, #tpu.memory_space<vmem>> -> memref<1x128xi32, #tpu.memory_space<vmem>>
    %dma_start3A_199 = tpu.memref_squeeze %dma_start3A_198 : memref<1x128xi32, #tpu.memory_space<vmem>> -> memref<128xi32, #tpu.memory_space<vmem>>
    %dma_start3A_200 = arith.constant 0 : i32
    %dma_start3A_201 = arith.constant 0 : i32
    %dma_start3A_202 = tpu.memref_slice %arg2[%dma_start3A_200, %dma_start3A_201] : memref<1000000x128xf32, #tpu.memory_space<hbm>> -> memref<1000000x128xf32, #tpu.memory_space<hbm>>
    tpu.enqueue_indirect_dma source(%dma_start3A_202 : memref<1000000x128xf32, #tpu.memory_space<hbm>>) target(%dma_start3A_196 : memref<128x128xf32, #tpu.memory_space<vmem>>) offsets(%dma_start3A_199 : memref<128xi32, #tpu.memory_space<vmem>>) semaphore(%arg7 : memref<!tpu.dma_semaphore, #tpu.memory_space<semaphore_mem>>)
    %dma_start3A_203 = arith.constant 11 : i32
    %dma_start3A_204 = arith.constant 5 : i32
    %dma_start3A_205 = arith.constant 0 : i32
    %dma_start3A_206 = arith.constant 0 : i32
    %dma_start3A_207 = tpu.memref_slice %arg6[%dma_start3A_204, %dma_start3A_205, %dma_start3A_206] : memref<6x128x128xf32, #tpu.memory_space<vmem>> -> memref<1x128x128xf32, #tpu.memory_space<vmem>>
    %dma_start3A_208 = tpu.memref_squeeze %dma_start3A_207 : memref<1x128x128xf32, #tpu.memory_space<vmem>> -> memref<128x128xf32, #tpu.memory_space<vmem>>
    %dma_start3A_209 = arith.constant 0 : i32
    %dma_start3A_210 = tpu.memref_slice %arg5[%dma_start3A_203, %dma_start3A_209] : memref<12x128xi32, #tpu.memory_space<vmem>> -> memref<1x128xi32, #tpu.memory_space<vmem>>
    %dma_start3A_211 = tpu.memref_squeeze %dma_start3A_210 : memref<1x128xi32, #tpu.memory_space<vmem>> -> memref<128xi32, #tpu.memory_space<vmem>>
    %dma_start3A_212 = arith.constant 0 : i32
    %dma_start3A_213 = arith.constant 0 : i32
    %dma_start3A_214 = tpu.memref_slice %arg2[%dma_start3A_212, %dma_start3A_213] : memref<1000000x128xf32, #tpu.memory_space<hbm>> -> memref<1000000x128xf32, #tpu.memory_space<hbm>>
    tpu.enqueue_indirect_dma source(%dma_start3A_214 : memref<1000000x128xf32, #tpu.memory_space<hbm>>) target(%dma_start3A_208 : memref<128x128xf32, #tpu.memory_space<vmem>>) offsets(%dma_start3A_211 : memref<128xi32, #tpu.memory_space<vmem>>) semaphore(%arg7 : memref<!tpu.dma_semaphore, #tpu.memory_space<semaphore_mem>>)
    %dma_wait3A_215 = arith.constant 6 : i32
    %dma_wait3A_216 = arith.constant 0 : i32
    %dma_wait3A_217 = arith.constant 0 : i32
    %dma_wait3A_218 = arith.constant 0 : i32
    %dma_wait3A_219 = tpu.memref_slice %arg6[%dma_wait3A_216, %dma_wait3A_217, %dma_wait3A_218] : memref<6x128x128xf32, #tpu.memory_space<vmem>> -> memref<1x128x128xf32, #tpu.memory_space<vmem>>
    %dma_wait3A_220 = tpu.memref_squeeze %dma_wait3A_219 : memref<1x128x128xf32, #tpu.memory_space<vmem>> -> memref<128x128xf32, #tpu.memory_space<vmem>>
    %dma_wait3A_221 = arith.constant 0 : i32
    %dma_wait3A_222 = tpu.memref_slice %arg5[%dma_wait3A_215, %dma_wait3A_221] : memref<12x128xi32, #tpu.memory_space<vmem>> -> memref<1x128xi32, #tpu.memory_space<vmem>>
    %dma_wait3A_223 = tpu.memref_squeeze %dma_wait3A_222 : memref<1x128xi32, #tpu.memory_space<vmem>> -> memref<128xi32, #tpu.memory_space<vmem>>
    %dma_wait3A_224 = arith.constant 0 : i32
    %dma_wait3A_225 = arith.constant 0 : i32
    %dma_wait3A_226 = tpu.memref_slice %arg2[%dma_wait3A_224, %dma_wait3A_225] : memref<1000000x128xf32, #tpu.memory_space<hbm>> -> memref<1000000x128xf32, #tpu.memory_space<hbm>>
    tpu.wait_indirect_dma semaphore(%arg7 : memref<!tpu.dma_semaphore, #tpu.memory_space<semaphore_mem>>) src(%dma_wait3A_226 : memref<1000000x128xf32, #tpu.memory_space<hbm>>) dst(%dma_wait3A_220 : memref<128x128xf32, #tpu.memory_space<vmem>>)
    %dma_wait3A_227 = arith.constant 7 : i32
    %dma_wait3A_228 = arith.constant 1 : i32
    %dma_wait3A_229 = arith.constant 0 : i32
    %dma_wait3A_230 = arith.constant 0 : i32
    %dma_wait3A_231 = tpu.memref_slice %arg6[%dma_wait3A_228, %dma_wait3A_229, %dma_wait3A_230] : memref<6x128x128xf32, #tpu.memory_space<vmem>> -> memref<1x128x128xf32, #tpu.memory_space<vmem>>
    %dma_wait3A_232 = tpu.memref_squeeze %dma_wait3A_231 : memref<1x128x128xf32, #tpu.memory_space<vmem>> -> memref<128x128xf32, #tpu.memory_space<vmem>>
    %dma_wait3A_233 = arith.constant 0 : i32
    %dma_wait3A_234 = tpu.memref_slice %arg5[%dma_wait3A_227, %dma_wait3A_233] : memref<12x128xi32, #tpu.memory_space<vmem>> -> memref<1x128xi32, #tpu.memory_space<vmem>>
    %dma_wait3A_235 = tpu.memref_squeeze %dma_wait3A_234 : memref<1x128xi32, #tpu.memory_space<vmem>> -> memref<128xi32, #tpu.memory_space<vmem>>
    %dma_wait3A_236 = arith.constant 0 : i32
    %dma_wait3A_237 = arith.constant 0 : i32
    %dma_wait3A_238 = tpu.memref_slice %arg2[%dma_wait3A_236, %dma_wait3A_237] : memref<1000000x128xf32, #tpu.memory_space<hbm>> -> memref<1000000x128xf32, #tpu.memory_space<hbm>>
    tpu.wait_indirect_dma semaphore(%arg7 : memref<!tpu.dma_semaphore, #tpu.memory_space<semaphore_mem>>) src(%dma_wait3A_238 : memref<1000000x128xf32, #tpu.memory_space<hbm>>) dst(%dma_wait3A_232 : memref<128x128xf32, #tpu.memory_space<vmem>>)
    %dma_wait3A_239 = arith.constant 8 : i32
    %dma_wait3A_240 = arith.constant 2 : i32
    %dma_wait3A_241 = arith.constant 0 : i32
    %dma_wait3A_242 = arith.constant 0 : i32
    %dma_wait3A_243 = tpu.memref_slice %arg6[%dma_wait3A_240, %dma_wait3A_241, %dma_wait3A_242] : memref<6x128x128xf32, #tpu.memory_space<vmem>> -> memref<1x128x128xf32, #tpu.memory_space<vmem>>
    %dma_wait3A_244 = tpu.memref_squeeze %dma_wait3A_243 : memref<1x128x128xf32, #tpu.memory_space<vmem>> -> memref<128x128xf32, #tpu.memory_space<vmem>>
    %dma_wait3A_245 = arith.constant 0 : i32
    %dma_wait3A_246 = tpu.memref_slice %arg5[%dma_wait3A_239, %dma_wait3A_245] : memref<12x128xi32, #tpu.memory_space<vmem>> -> memref<1x128xi32, #tpu.memory_space<vmem>>
    %dma_wait3A_247 = tpu.memref_squeeze %dma_wait3A_246 : memref<1x128xi32, #tpu.memory_space<vmem>> -> memref<128xi32, #tpu.memory_space<vmem>>
    %dma_wait3A_248 = arith.constant 0 : i32
    %dma_wait3A_249 = arith.constant 0 : i32
    %dma_wait3A_250 = tpu.memref_slice %arg2[%dma_wait3A_248, %dma_wait3A_249] : memref<1000000x128xf32, #tpu.memory_space<hbm>> -> memref<1000000x128xf32, #tpu.memory_space<hbm>>
    tpu.wait_indirect_dma semaphore(%arg7 : memref<!tpu.dma_semaphore, #tpu.memory_space<semaphore_mem>>) src(%dma_wait3A_250 : memref<1000000x128xf32, #tpu.memory_space<hbm>>) dst(%dma_wait3A_244 : memref<128x128xf32, #tpu.memory_space<vmem>>)
    %dma_wait3A_251 = arith.constant 9 : i32
    %dma_wait3A_252 = arith.constant 3 : i32
    %dma_wait3A_253 = arith.constant 0 : i32
    %dma_wait3A_254 = arith.constant 0 : i32
    %dma_wait3A_255 = tpu.memref_slice %arg6[%dma_wait3A_252, %dma_wait3A_253, %dma_wait3A_254] : memref<6x128x128xf32, #tpu.memory_space<vmem>> -> memref<1x128x128xf32, #tpu.memory_space<vmem>>
    %dma_wait3A_256 = tpu.memref_squeeze %dma_wait3A_255 : memref<1x128x128xf32, #tpu.memory_space<vmem>> -> memref<128x128xf32, #tpu.memory_space<vmem>>
    %dma_wait3A_257 = arith.constant 0 : i32
    %dma_wait3A_258 = tpu.memref_slice %arg5[%dma_wait3A_251, %dma_wait3A_257] : memref<12x128xi32, #tpu.memory_space<vmem>> -> memref<1x128xi32, #tpu.memory_space<vmem>>
    %dma_wait3A_259 = tpu.memref_squeeze %dma_wait3A_258 : memref<1x128xi32, #tpu.memory_space<vmem>> -> memref<128xi32, #tpu.memory_space<vmem>>
    %dma_wait3A_260 = arith.constant 0 : i32
    %dma_wait3A_261 = arith.constant 0 : i32
    %dma_wait3A_262 = tpu.memref_slice %arg2[%dma_wait3A_260, %dma_wait3A_261] : memref<1000000x128xf32, #tpu.memory_space<hbm>> -> memref<1000000x128xf32, #tpu.memory_space<hbm>>
    tpu.wait_indirect_dma semaphore(%arg7 : memref<!tpu.dma_semaphore, #tpu.memory_space<semaphore_mem>>) src(%dma_wait3A_262 : memref<1000000x128xf32, #tpu.memory_space<hbm>>) dst(%dma_wait3A_256 : memref<128x128xf32, #tpu.memory_space<vmem>>)
    %dma_wait3A_263 = arith.constant 10 : i32
    %dma_wait3A_264 = arith.constant 4 : i32
    %dma_wait3A_265 = arith.constant 0 : i32
    %dma_wait3A_266 = arith.constant 0 : i32
    %dma_wait3A_267 = tpu.memref_slice %arg6[%dma_wait3A_264, %dma_wait3A_265, %dma_wait3A_266] : memref<6x128x128xf32, #tpu.memory_space<vmem>> -> memref<1x128x128xf32, #tpu.memory_space<vmem>>
    %dma_wait3A_268 = tpu.memref_squeeze %dma_wait3A_267 : memref<1x128x128xf32, #tpu.memory_space<vmem>> -> memref<128x128xf32, #tpu.memory_space<vmem>>
    %dma_wait3A_269 = arith.constant 0 : i32
    %dma_wait3A_270 = tpu.memref_slice %arg5[%dma_wait3A_263, %dma_wait3A_269] : memref<12x128xi32, #tpu.memory_space<vmem>> -> memref<1x128xi32, #tpu.memory_space<vmem>>
    %dma_wait3A_271 = tpu.memref_squeeze %dma_wait3A_270 : memref<1x128xi32, #tpu.memory_space<vmem>> -> memref<128xi32, #tpu.memory_space<vmem>>
    %dma_wait3A_272 = arith.constant 0 : i32
    %dma_wait3A_273 = arith.constant 0 : i32
    %dma_wait3A_274 = tpu.memref_slice %arg2[%dma_wait3A_272, %dma_wait3A_273] : memref<1000000x128xf32, #tpu.memory_space<hbm>> -> memref<1000000x128xf32, #tpu.memory_space<hbm>>
    tpu.wait_indirect_dma semaphore(%arg7 : memref<!tpu.dma_semaphore, #tpu.memory_space<semaphore_mem>>) src(%dma_wait3A_274 : memref<1000000x128xf32, #tpu.memory_space<hbm>>) dst(%dma_wait3A_268 : memref<128x128xf32, #tpu.memory_space<vmem>>)
    %dma_wait3A_275 = arith.constant 11 : i32
    %dma_wait3A_276 = arith.constant 5 : i32
    %dma_wait3A_277 = arith.constant 0 : i32
    %dma_wait3A_278 = arith.constant 0 : i32
    %dma_wait3A_279 = tpu.memref_slice %arg6[%dma_wait3A_276, %dma_wait3A_277, %dma_wait3A_278] : memref<6x128x128xf32, #tpu.memory_space<vmem>> -> memref<1x128x128xf32, #tpu.memory_space<vmem>>
    %dma_wait3A_280 = tpu.memref_squeeze %dma_wait3A_279 : memref<1x128x128xf32, #tpu.memory_space<vmem>> -> memref<128x128xf32, #tpu.memory_space<vmem>>
    %dma_wait3A_281 = arith.constant 0 : i32
    %dma_wait3A_282 = tpu.memref_slice %arg5[%dma_wait3A_275, %dma_wait3A_281] : memref<12x128xi32, #tpu.memory_space<vmem>> -> memref<1x128xi32, #tpu.memory_space<vmem>>
    %dma_wait3A_283 = tpu.memref_squeeze %dma_wait3A_282 : memref<1x128xi32, #tpu.memory_space<vmem>> -> memref<128xi32, #tpu.memory_space<vmem>>
    %dma_wait3A_284 = arith.constant 0 : i32
    %dma_wait3A_285 = arith.constant 0 : i32
    %dma_wait3A_286 = tpu.memref_slice %arg2[%dma_wait3A_284, %dma_wait3A_285] : memref<1000000x128xf32, #tpu.memory_space<hbm>> -> memref<1000000x128xf32, #tpu.memory_space<hbm>>
    tpu.wait_indirect_dma semaphore(%arg7 : memref<!tpu.dma_semaphore, #tpu.memory_space<semaphore_mem>>) src(%dma_wait3A_286 : memref<1000000x128xf32, #tpu.memory_space<hbm>>) dst(%dma_wait3A_280 : memref<128x128xf32, #tpu.memory_space<vmem>>)
    "tpu.region"() ({
      %run_scoped3A = tpu.sem_alloc : memref<!tpu.dma_semaphore, #tpu.memory_space<semaphore_mem>>
      %dma_start3A_287 = arith.constant 6 : i32
      %dma_start3A_288 = arith.constant 0 : i32
      %dma_start3A_289 = arith.constant 0 : i32
      %dma_start3A_290 = tpu.memref_slice %arg4[%add3A, %dma_start3A_287, %dma_start3A_288, %dma_start3A_289] : memref<32x12x128x128xf32, #tpu.memory_space<hbm>> -> memref<1x6x128x128xf32, #tpu.memory_space<hbm>>
      %dma_start3A_291 = tpu.memref_squeeze %dma_start3A_290 : memref<1x6x128x128xf32, #tpu.memory_space<hbm>> -> memref<6x128x128xf32, #tpu.memory_space<hbm>>
      %dma_start3A_292 = arith.constant 6 : i32
      %dma_start3A_293 = arith.constant 0 : i32
      %dma_start3A_294 = arith.constant 0 : i32
      %dma_start3A_295 = tpu.memref_slice %arg4[%add3A, %dma_start3A_292, %dma_start3A_293, %dma_start3A_294] : memref<32x12x128x128xf32, #tpu.memory_space<hbm>> -> memref<1x6x128x128xf32, #tpu.memory_space<hbm>>
      %dma_start3A_296 = tpu.memref_squeeze %dma_start3A_295 : memref<1x6x128x128xf32, #tpu.memory_space<hbm>> -> memref<6x128x128xf32, #tpu.memory_space<hbm>>
      tpu.enqueue_dma source(%arg6 : memref<6x128x128xf32, #tpu.memory_space<vmem>>) target(%dma_start3A_296 : memref<6x128x128xf32, #tpu.memory_space<hbm>>) target_semaphore(%run_scoped3A : memref<!tpu.dma_semaphore, #tpu.memory_space<semaphore_mem>>)
      %dma_wait3A_297 = arith.constant 6 : i32
      %dma_wait3A_298 = arith.constant 0 : i32
      %dma_wait3A_299 = arith.constant 0 : i32
      %dma_wait3A_300 = tpu.memref_slice %arg4[%add3A, %dma_wait3A_297, %dma_wait3A_298, %dma_wait3A_299] : memref<32x12x128x128xf32, #tpu.memory_space<hbm>> -> memref<1x6x128x128xf32, #tpu.memory_space<hbm>>
      %dma_wait3A_301 = tpu.memref_squeeze %dma_wait3A_300 : memref<1x6x128x128xf32, #tpu.memory_space<hbm>> -> memref<6x128x128xf32, #tpu.memory_space<hbm>>
      %dma_wait3A_302 = arith.constant 6 : i32
      %dma_wait3A_303 = arith.constant 0 : i32
      %dma_wait3A_304 = arith.constant 0 : i32
      %dma_wait3A_305 = tpu.memref_slice %arg4[%add3A, %dma_wait3A_302, %dma_wait3A_303, %dma_wait3A_304] : memref<32x12x128x128xf32, #tpu.memory_space<hbm>> -> memref<1x6x128x128xf32, #tpu.memory_space<hbm>>
      %dma_wait3A_306 = tpu.memref_squeeze %dma_wait3A_305 : memref<1x6x128x128xf32, #tpu.memory_space<hbm>> -> memref<6x128x128xf32, #tpu.memory_space<hbm>>
      tpu.wait_dma2 semaphore(%run_scoped3A : memref<!tpu.dma_semaphore, #tpu.memory_space<semaphore_mem>>) src(%arg6 : memref<6x128x128xf32, #tpu.memory_space<vmem>>) dst(%dma_wait3A_306 : memref<6x128x128xf32, #tpu.memory_space<hbm>>)
      tpu.yield
    }) : () -> ()
    return
  }
}

#map = affine_map<(d0, d1) -> (0, 0)>
#map1 = affine_map<(d0, d1) -> (0, 0, 0)>
#map2 = affine_map<(d0, d1) -> (0, 0, 0, 0)>
module attributes {stable_mosaic.version = 14 : i64} {
  func.func @gather_kernel(%arg0: i32, %arg1: i32, %arg2: memref<1000000x128xf32, #tpu.memory_space<hbm>>, %arg3: memref<32x12x128xi32, #tpu.memory_space<hbm>>, %arg4: memref<32x12x128x128xf32, #tpu.memory_space<hbm>>, %arg5: memref<12x128xi32, #tpu.memory_space<vmem>>, %arg6: memref<6x128x128xf32, #tpu.memory_space<vmem>>, %arg7: memref<!tpu.dma_semaphore, #tpu.memory_space<semaphore_mem>>) attributes {dimension_semantics = [#tpu.dimension_semantics<core_parallel>, #tpu.dimension_semantics<subcore_parallel>], iteration_bounds = array<i64: 2, 16>, scalar_prefetch = 0 : i64, scratch_operands = 3 : i64, tpu.core_type = #tpu.core_type<sc_vector_subcore>, window_params = [{transform_indices = #map}, {transform_indices = #map1}, {transform_indices = #map2}]} {
    %mul3A = arith.constant 2 : i32
    %mul3A_0 = arith.muli %arg1, %mul3A : i32
    %add3A = arith.addi %mul3A_0, %arg0 : i32
    "tpu.region"() ({
      %run_scoped3A = tpu.sem_alloc : memref<!tpu.dma_semaphore, #tpu.memory_space<semaphore_mem>>
      %dma_start3A_287 = arith.constant 0 : i32
      %dma_start3A_288 = arith.constant 0 : i32
      %dma_start3A_289 = tpu.memref_slice %arg3[%add3A, %dma_start3A_287, %dma_start3A_288] : memref<32x12x128xi32, #tpu.memory_space<hbm>> -> memref<1x12x128xi32, #tpu.memory_space<hbm>>
      %dma_start3A_290 = tpu.memref_squeeze %dma_start3A_289 : memref<1x12x128xi32, #tpu.memory_space<hbm>> -> memref<12x128xi32, #tpu.memory_space<hbm>>
      %dma_start3A_291 = arith.constant 0 : i32
      %dma_start3A_292 = arith.constant 0 : i32
      %dma_start3A_293 = tpu.memref_slice %arg3[%add3A, %dma_start3A_291, %dma_start3A_292] : memref<32x12x128xi32, #tpu.memory_space<hbm>> -> memref<1x12x128xi32, #tpu.memory_space<hbm>>
      %dma_start3A_294 = tpu.memref_squeeze %dma_start3A_293 : memref<1x12x128xi32, #tpu.memory_space<hbm>> -> memref<12x128xi32, #tpu.memory_space<hbm>>
      tpu.enqueue_dma source(%dma_start3A_294 : memref<12x128xi32, #tpu.memory_space<hbm>>) target(%arg5 : memref<12x128xi32, #tpu.memory_space<vmem>>) target_semaphore(%run_scoped3A : memref<!tpu.dma_semaphore, #tpu.memory_space<semaphore_mem>>)
      %dma_wait3A_295 = arith.constant 0 : i32
      %dma_wait3A_296 = arith.constant 0 : i32
      %dma_wait3A_297 = tpu.memref_slice %arg3[%add3A, %dma_wait3A_295, %dma_wait3A_296] : memref<32x12x128xi32, #tpu.memory_space<hbm>> -> memref<1x12x128xi32, #tpu.memory_space<hbm>>
      %dma_wait3A_298 = tpu.memref_squeeze %dma_wait3A_297 : memref<1x12x128xi32, #tpu.memory_space<hbm>> -> memref<12x128xi32, #tpu.memory_space<hbm>>
      %dma_wait3A_299 = arith.constant 0 : i32
      %dma_wait3A_300 = arith.constant 0 : i32
      %dma_wait3A_301 = tpu.memref_slice %arg3[%add3A, %dma_wait3A_299, %dma_wait3A_300] : memref<32x12x128xi32, #tpu.memory_space<hbm>> -> memref<1x12x128xi32, #tpu.memory_space<hbm>>
      %dma_wait3A_302 = tpu.memref_squeeze %dma_wait3A_301 : memref<1x12x128xi32, #tpu.memory_space<hbm>> -> memref<12x128xi32, #tpu.memory_space<hbm>>
      tpu.wait_dma2 semaphore(%run_scoped3A : memref<!tpu.dma_semaphore, #tpu.memory_space<semaphore_mem>>) src(%dma_wait3A_302 : memref<12x128xi32, #tpu.memory_space<hbm>>) dst(%arg5 : memref<12x128xi32, #tpu.memory_space<vmem>>)
      tpu.yield
    }) : () -> ()
    %dma_start3A = arith.constant 0 : i32
    %dma_start3A_1 = arith.constant 0 : i32
    %dma_start3A_2 = arith.constant 0 : i32
    %dma_start3A_3 = arith.constant 0 : i32
    %dma_start3A_4 = tpu.memref_slice %arg6[%dma_start3A_1, %dma_start3A_2, %dma_start3A_3] : memref<6x128x128xf32, #tpu.memory_space<vmem>> -> memref<1x128x128xf32, #tpu.memory_space<vmem>>
    %dma_start3A_5 = tpu.memref_squeeze %dma_start3A_4 : memref<1x128x128xf32, #tpu.memory_space<vmem>> -> memref<128x128xf32, #tpu.memory_space<vmem>>
    %dma_start3A_6 = arith.constant 0 : i32
    %dma_start3A_7 = tpu.memref_slice %arg5[%dma_start3A, %dma_start3A_6] : memref<12x128xi32, #tpu.memory_space<vmem>> -> memref<1x128xi32, #tpu.memory_space<vmem>>
    %dma_start3A_8 = tpu.memref_squeeze %dma_start3A_7 : memref<1x128xi32, #tpu.memory_space<vmem>> -> memref<128xi32, #tpu.memory_space<vmem>>
    %dma_start3A_9 = arith.constant 0 : i32
    %dma_start3A_10 = arith.constant 0 : i32
    %dma_start3A_11 = tpu.memref_slice %arg2[%dma_start3A_9, %dma_start3A_10] : memref<1000000x128xf32, #tpu.memory_space<hbm>> -> memref<1000000x128xf32, #tpu.memory_space<hbm>>
    tpu.enqueue_indirect_dma source(%dma_start3A_11 : memref<1000000x128xf32, #tpu.memory_space<hbm>>) target(%dma_start3A_5 : memref<128x128xf32, #tpu.memory_space<vmem>>) offsets(%dma_start3A_8 : memref<128xi32, #tpu.memory_space<vmem>>) semaphore(%arg7 : memref<!tpu.dma_semaphore, #tpu.memory_space<semaphore_mem>>)
    %dma_start3A_12 = arith.constant 1 : i32
    %dma_start3A_13 = arith.constant 1 : i32
    %dma_start3A_14 = arith.constant 0 : i32
    %dma_start3A_15 = arith.constant 0 : i32
    %dma_start3A_16 = tpu.memref_slice %arg6[%dma_start3A_13, %dma_start3A_14, %dma_start3A_15] : memref<6x128x128xf32, #tpu.memory_space<vmem>> -> memref<1x128x128xf32, #tpu.memory_space<vmem>>
    %dma_start3A_17 = tpu.memref_squeeze %dma_start3A_16 : memref<1x128x128xf32, #tpu.memory_space<vmem>> -> memref<128x128xf32, #tpu.memory_space<vmem>>
    %dma_start3A_18 = arith.constant 0 : i32
    %dma_start3A_19 = tpu.memref_slice %arg5[%dma_start3A_12, %dma_start3A_18] : memref<12x128xi32, #tpu.memory_space<vmem>> -> memref<1x128xi32, #tpu.memory_space<vmem>>
    %dma_start3A_20 = tpu.memref_squeeze %dma_start3A_19 : memref<1x128xi32, #tpu.memory_space<vmem>> -> memref<128xi32, #tpu.memory_space<vmem>>
    %dma_start3A_21 = arith.constant 0 : i32
    %dma_start3A_22 = arith.constant 0 : i32
    %dma_start3A_23 = tpu.memref_slice %arg2[%dma_start3A_21, %dma_start3A_22] : memref<1000000x128xf32, #tpu.memory_space<hbm>> -> memref<1000000x128xf32, #tpu.memory_space<hbm>>
    tpu.enqueue_indirect_dma source(%dma_start3A_23 : memref<1000000x128xf32, #tpu.memory_space<hbm>>) target(%dma_start3A_17 : memref<128x128xf32, #tpu.memory_space<vmem>>) offsets(%dma_start3A_20 : memref<128xi32, #tpu.memory_space<vmem>>) semaphore(%arg7 : memref<!tpu.dma_semaphore, #tpu.memory_space<semaphore_mem>>)
    %dma_start3A_24 = arith.constant 2 : i32
    %dma_start3A_25 = arith.constant 2 : i32
    %dma_start3A_26 = arith.constant 0 : i32
    %dma_start3A_27 = arith.constant 0 : i32
    %dma_start3A_28 = tpu.memref_slice %arg6[%dma_start3A_25, %dma_start3A_26, %dma_start3A_27] : memref<6x128x128xf32, #tpu.memory_space<vmem>> -> memref<1x128x128xf32, #tpu.memory_space<vmem>>
    %dma_start3A_29 = tpu.memref_squeeze %dma_start3A_28 : memref<1x128x128xf32, #tpu.memory_space<vmem>> -> memref<128x128xf32, #tpu.memory_space<vmem>>
    %dma_start3A_30 = arith.constant 0 : i32
    %dma_start3A_31 = tpu.memref_slice %arg5[%dma_start3A_24, %dma_start3A_30] : memref<12x128xi32, #tpu.memory_space<vmem>> -> memref<1x128xi32, #tpu.memory_space<vmem>>
    %dma_start3A_32 = tpu.memref_squeeze %dma_start3A_31 : memref<1x128xi32, #tpu.memory_space<vmem>> -> memref<128xi32, #tpu.memory_space<vmem>>
    %dma_start3A_33 = arith.constant 0 : i32
    %dma_start3A_34 = arith.constant 0 : i32
    %dma_start3A_35 = tpu.memref_slice %arg2[%dma_start3A_33, %dma_start3A_34] : memref<1000000x128xf32, #tpu.memory_space<hbm>> -> memref<1000000x128xf32, #tpu.memory_space<hbm>>
    tpu.enqueue_indirect_dma source(%dma_start3A_35 : memref<1000000x128xf32, #tpu.memory_space<hbm>>) target(%dma_start3A_29 : memref<128x128xf32, #tpu.memory_space<vmem>>) offsets(%dma_start3A_32 : memref<128xi32, #tpu.memory_space<vmem>>) semaphore(%arg7 : memref<!tpu.dma_semaphore, #tpu.memory_space<semaphore_mem>>)
    %dma_start3A_36 = arith.constant 3 : i32
    %dma_start3A_37 = arith.constant 3 : i32
    %dma_start3A_38 = arith.constant 0 : i32
    %dma_start3A_39 = arith.constant 0 : i32
    %dma_start3A_40 = tpu.memref_slice %arg6[%dma_start3A_37, %dma_start3A_38, %dma_start3A_39] : memref<6x128x128xf32, #tpu.memory_space<vmem>> -> memref<1x128x128xf32, #tpu.memory_space<vmem>>
    %dma_start3A_41 = tpu.memref_squeeze %dma_start3A_40 : memref<1x128x128xf32, #tpu.memory_space<vmem>> -> memref<128x128xf32, #tpu.memory_space<vmem>>
    %dma_start3A_42 = arith.constant 0 : i32
    %dma_start3A_43 = tpu.memref_slice %arg5[%dma_start3A_36, %dma_start3A_42] : memref<12x128xi32, #tpu.memory_space<vmem>> -> memref<1x128xi32, #tpu.memory_space<vmem>>
    %dma_start3A_44 = tpu.memref_squeeze %dma_start3A_43 : memref<1x128xi32, #tpu.memory_space<vmem>> -> memref<128xi32, #tpu.memory_space<vmem>>
    %dma_start3A_45 = arith.constant 0 : i32
    %dma_start3A_46 = arith.constant 0 : i32
    %dma_start3A_47 = tpu.memref_slice %arg2[%dma_start3A_45, %dma_start3A_46] : memref<1000000x128xf32, #tpu.memory_space<hbm>> -> memref<1000000x128xf32, #tpu.memory_space<hbm>>
    tpu.enqueue_indirect_dma source(%dma_start3A_47 : memref<1000000x128xf32, #tpu.memory_space<hbm>>) target(%dma_start3A_41 : memref<128x128xf32, #tpu.memory_space<vmem>>) offsets(%dma_start3A_44 : memref<128xi32, #tpu.memory_space<vmem>>) semaphore(%arg7 : memref<!tpu.dma_semaphore, #tpu.memory_space<semaphore_mem>>)
    %dma_start3A_48 = arith.constant 4 : i32
    %dma_start3A_49 = arith.constant 4 : i32
    %dma_start3A_50 = arith.constant 0 : i32
    %dma_start3A_51 = arith.constant 0 : i32
    %dma_start3A_52 = tpu.memref_slice %arg6[%dma_start3A_49, %dma_start3A_50, %dma_start3A_51] : memref<6x128x128xf32, #tpu.memory_space<vmem>> -> memref<1x128x128xf32, #tpu.memory_space<vmem>>
    %dma_start3A_53 = tpu.memref_squeeze %dma_start3A_52 : memref<1x128x128xf32, #tpu.memory_space<vmem>> -> memref<128x128xf32, #tpu.memory_space<vmem>>
    %dma_start3A_54 = arith.constant 0 : i32
    %dma_start3A_55 = tpu.memref_slice %arg5[%dma_start3A_48, %dma_start3A_54] : memref<12x128xi32, #tpu.memory_space<vmem>> -> memref<1x128xi32, #tpu.memory_space<vmem>>
    %dma_start3A_56 = tpu.memref_squeeze %dma_start3A_55 : memref<1x128xi32, #tpu.memory_space<vmem>> -> memref<128xi32, #tpu.memory_space<vmem>>
    %dma_start3A_57 = arith.constant 0 : i32
    %dma_start3A_58 = arith.constant 0 : i32
    %dma_start3A_59 = tpu.memref_slice %arg2[%dma_start3A_57, %dma_start3A_58] : memref<1000000x128xf32, #tpu.memory_space<hbm>> -> memref<1000000x128xf32, #tpu.memory_space<hbm>>
    tpu.enqueue_indirect_dma source(%dma_start3A_59 : memref<1000000x128xf32, #tpu.memory_space<hbm>>) target(%dma_start3A_53 : memref<128x128xf32, #tpu.memory_space<vmem>>) offsets(%dma_start3A_56 : memref<128xi32, #tpu.memory_space<vmem>>) semaphore(%arg7 : memref<!tpu.dma_semaphore, #tpu.memory_space<semaphore_mem>>)
    %dma_start3A_60 = arith.constant 5 : i32
    %dma_start3A_61 = arith.constant 5 : i32
    %dma_start3A_62 = arith.constant 0 : i32
    %dma_start3A_63 = arith.constant 0 : i32
    %dma_start3A_64 = tpu.memref_slice %arg6[%dma_start3A_61, %dma_start3A_62, %dma_start3A_63] : memref<6x128x128xf32, #tpu.memory_space<vmem>> -> memref<1x128x128xf32, #tpu.memory_space<vmem>>
    %dma_start3A_65 = tpu.memref_squeeze %dma_start3A_64 : memref<1x128x128xf32, #tpu.memory_space<vmem>> -> memref<128x128xf32, #tpu.memory_space<vmem>>
    %dma_start3A_66 = arith.constant 0 : i32
    %dma_start3A_67 = tpu.memref_slice %arg5[%dma_start3A_60, %dma_start3A_66] : memref<12x128xi32, #tpu.memory_space<vmem>> -> memref<1x128xi32, #tpu.memory_space<vmem>>
    %dma_start3A_68 = tpu.memref_squeeze %dma_start3A_67 : memref<1x128xi32, #tpu.memory_space<vmem>> -> memref<128xi32, #tpu.memory_space<vmem>>
    %dma_start3A_69 = arith.constant 0 : i32
    %dma_start3A_70 = arith.constant 0 : i32
    %dma_start3A_71 = tpu.memref_slice %arg2[%dma_start3A_69, %dma_start3A_70] : memref<1000000x128xf32, #tpu.memory_space<hbm>> -> memref<1000000x128xf32, #tpu.memory_space<hbm>>
    tpu.enqueue_indirect_dma source(%dma_start3A_71 : memref<1000000x128xf32, #tpu.memory_space<hbm>>) target(%dma_start3A_65 : memref<128x128xf32, #tpu.memory_space<vmem>>) offsets(%dma_start3A_68 : memref<128xi32, #tpu.memory_space<vmem>>) semaphore(%arg7 : memref<!tpu.dma_semaphore, #tpu.memory_space<semaphore_mem>>)
    %dma_wait3A = arith.constant 0 : i32
    %dma_wait3A_72 = arith.constant 0 : i32
    %dma_wait3A_73 = arith.constant 0 : i32
    %dma_wait3A_74 = arith.constant 0 : i32
    %dma_wait3A_75 = tpu.memref_slice %arg6[%dma_wait3A_72, %dma_wait3A_73, %dma_wait3A_74] : memref<6x128x128xf32, #tpu.memory_space<vmem>> -> memref<1x128x128xf32, #tpu.memory_space<vmem>>
    %dma_wait3A_76 = tpu.memref_squeeze %dma_wait3A_75 : memref<1x128x128xf32, #tpu.memory_space<vmem>> -> memref<128x128xf32, #tpu.memory_space<vmem>>
    %dma_wait3A_77 = arith.constant 0 : i32
    %dma_wait3A_78 = tpu.memref_slice %arg5[%dma_wait3A, %dma_wait3A_77] : memref<12x128xi32, #tpu.memory_space<vmem>> -> memref<1x128xi32, #tpu.memory_space<vmem>>
    %dma_wait3A_79 = tpu.memref_squeeze %dma_wait3A_78 : memref<1x128xi32, #tpu.memory_space<vmem>> -> memref<128xi32, #tpu.memory_space<vmem>>
    %dma_wait3A_80 = arith.constant 0 : i32
    %dma_wait3A_81 = arith.constant 0 : i32
    %dma_wait3A_82 = tpu.memref_slice %arg2[%dma_wait3A_80, %dma_wait3A_81] : memref<1000000x128xf32, #tpu.memory_space<hbm>> -> memref<1000000x128xf32, #tpu.memory_space<hbm>>
    tpu.wait_indirect_dma semaphore(%arg7 : memref<!tpu.dma_semaphore, #tpu.memory_space<semaphore_mem>>) src(%dma_wait3A_82 : memref<1000000x128xf32, #tpu.memory_space<hbm>>) dst(%dma_wait3A_76 : memref<128x128xf32, #tpu.memory_space<vmem>>)
    %dma_wait3A_83 = arith.constant 1 : i32
    %dma_wait3A_84 = arith.constant 1 : i32
    %dma_wait3A_85 = arith.constant 0 : i32
    %dma_wait3A_86 = arith.constant 0 : i32
    %dma_wait3A_87 = tpu.memref_slice %arg6[%dma_wait3A_84, %dma_wait3A_85, %dma_wait3A_86] : memref<6x128x128xf32, #tpu.memory_space<vmem>> -> memref<1x128x128xf32, #tpu.memory_space<vmem>>
    %dma_wait3A_88 = tpu.memref_squeeze %dma_wait3A_87 : memref<1x128x128xf32, #tpu.memory_space<vmem>> -> memref<128x128xf32, #tpu.memory_space<vmem>>
    %dma_wait3A_89 = arith.constant 0 : i32
    %dma_wait3A_90 = tpu.memref_slice %arg5[%dma_wait3A_83, %dma_wait3A_89] : memref<12x128xi32, #tpu.memory_space<vmem>> -> memref<1x128xi32, #tpu.memory_space<vmem>>
    %dma_wait3A_91 = tpu.memref_squeeze %dma_wait3A_90 : memref<1x128xi32, #tpu.memory_space<vmem>> -> memref<128xi32, #tpu.memory_space<vmem>>
    %dma_wait3A_92 = arith.constant 0 : i32
    %dma_wait3A_93 = arith.constant 0 : i32
    %dma_wait3A_94 = tpu.memref_slice %arg2[%dma_wait3A_92, %dma_wait3A_93] : memref<1000000x128xf32, #tpu.memory_space<hbm>> -> memref<1000000x128xf32, #tpu.memory_space<hbm>>
    tpu.wait_indirect_dma semaphore(%arg7 : memref<!tpu.dma_semaphore, #tpu.memory_space<semaphore_mem>>) src(%dma_wait3A_94 : memref<1000000x128xf32, #tpu.memory_space<hbm>>) dst(%dma_wait3A_88 : memref<128x128xf32, #tpu.memory_space<vmem>>)
    %dma_wait3A_95 = arith.constant 2 : i32
    %dma_wait3A_96 = arith.constant 2 : i32
    %dma_wait3A_97 = arith.constant 0 : i32
    %dma_wait3A_98 = arith.constant 0 : i32
    %dma_wait3A_99 = tpu.memref_slice %arg6[%dma_wait3A_96, %dma_wait3A_97, %dma_wait3A_98] : memref<6x128x128xf32, #tpu.memory_space<vmem>> -> memref<1x128x128xf32, #tpu.memory_space<vmem>>
    %dma_wait3A_100 = tpu.memref_squeeze %dma_wait3A_99 : memref<1x128x128xf32, #tpu.memory_space<vmem>> -> memref<128x128xf32, #tpu.memory_space<vmem>>
    %dma_wait3A_101 = arith.constant 0 : i32
    %dma_wait3A_102 = tpu.memref_slice %arg5[%dma_wait3A_95, %dma_wait3A_101] : memref<12x128xi32, #tpu.memory_space<vmem>> -> memref<1x128xi32, #tpu.memory_space<vmem>>
    %dma_wait3A_103 = tpu.memref_squeeze %dma_wait3A_102 : memref<1x128xi32, #tpu.memory_space<vmem>> -> memref<128xi32, #tpu.memory_space<vmem>>
    %dma_wait3A_104 = arith.constant 0 : i32
    %dma_wait3A_105 = arith.constant 0 : i32
    %dma_wait3A_106 = tpu.memref_slice %arg2[%dma_wait3A_104, %dma_wait3A_105] : memref<1000000x128xf32, #tpu.memory_space<hbm>> -> memref<1000000x128xf32, #tpu.memory_space<hbm>>
    tpu.wait_indirect_dma semaphore(%arg7 : memref<!tpu.dma_semaphore, #tpu.memory_space<semaphore_mem>>) src(%dma_wait3A_106 : memref<1000000x128xf32, #tpu.memory_space<hbm>>) dst(%dma_wait3A_100 : memref<128x128xf32, #tpu.memory_space<vmem>>)
    %dma_wait3A_107 = arith.constant 3 : i32
    %dma_wait3A_108 = arith.constant 3 : i32
    %dma_wait3A_109 = arith.constant 0 : i32
    %dma_wait3A_110 = arith.constant 0 : i32
    %dma_wait3A_111 = tpu.memref_slice %arg6[%dma_wait3A_108, %dma_wait3A_109, %dma_wait3A_110] : memref<6x128x128xf32, #tpu.memory_space<vmem>> -> memref<1x128x128xf32, #tpu.memory_space<vmem>>
    %dma_wait3A_112 = tpu.memref_squeeze %dma_wait3A_111 : memref<1x128x128xf32, #tpu.memory_space<vmem>> -> memref<128x128xf32, #tpu.memory_space<vmem>>
    %dma_wait3A_113 = arith.constant 0 : i32
    %dma_wait3A_114 = tpu.memref_slice %arg5[%dma_wait3A_107, %dma_wait3A_113] : memref<12x128xi32, #tpu.memory_space<vmem>> -> memref<1x128xi32, #tpu.memory_space<vmem>>
    %dma_wait3A_115 = tpu.memref_squeeze %dma_wait3A_114 : memref<1x128xi32, #tpu.memory_space<vmem>> -> memref<128xi32, #tpu.memory_space<vmem>>
    %dma_wait3A_116 = arith.constant 0 : i32
    %dma_wait3A_117 = arith.constant 0 : i32
    %dma_wait3A_118 = tpu.memref_slice %arg2[%dma_wait3A_116, %dma_wait3A_117] : memref<1000000x128xf32, #tpu.memory_space<hbm>> -> memref<1000000x128xf32, #tpu.memory_space<hbm>>
    tpu.wait_indirect_dma semaphore(%arg7 : memref<!tpu.dma_semaphore, #tpu.memory_space<semaphore_mem>>) src(%dma_wait3A_118 : memref<1000000x128xf32, #tpu.memory_space<hbm>>) dst(%dma_wait3A_112 : memref<128x128xf32, #tpu.memory_space<vmem>>)
    %dma_wait3A_119 = arith.constant 4 : i32
    %dma_wait3A_120 = arith.constant 4 : i32
    %dma_wait3A_121 = arith.constant 0 : i32
    %dma_wait3A_122 = arith.constant 0 : i32
    %dma_wait3A_123 = tpu.memref_slice %arg6[%dma_wait3A_120, %dma_wait3A_121, %dma_wait3A_122] : memref<6x128x128xf32, #tpu.memory_space<vmem>> -> memref<1x128x128xf32, #tpu.memory_space<vmem>>
    %dma_wait3A_124 = tpu.memref_squeeze %dma_wait3A_123 : memref<1x128x128xf32, #tpu.memory_space<vmem>> -> memref<128x128xf32, #tpu.memory_space<vmem>>
    %dma_wait3A_125 = arith.constant 0 : i32
    %dma_wait3A_126 = tpu.memref_slice %arg5[%dma_wait3A_119, %dma_wait3A_125] : memref<12x128xi32, #tpu.memory_space<vmem>> -> memref<1x128xi32, #tpu.memory_space<vmem>>
    %dma_wait3A_127 = tpu.memref_squeeze %dma_wait3A_126 : memref<1x128xi32, #tpu.memory_space<vmem>> -> memref<128xi32, #tpu.memory_space<vmem>>
    %dma_wait3A_128 = arith.constant 0 : i32
    %dma_wait3A_129 = arith.constant 0 : i32
    %dma_wait3A_130 = tpu.memref_slice %arg2[%dma_wait3A_128, %dma_wait3A_129] : memref<1000000x128xf32, #tpu.memory_space<hbm>> -> memref<1000000x128xf32, #tpu.memory_space<hbm>>
    tpu.wait_indirect_dma semaphore(%arg7 : memref<!tpu.dma_semaphore, #tpu.memory_space<semaphore_mem>>) src(%dma_wait3A_130 : memref<1000000x128xf32, #tpu.memory_space<hbm>>) dst(%dma_wait3A_124 : memref<128x128xf32, #tpu.memory_space<vmem>>)
    %dma_wait3A_131 = arith.constant 5 : i32
    %dma_wait3A_132 = arith.constant 5 : i32
    %dma_wait3A_133 = arith.constant 0 : i32
    %dma_wait3A_134 = arith.constant 0 : i32
    %dma_wait3A_135 = tpu.memref_slice %arg6[%dma_wait3A_132, %dma_wait3A_133, %dma_wait3A_134] : memref<6x128x128xf32, #tpu.memory_space<vmem>> -> memref<1x128x128xf32, #tpu.memory_space<vmem>>
    %dma_wait3A_136 = tpu.memref_squeeze %dma_wait3A_135 : memref<1x128x128xf32, #tpu.memory_space<vmem>> -> memref<128x128xf32, #tpu.memory_space<vmem>>
    %dma_wait3A_137 = arith.constant 0 : i32
    %dma_wait3A_138 = tpu.memref_slice %arg5[%dma_wait3A_131, %dma_wait3A_137] : memref<12x128xi32, #tpu.memory_space<vmem>> -> memref<1x128xi32, #tpu.memory_space<vmem>>
    %dma_wait3A_139 = tpu.memref_squeeze %dma_wait3A_138 : memref<1x128xi32, #tpu.memory_space<vmem>> -> memref<128xi32, #tpu.memory_space<vmem>>
    %dma_wait3A_140 = arith.constant 0 : i32
    %dma_wait3A_141 = arith.constant 0 : i32
    %dma_wait3A_142 = tpu.memref_slice %arg2[%dma_wait3A_140, %dma_wait3A_141] : memref<1000000x128xf32, #tpu.memory_space<hbm>> -> memref<1000000x128xf32, #tpu.memory_space<hbm>>
    tpu.wait_indirect_dma semaphore(%arg7 : memref<!tpu.dma_semaphore, #tpu.memory_space<semaphore_mem>>) src(%dma_wait3A_142 : memref<1000000x128xf32, #tpu.memory_space<hbm>>) dst(%dma_wait3A_136 : memref<128x128xf32, #tpu.memory_space<vmem>>)
    "tpu.region"() ({
      %run_scoped3A = tpu.sem_alloc : memref<!tpu.dma_semaphore, #tpu.memory_space<semaphore_mem>>
      %dma_start3A_287 = arith.constant 0 : i32
      %dma_start3A_288 = arith.constant 0 : i32
      %dma_start3A_289 = arith.constant 0 : i32
      %dma_start3A_290 = tpu.memref_slice %arg4[%add3A, %dma_start3A_287, %dma_start3A_288, %dma_start3A_289] : memref<32x12x128x128xf32, #tpu.memory_space<hbm>> -> memref<1x6x128x128xf32, #tpu.memory_space<hbm>>
      %dma_start3A_291 = tpu.memref_squeeze %dma_start3A_290 : memref<1x6x128x128xf32, #tpu.memory_space<hbm>> -> memref<6x128x128xf32, #tpu.memory_space<hbm>>
      %dma_start3A_292 = arith.constant 0 : i32
      %dma_start3A_293 = arith.constant 0 : i32
      %dma_start3A_294 = arith.constant 0 : i32
      %dma_start3A_295 = tpu.memref_slice %arg4[%add3A, %dma_start3A_292, %dma_start3A_293, %dma_start3A_294] : memref<32x12x128x128xf32, #tpu.memory_space<hbm>> -> memref<1x6x128x128xf32, #tpu.memory_space<hbm>>
      %dma_start3A_296 = tpu.memref_squeeze %dma_start3A_295 : memref<1x6x128x128xf32, #tpu.memory_space<hbm>> -> memref<6x128x128xf32, #tpu.memory_space<hbm>>
      tpu.enqueue_dma source(%arg6 : memref<6x128x128xf32, #tpu.memory_space<vmem>>) target(%dma_start3A_296 : memref<6x128x128xf32, #tpu.memory_space<hbm>>) target_semaphore(%run_scoped3A : memref<!tpu.dma_semaphore, #tpu.memory_space<semaphore_mem>>)
      %dma_wait3A_297 = arith.constant 0 : i32
      %dma_wait3A_298 = arith.constant 0 : i32
      %dma_wait3A_299 = arith.constant 0 : i32
      %dma_wait3A_300 = tpu.memref_slice %arg4[%add3A, %dma_wait3A_297, %dma_wait3A_298, %dma_wait3A_299] : memref<32x12x128x128xf32, #tpu.memory_space<hbm>> -> memref<1x6x128x128xf32, #tpu.memory_space<hbm>>
      %dma_wait3A_301 = tpu.memref_squeeze %dma_wait3A_300 : memref<1x6x128x128xf32, #tpu.memory_space<hbm>> -> memref<6x128x128xf32, #tpu.memory_space<hbm>>
      %dma_wait3A_302 = arith.constant 0 : i32
      %dma_wait3A_303 = arith.constant 0 : i32
      %dma_wait3A_304 = arith.constant 0 : i32
      %dma_wait3A_305 = tpu.memref_slice %arg4[%add3A, %dma_wait3A_302, %dma_wait3A_303, %dma_wait3A_304] : memref<32x12x128x128xf32, #tpu.memory_space<hbm>> -> memref<1x6x128x128xf32, #tpu.memory_space<hbm>>
      %dma_wait3A_306 = tpu.memref_squeeze %dma_wait3A_305 : memref<1x6x128x128xf32, #tpu.memory_space<hbm>> -> memref<6x128x128xf32, #tpu.memory_space<hbm>>
      tpu.wait_dma2 semaphore(%run_scoped3A : memref<!tpu.dma_semaphore, #tpu.memory_space<semaphore_mem>>) src(%arg6 : memref<6x128x128xf32, #tpu.memory_space<vmem>>) dst(%dma_wait3A_306 : memref<6x128x128xf32, #tpu.memory_space<hbm>>)
      tpu.yield
    }) : () -> ()
    %dma_start3A_143 = arith.constant 6 : i32
    %dma_start3A_144 = arith.constant 0 : i32
    %dma_start3A_145 = arith.constant 0 : i32
    %dma_start3A_146 = arith.constant 0 : i32
    %dma_start3A_147 = tpu.memref_slice %arg6[%dma_start3A_144, %dma_start3A_145, %dma_start3A_146] : memref<6x128x128xf32, #tpu.memory_space<vmem>> -> memref<1x128x128xf32, #tpu.memory_space<vmem>>
    %dma_start3A_148 = tpu.memref_squeeze %dma_start3A_147 : memref<1x128x128xf32, #tpu.memory_space<vmem>> -> memref<128x128xf32, #tpu.memory_space<vmem>>
    %dma_start3A_149 = arith.constant 0 : i32
    %dma_start3A_150 = tpu.memref_slice %arg5[%dma_start3A_143, %dma_start3A_149] : memref<12x128xi32, #tpu.memory_space<vmem>> -> memref<1x128xi32, #tpu.memory_space<vmem>>
    %dma_start3A_151 = tpu.memref_squeeze %dma_start3A_150 : memref<1x128xi32, #tpu.memory_space<vmem>> -> memref<128xi32, #tpu.memory_space<vmem>>
    %dma_start3A_152 = arith.constant 0 : i32
    %dma_start3A_153 = arith.constant 0 : i32
    %dma_start3A_154 = tpu.memref_slice %arg2[%dma_start3A_152, %dma_start3A_153] : memref<1000000x128xf32, #tpu.memory_space<hbm>> -> memref<1000000x128xf32, #tpu.memory_space<hbm>>
    tpu.enqueue_indirect_dma source(%dma_start3A_154 : memref<1000000x128xf32, #tpu.memory_space<hbm>>) target(%dma_start3A_148 : memref<128x128xf32, #tpu.memory_space<vmem>>) offsets(%dma_start3A_151 : memref<128xi32, #tpu.memory_space<vmem>>) semaphore(%arg7 : memref<!tpu.dma_semaphore, #tpu.memory_space<semaphore_mem>>)
    %dma_start3A_155 = arith.constant 7 : i32
    %dma_start3A_156 = arith.constant 1 : i32
    %dma_start3A_157 = arith.constant 0 : i32
    %dma_start3A_158 = arith.constant 0 : i32
    %dma_start3A_159 = tpu.memref_slice %arg6[%dma_start3A_156, %dma_start3A_157, %dma_start3A_158] : memref<6x128x128xf32, #tpu.memory_space<vmem>> -> memref<1x128x128xf32, #tpu.memory_space<vmem>>
    %dma_start3A_160 = tpu.memref_squeeze %dma_start3A_159 : memref<1x128x128xf32, #tpu.memory_space<vmem>> -> memref<128x128xf32, #tpu.memory_space<vmem>>
    %dma_start3A_161 = arith.constant 0 : i32
    %dma_start3A_162 = tpu.memref_slice %arg5[%dma_start3A_155, %dma_start3A_161] : memref<12x128xi32, #tpu.memory_space<vmem>> -> memref<1x128xi32, #tpu.memory_space<vmem>>
    %dma_start3A_163 = tpu.memref_squeeze %dma_start3A_162 : memref<1x128xi32, #tpu.memory_space<vmem>> -> memref<128xi32, #tpu.memory_space<vmem>>
    %dma_start3A_164 = arith.constant 0 : i32
    %dma_start3A_165 = arith.constant 0 : i32
    %dma_start3A_166 = tpu.memref_slice %arg2[%dma_start3A_164, %dma_start3A_165] : memref<1000000x128xf32, #tpu.memory_space<hbm>> -> memref<1000000x128xf32, #tpu.memory_space<hbm>>
    tpu.enqueue_indirect_dma source(%dma_start3A_166 : memref<1000000x128xf32, #tpu.memory_space<hbm>>) target(%dma_start3A_160 : memref<128x128xf32, #tpu.memory_space<vmem>>) offsets(%dma_start3A_163 : memref<128xi32, #tpu.memory_space<vmem>>) semaphore(%arg7 : memref<!tpu.dma_semaphore, #tpu.memory_space<semaphore_mem>>)
    %dma_start3A_167 = arith.constant 8 : i32
    %dma_start3A_168 = arith.constant 2 : i32
    %dma_start3A_169 = arith.constant 0 : i32
    %dma_start3A_170 = arith.constant 0 : i32
    %dma_start3A_171 = tpu.memref_slice %arg6[%dma_start3A_168, %dma_start3A_169, %dma_start3A_170] : memref<6x128x128xf32, #tpu.memory_space<vmem>> -> memref<1x128x128xf32, #tpu.memory_space<vmem>>
    %dma_start3A_172 = tpu.memref_squeeze %dma_start3A_171 : memref<1x128x128xf32, #tpu.memory_space<vmem>> -> memref<128x128xf32, #tpu.memory_space<vmem>>
    %dma_start3A_173 = arith.constant 0 : i32
    %dma_start3A_174 = tpu.memref_slice %arg5[%dma_start3A_167, %dma_start3A_173] : memref<12x128xi32, #tpu.memory_space<vmem>> -> memref<1x128xi32, #tpu.memory_space<vmem>>
    %dma_start3A_175 = tpu.memref_squeeze %dma_start3A_174 : memref<1x128xi32, #tpu.memory_space<vmem>> -> memref<128xi32, #tpu.memory_space<vmem>>
    %dma_start3A_176 = arith.constant 0 : i32
    %dma_start3A_177 = arith.constant 0 : i32
    %dma_start3A_178 = tpu.memref_slice %arg2[%dma_start3A_176, %dma_start3A_177] : memref<1000000x128xf32, #tpu.memory_space<hbm>> -> memref<1000000x128xf32, #tpu.memory_space<hbm>>
    tpu.enqueue_indirect_dma source(%dma_start3A_178 : memref<1000000x128xf32, #tpu.memory_space<hbm>>) target(%dma_start3A_172 : memref<128x128xf32, #tpu.memory_space<vmem>>) offsets(%dma_start3A_175 : memref<128xi32, #tpu.memory_space<vmem>>) semaphore(%arg7 : memref<!tpu.dma_semaphore, #tpu.memory_space<semaphore_mem>>)
    %dma_start3A_179 = arith.constant 9 : i32
    %dma_start3A_180 = arith.constant 3 : i32
    %dma_start3A_181 = arith.constant 0 : i32
    %dma_start3A_182 = arith.constant 0 : i32
    %dma_start3A_183 = tpu.memref_slice %arg6[%dma_start3A_180, %dma_start3A_181, %dma_start3A_182] : memref<6x128x128xf32, #tpu.memory_space<vmem>> -> memref<1x128x128xf32, #tpu.memory_space<vmem>>
    %dma_start3A_184 = tpu.memref_squeeze %dma_start3A_183 : memref<1x128x128xf32, #tpu.memory_space<vmem>> -> memref<128x128xf32, #tpu.memory_space<vmem>>
    %dma_start3A_185 = arith.constant 0 : i32
    %dma_start3A_186 = tpu.memref_slice %arg5[%dma_start3A_179, %dma_start3A_185] : memref<12x128xi32, #tpu.memory_space<vmem>> -> memref<1x128xi32, #tpu.memory_space<vmem>>
    %dma_start3A_187 = tpu.memref_squeeze %dma_start3A_186 : memref<1x128xi32, #tpu.memory_space<vmem>> -> memref<128xi32, #tpu.memory_space<vmem>>
    %dma_start3A_188 = arith.constant 0 : i32
    %dma_start3A_189 = arith.constant 0 : i32
    %dma_start3A_190 = tpu.memref_slice %arg2[%dma_start3A_188, %dma_start3A_189] : memref<1000000x128xf32, #tpu.memory_space<hbm>> -> memref<1000000x128xf32, #tpu.memory_space<hbm>>
    tpu.enqueue_indirect_dma source(%dma_start3A_190 : memref<1000000x128xf32, #tpu.memory_space<hbm>>) target(%dma_start3A_184 : memref<128x128xf32, #tpu.memory_space<vmem>>) offsets(%dma_start3A_187 : memref<128xi32, #tpu.memory_space<vmem>>) semaphore(%arg7 : memref<!tpu.dma_semaphore, #tpu.memory_space<semaphore_mem>>)
    %dma_start3A_191 = arith.constant 10 : i32
    %dma_start3A_192 = arith.constant 4 : i32
    %dma_start3A_193 = arith.constant 0 : i32
    %dma_start3A_194 = arith.constant 0 : i32
    %dma_start3A_195 = tpu.memref_slice %arg6[%dma_start3A_192, %dma_start3A_193, %dma_start3A_194] : memref<6x128x128xf32, #tpu.memory_space<vmem>> -> memref<1x128x128xf32, #tpu.memory_space<vmem>>
    %dma_start3A_196 = tpu.memref_squeeze %dma_start3A_195 : memref<1x128x128xf32, #tpu.memory_space<vmem>> -> memref<128x128xf32, #tpu.memory_space<vmem>>
    %dma_start3A_197 = arith.constant 0 : i32
    %dma_start3A_198 = tpu.memref_slice %arg5[%dma_start3A_191, %dma_start3A_197] : memref<12x128xi32, #tpu.memory_space<vmem>> -> memref<1x128xi32, #tpu.memory_space<vmem>>
    %dma_start3A_199 = tpu.memref_squeeze %dma_start3A_198 : memref<1x128xi32, #tpu.memory_space<vmem>> -> memref<128xi32, #tpu.memory_space<vmem>>
    %dma_start3A_200 = arith.constant 0 : i32
    %dma_start3A_201 = arith.constant 0 : i32
    %dma_start3A_202 = tpu.memref_slice %arg2[%dma_start3A_200, %dma_start3A_201] : memref<1000000x128xf32, #tpu.memory_space<hbm>> -> memref<1000000x128xf32, #tpu.memory_space<hbm>>
    tpu.enqueue_indirect_dma source(%dma_start3A_202 : memref<1000000x128xf32, #tpu.memory_space<hbm>>) target(%dma_start3A_196 : memref<128x128xf32, #tpu.memory_space<vmem>>) offsets(%dma_start3A_199 : memref<128xi32, #tpu.memory_space<vmem>>) semaphore(%arg7 : memref<!tpu.dma_semaphore, #tpu.memory_space<semaphore_mem>>)
    %dma_start3A_203 = arith.constant 11 : i32
    %dma_start3A_204 = arith.constant 5 : i32
    %dma_start3A_205 = arith.constant 0 : i32
    %dma_start3A_206 = arith.constant 0 : i32
    %dma_start3A_207 = tpu.memref_slice %arg6[%dma_start3A_204, %dma_start3A_205, %dma_start3A_206] : memref<6x128x128xf32, #tpu.memory_space<vmem>> -> memref<1x128x128xf32, #tpu.memory_space<vmem>>
    %dma_start3A_208 = tpu.memref_squeeze %dma_start3A_207 : memref<1x128x128xf32, #tpu.memory_space<vmem>> -> memref<128x128xf32, #tpu.memory_space<vmem>>
    %dma_start3A_209 = arith.constant 0 : i32
    %dma_start3A_210 = tpu.memref_slice %arg5[%dma_start3A_203, %dma_start3A_209] : memref<12x128xi32, #tpu.memory_space<vmem>> -> memref<1x128xi32, #tpu.memory_space<vmem>>
    %dma_start3A_211 = tpu.memref_squeeze %dma_start3A_210 : memref<1x128xi32, #tpu.memory_space<vmem>> -> memref<128xi32, #tpu.memory_space<vmem>>
    %dma_start3A_212 = arith.constant 0 : i32
    %dma_start3A_213 = arith.constant 0 : i32
    %dma_start3A_214 = tpu.memref_slice %arg2[%dma_start3A_212, %dma_start3A_213] : memref<1000000x128xf32, #tpu.memory_space<hbm>> -> memref<1000000x128xf32, #tpu.memory_space<hbm>>
    tpu.enqueue_indirect_dma source(%dma_start3A_214 : memref<1000000x128xf32, #tpu.memory_space<hbm>>) target(%dma_start3A_208 : memref<128x128xf32, #tpu.memory_space<vmem>>) offsets(%dma_start3A_211 : memref<128xi32, #tpu.memory_space<vmem>>) semaphore(%arg7 : memref<!tpu.dma_semaphore, #tpu.memory_space<semaphore_mem>>)
    %dma_wait3A_215 = arith.constant 6 : i32
    %dma_wait3A_216 = arith.constant 0 : i32
    %dma_wait3A_217 = arith.constant 0 : i32
    %dma_wait3A_218 = arith.constant 0 : i32
    %dma_wait3A_219 = tpu.memref_slice %arg6[%dma_wait3A_216, %dma_wait3A_217, %dma_wait3A_218] : memref<6x128x128xf32, #tpu.memory_space<vmem>> -> memref<1x128x128xf32, #tpu.memory_space<vmem>>
    %dma_wait3A_220 = tpu.memref_squeeze %dma_wait3A_219 : memref<1x128x128xf32, #tpu.memory_space<vmem>> -> memref<128x128xf32, #tpu.memory_space<vmem>>
    %dma_wait3A_221 = arith.constant 0 : i32
    %dma_wait3A_222 = tpu.memref_slice %arg5[%dma_wait3A_215, %dma_wait3A_221] : memref<12x128xi32, #tpu.memory_space<vmem>> -> memref<1x128xi32, #tpu.memory_space<vmem>>
    %dma_wait3A_223 = tpu.memref_squeeze %dma_wait3A_222 : memref<1x128xi32, #tpu.memory_space<vmem>> -> memref<128xi32, #tpu.memory_space<vmem>>
    %dma_wait3A_224 = arith.constant 0 : i32
    %dma_wait3A_225 = arith.constant 0 : i32
    %dma_wait3A_226 = tpu.memref_slice %arg2[%dma_wait3A_224, %dma_wait3A_225] : memref<1000000x128xf32, #tpu.memory_space<hbm>> -> memref<1000000x128xf32, #tpu.memory_space<hbm>>
    tpu.wait_indirect_dma semaphore(%arg7 : memref<!tpu.dma_semaphore, #tpu.memory_space<semaphore_mem>>) src(%dma_wait3A_226 : memref<1000000x128xf32, #tpu.memory_space<hbm>>) dst(%dma_wait3A_220 : memref<128x128xf32, #tpu.memory_space<vmem>>)
    %dma_wait3A_227 = arith.constant 7 : i32
    %dma_wait3A_228 = arith.constant 1 : i32
    %dma_wait3A_229 = arith.constant 0 : i32
    %dma_wait3A_230 = arith.constant 0 : i32
    %dma_wait3A_231 = tpu.memref_slice %arg6[%dma_wait3A_228, %dma_wait3A_229, %dma_wait3A_230] : memref<6x128x128xf32, #tpu.memory_space<vmem>> -> memref<1x128x128xf32, #tpu.memory_space<vmem>>
    %dma_wait3A_232 = tpu.memref_squeeze %dma_wait3A_231 : memref<1x128x128xf32, #tpu.memory_space<vmem>> -> memref<128x128xf32, #tpu.memory_space<vmem>>
    %dma_wait3A_233 = arith.constant 0 : i32
    %dma_wait3A_234 = tpu.memref_slice %arg5[%dma_wait3A_227, %dma_wait3A_233] : memref<12x128xi32, #tpu.memory_space<vmem>> -> memref<1x128xi32, #tpu.memory_space<vmem>>
    %dma_wait3A_235 = tpu.memref_squeeze %dma_wait3A_234 : memref<1x128xi32, #tpu.memory_space<vmem>> -> memref<128xi32, #tpu.memory_space<vmem>>
    %dma_wait3A_236 = arith.constant 0 : i32
    %dma_wait3A_237 = arith.constant 0 : i32
    %dma_wait3A_238 = tpu.memref_slice %arg2[%dma_wait3A_236, %dma_wait3A_237] : memref<1000000x128xf32, #tpu.memory_space<hbm>> -> memref<1000000x128xf32, #tpu.memory_space<hbm>>
    tpu.wait_indirect_dma semaphore(%arg7 : memref<!tpu.dma_semaphore, #tpu.memory_space<semaphore_mem>>) src(%dma_wait3A_238 : memref<1000000x128xf32, #tpu.memory_space<hbm>>) dst(%dma_wait3A_232 : memref<128x128xf32, #tpu.memory_space<vmem>>)
    %dma_wait3A_239 = arith.constant 8 : i32
    %dma_wait3A_240 = arith.constant 2 : i32
    %dma_wait3A_241 = arith.constant 0 : i32
    %dma_wait3A_242 = arith.constant 0 : i32
    %dma_wait3A_243 = tpu.memref_slice %arg6[%dma_wait3A_240, %dma_wait3A_241, %dma_wait3A_242] : memref<6x128x128xf32, #tpu.memory_space<vmem>> -> memref<1x128x128xf32, #tpu.memory_space<vmem>>
    %dma_wait3A_244 = tpu.memref_squeeze %dma_wait3A_243 : memref<1x128x128xf32, #tpu.memory_space<vmem>> -> memref<128x128xf32, #tpu.memory_space<vmem>>
    %dma_wait3A_245 = arith.constant 0 : i32
    %dma_wait3A_246 = tpu.memref_slice %arg5[%dma_wait3A_239, %dma_wait3A_245] : memref<12x128xi32, #tpu.memory_space<vmem>> -> memref<1x128xi32, #tpu.memory_space<vmem>>
    %dma_wait3A_247 = tpu.memref_squeeze %dma_wait3A_246 : memref<1x128xi32, #tpu.memory_space<vmem>> -> memref<128xi32, #tpu.memory_space<vmem>>
    %dma_wait3A_248 = arith.constant 0 : i32
    %dma_wait3A_249 = arith.constant 0 : i32
    %dma_wait3A_250 = tpu.memref_slice %arg2[%dma_wait3A_248, %dma_wait3A_249] : memref<1000000x128xf32, #tpu.memory_space<hbm>> -> memref<1000000x128xf32, #tpu.memory_space<hbm>>
    tpu.wait_indirect_dma semaphore(%arg7 : memref<!tpu.dma_semaphore, #tpu.memory_space<semaphore_mem>>) src(%dma_wait3A_250 : memref<1000000x128xf32, #tpu.memory_space<hbm>>) dst(%dma_wait3A_244 : memref<128x128xf32, #tpu.memory_space<vmem>>)
    %dma_wait3A_251 = arith.constant 9 : i32
    %dma_wait3A_252 = arith.constant 3 : i32
    %dma_wait3A_253 = arith.constant 0 : i32
    %dma_wait3A_254 = arith.constant 0 : i32
    %dma_wait3A_255 = tpu.memref_slice %arg6[%dma_wait3A_252, %dma_wait3A_253, %dma_wait3A_254] : memref<6x128x128xf32, #tpu.memory_space<vmem>> -> memref<1x128x128xf32, #tpu.memory_space<vmem>>
    %dma_wait3A_256 = tpu.memref_squeeze %dma_wait3A_255 : memref<1x128x128xf32, #tpu.memory_space<vmem>> -> memref<128x128xf32, #tpu.memory_space<vmem>>
    %dma_wait3A_257 = arith.constant 0 : i32
    %dma_wait3A_258 = tpu.memref_slice %arg5[%dma_wait3A_251, %dma_wait3A_257] : memref<12x128xi32, #tpu.memory_space<vmem>> -> memref<1x128xi32, #tpu.memory_space<vmem>>
    %dma_wait3A_259 = tpu.memref_squeeze %dma_wait3A_258 : memref<1x128xi32, #tpu.memory_space<vmem>> -> memref<128xi32, #tpu.memory_space<vmem>>
    %dma_wait3A_260 = arith.constant 0 : i32
    %dma_wait3A_261 = arith.constant 0 : i32
    %dma_wait3A_262 = tpu.memref_slice %arg2[%dma_wait3A_260, %dma_wait3A_261] : memref<1000000x128xf32, #tpu.memory_space<hbm>> -> memref<1000000x128xf32, #tpu.memory_space<hbm>>
    tpu.wait_indirect_dma semaphore(%arg7 : memref<!tpu.dma_semaphore, #tpu.memory_space<semaphore_mem>>) src(%dma_wait3A_262 : memref<1000000x128xf32, #tpu.memory_space<hbm>>) dst(%dma_wait3A_256 : memref<128x128xf32, #tpu.memory_space<vmem>>)
    %dma_wait3A_263 = arith.constant 10 : i32
    %dma_wait3A_264 = arith.constant 4 : i32
    %dma_wait3A_265 = arith.constant 0 : i32
    %dma_wait3A_266 = arith.constant 0 : i32
    %dma_wait3A_267 = tpu.memref_slice %arg6[%dma_wait3A_264, %dma_wait3A_265, %dma_wait3A_266] : memref<6x128x128xf32, #tpu.memory_space<vmem>> -> memref<1x128x128xf32, #tpu.memory_space<vmem>>
    %dma_wait3A_268 = tpu.memref_squeeze %dma_wait3A_267 : memref<1x128x128xf32, #tpu.memory_space<vmem>> -> memref<128x128xf32, #tpu.memory_space<vmem>>
    %dma_wait3A_269 = arith.constant 0 : i32
    %dma_wait3A_270 = tpu.memref_slice %arg5[%dma_wait3A_263, %dma_wait3A_269] : memref<12x128xi32, #tpu.memory_space<vmem>> -> memref<1x128xi32, #tpu.memory_space<vmem>>
    %dma_wait3A_271 = tpu.memref_squeeze %dma_wait3A_270 : memref<1x128xi32, #tpu.memory_space<vmem>> -> memref<128xi32, #tpu.memory_space<vmem>>
    %dma_wait3A_272 = arith.constant 0 : i32
    %dma_wait3A_273 = arith.constant 0 : i32
    %dma_wait3A_274 = tpu.memref_slice %arg2[%dma_wait3A_272, %dma_wait3A_273] : memref<1000000x128xf32, #tpu.memory_space<hbm>> -> memref<1000000x128xf32, #tpu.memory_space<hbm>>
    tpu.wait_indirect_dma semaphore(%arg7 : memref<!tpu.dma_semaphore, #tpu.memory_space<semaphore_mem>>) src(%dma_wait3A_274 : memref<1000000x128xf32, #tpu.memory_space<hbm>>) dst(%dma_wait3A_268 : memref<128x128xf32, #tpu.memory_space<vmem>>)
    %dma_wait3A_275 = arith.constant 11 : i32
    %dma_wait3A_276 = arith.constant 5 : i32
    %dma_wait3A_277 = arith.constant 0 : i32
    %dma_wait3A_278 = arith.constant 0 : i32
    %dma_wait3A_279 = tpu.memref_slice %arg6[%dma_wait3A_276, %dma_wait3A_277, %dma_wait3A_278] : memref<6x128x128xf32, #tpu.memory_space<vmem>> -> memref<1x128x128xf32, #tpu.memory_space<vmem>>
    %dma_wait3A_280 = tpu.memref_squeeze %dma_wait3A_279 : memref<1x128x128xf32, #tpu.memory_space<vmem>> -> memref<128x128xf32, #tpu.memory_space<vmem>>
    %dma_wait3A_281 = arith.constant 0 : i32
    %dma_wait3A_282 = tpu.memref_slice %arg5[%dma_wait3A_275, %dma_wait3A_281] : memref<12x128xi32, #tpu.memory_space<vmem>> -> memref<1x128xi32, #tpu.memory_space<vmem>>
    %dma_wait3A_283 = tpu.memref_squeeze %dma_wait3A_282 : memref<1x128xi32, #tpu.memory_space<vmem>> -> memref<128xi32, #tpu.memory_space<vmem>>
    %dma_wait3A_284 = arith.constant 0 : i32
    %dma_wait3A_285 = arith.constant 0 : i32
    %dma_wait3A_286 = tpu.memref_slice %arg2[%dma_wait3A_284, %dma_wait3A_285] : memref<1000000x128xf32, #tpu.memory_space<hbm>> -> memref<1000000x128xf32, #tpu.memory_space<hbm>>
    tpu.wait_indirect_dma semaphore(%arg7 : memref<!tpu.dma_semaphore, #tpu.memory_space<semaphore_mem>>) src(%dma_wait3A_286 : memref<1000000x128xf32, #tpu.memory_space<hbm>>) dst(%dma_wait3A_280 : memref<128x128xf32, #tpu.memory_space<vmem>>)
    "tpu.region"() ({
      %run_scoped3A = tpu.sem_alloc : memref<!tpu.dma_semaphore, #tpu.memory_space<semaphore_mem>>
      %dma_start3A_287 = arith.constant 6 : i32
      %dma_start3A_288 = arith.constant 0 : i32
      %dma_start3A_289 = arith.constant 0 : i32
      %dma_start3A_290 = tpu.memref_slice %arg4[%add3A, %dma_start3A_287, %dma_start3A_288, %dma_start3A_289] : memref<32x12x128x128xf32, #tpu.memory_space<hbm>> -> memref<1x6x128x128xf32, #tpu.memory_space<hbm>>
      %dma_start3A_291 = tpu.memref_squeeze %dma_start3A_290 : memref<1x6x128x128xf32, #tpu.memory_space<hbm>> -> memref<6x128x128xf32, #tpu.memory_space<hbm>>
      %dma_start3A_292 = arith.constant 6 : i32
      %dma_start3A_293 = arith.constant 0 : i32
      %dma_start3A_294 = arith.constant 0 : i32
      %dma_start3A_295 = tpu.memref_slice %arg4[%add3A, %dma_start3A_292, %dma_start3A_293, %dma_start3A_294] : memref<32x12x128x128xf32, #tpu.memory_space<hbm>> -> memref<1x6x128x128xf32, #tpu.memory_space<hbm>>
      %dma_start3A_296 = tpu.memref_squeeze %dma_start3A_295 : memref<1x6x128x128xf32, #tpu.memory_space<hbm>> -> memref<6x128x128xf32, #tpu.memory_space<hbm>>
      tpu.enqueue_dma source(%arg6 : memref<6x128x128xf32, #tpu.memory_space<vmem>>) target(%dma_start3A_296 : memref<6x128x128xf32, #tpu.memory_space<hbm>>) target_semaphore(%run_scoped3A : memref<!tpu.dma_semaphore, #tpu.memory_space<semaphore_mem>>)
      %dma_wait3A_297 = arith.constant 6 : i32
      %dma_wait3A_298 = arith.constant 0 : i32
      %dma_wait3A_299 = arith.constant 0 : i32
      %dma_wait3A_300 = tpu.memref_slice %arg4[%add3A, %dma_wait3A_297, %dma_wait3A_298, %dma_wait3A_299] : memref<32x12x128x128xf32, #tpu.memory_space<hbm>> -> memref<1x6x128x128xf32, #tpu.memory_space<hbm>>
      %dma_wait3A_301 = tpu.memref_squeeze %dma_wait3A_300 : memref<1x6x128x128xf32, #tpu.memory_space<hbm>> -> memref<6x128x128xf32, #tpu.memory_space<hbm>>
      %dma_wait3A_302 = arith.constant 6 : i32
      %dma_wait3A_303 = arith.constant 0 : i32
      %dma_wait3A_304 = arith.constant 0 : i32
      %dma_wait3A_305 = tpu.memref_slice %arg4[%add3A, %dma_wait3A_302, %dma_wait3A_303, %dma_wait3A_304] : memref<32x12x128x128xf32, #tpu.memory_space<hbm>> -> memref<1x6x128x128xf32, #tpu.memory_space<hbm>>
      %dma_wait3A_306 = tpu.memref_squeeze %dma_wait3A_305 : memref<1x6x128x128xf32, #tpu.memory_space<hbm>> -> memref<6x128x128xf32, #tpu.memory_space<hbm>>
      tpu.wait_dma2 semaphore(%run_scoped3A : memref<!tpu.dma_semaphore, #tpu.memory_space<semaphore_mem>>) src(%arg6 : memref<6x128x128xf32, #tpu.memory_space<vmem>>) dst(%dma_wait3A_306 : memref<6x128x128xf32, #tpu.memory_space<hbm>>)
      tpu.yield
    }) : () -> ()
    return
  }
}

#map = affine_map<(d0, d1) -> (0, 0)>
#map1 = affine_map<(d0, d1) -> (0, 0, 0)>
#map2 = affine_map<(d0, d1) -> (0, 0, 0, 0)>
module attributes {stable_mosaic.version = 14 : i64} {
  func.func @gather_kernel(%arg0: i32, %arg1: i32, %arg2: memref<1000000x128xf32, #tpu.memory_space<hbm>>, %arg3: memref<32x12x128xi32, #tpu.memory_space<hbm>>, %arg4: memref<32x12x128x128xf32, #tpu.memory_space<hbm>>, %arg5: memref<12x128xi32, #tpu.memory_space<vmem>>, %arg6: memref<6x128x128xf32, #tpu.memory_space<vmem>>, %arg7: memref<!tpu.dma_semaphore, #tpu.memory_space<semaphore_mem>>) attributes {dimension_semantics = [#tpu.dimension_semantics<core_parallel>, #tpu.dimension_semantics<subcore_parallel>], iteration_bounds = array<i64: 2, 16>, scalar_prefetch = 0 : i64, scratch_operands = 3 : i64, tpu.core_type = #tpu.core_type<sc_vector_subcore>, window_params = [{transform_indices = #map}, {transform_indices = #map1}, {transform_indices = #map2}]} {
    %mul3A = arith.constant 2 : i32
    %mul3A_0 = arith.muli %arg1, %mul3A : i32
    %add3A = arith.addi %mul3A_0, %arg0 : i32
    "tpu.region"() ({
      %run_scoped3A = tpu.sem_alloc : memref<!tpu.dma_semaphore, #tpu.memory_space<semaphore_mem>>
      %dma_start3A_287 = arith.constant 0 : i32
      %dma_start3A_288 = arith.constant 0 : i32
      %dma_start3A_289 = tpu.memref_slice %arg3[%add3A, %dma_start3A_287, %dma_start3A_288] : memref<32x12x128xi32, #tpu.memory_space<hbm>> -> memref<1x12x128xi32, #tpu.memory_space<hbm>>
      %dma_start3A_290 = tpu.memref_squeeze %dma_start3A_289 : memref<1x12x128xi32, #tpu.memory_space<hbm>> -> memref<12x128xi32, #tpu.memory_space<hbm>>
      %dma_start3A_291 = arith.constant 0 : i32
      %dma_start3A_292 = arith.constant 0 : i32
      %dma_start3A_293 = tpu.memref_slice %arg3[%add3A, %dma_start3A_291, %dma_start3A_292] : memref<32x12x128xi32, #tpu.memory_space<hbm>> -> memref<1x12x128xi32, #tpu.memory_space<hbm>>
      %dma_start3A_294 = tpu.memref_squeeze %dma_start3A_293 : memref<1x12x128xi32, #tpu.memory_space<hbm>> -> memref<12x128xi32, #tpu.memory_space<hbm>>
      tpu.enqueue_dma source(%dma_start3A_294 : memref<12x128xi32, #tpu.memory_space<hbm>>) target(%arg5 : memref<12x128xi32, #tpu.memory_space<vmem>>) target_semaphore(%run_scoped3A : memref<!tpu.dma_semaphore, #tpu.memory_space<semaphore_mem>>)
      %dma_wait3A_295 = arith.constant 0 : i32
      %dma_wait3A_296 = arith.constant 0 : i32
      %dma_wait3A_297 = tpu.memref_slice %arg3[%add3A, %dma_wait3A_295, %dma_wait3A_296] : memref<32x12x128xi32, #tpu.memory_space<hbm>> -> memref<1x12x128xi32, #tpu.memory_space<hbm>>
      %dma_wait3A_298 = tpu.memref_squeeze %dma_wait3A_297 : memref<1x12x128xi32, #tpu.memory_space<hbm>> -> memref<12x128xi32, #tpu.memory_space<hbm>>
      %dma_wait3A_299 = arith.constant 0 : i32
      %dma_wait3A_300 = arith.constant 0 : i32
      %dma_wait3A_301 = tpu.memref_slice %arg3[%add3A, %dma_wait3A_299, %dma_wait3A_300] : memref<32x12x128xi32, #tpu.memory_space<hbm>> -> memref<1x12x128xi32, #tpu.memory_space<hbm>>
      %dma_wait3A_302 = tpu.memref_squeeze %dma_wait3A_301 : memref<1x12x128xi32, #tpu.memory_space<hbm>> -> memref<12x128xi32, #tpu.memory_space<hbm>>
      tpu.wait_dma2 semaphore(%run_scoped3A : memref<!tpu.dma_semaphore, #tpu.memory_space<semaphore_mem>>) src(%dma_wait3A_302 : memref<12x128xi32, #tpu.memory_space<hbm>>) dst(%arg5 : memref<12x128xi32, #tpu.memory_space<vmem>>)
      tpu.yield
    }) : () -> ()
    %dma_start3A = arith.constant 0 : i32
    %dma_start3A_1 = arith.constant 0 : i32
    %dma_start3A_2 = arith.constant 0 : i32
    %dma_start3A_3 = arith.constant 0 : i32
    %dma_start3A_4 = tpu.memref_slice %arg6[%dma_start3A_1, %dma_start3A_2, %dma_start3A_3] : memref<6x128x128xf32, #tpu.memory_space<vmem>> -> memref<1x128x128xf32, #tpu.memory_space<vmem>>
    %dma_start3A_5 = tpu.memref_squeeze %dma_start3A_4 : memref<1x128x128xf32, #tpu.memory_space<vmem>> -> memref<128x128xf32, #tpu.memory_space<vmem>>
    %dma_start3A_6 = arith.constant 0 : i32
    %dma_start3A_7 = tpu.memref_slice %arg5[%dma_start3A, %dma_start3A_6] : memref<12x128xi32, #tpu.memory_space<vmem>> -> memref<1x128xi32, #tpu.memory_space<vmem>>
    %dma_start3A_8 = tpu.memref_squeeze %dma_start3A_7 : memref<1x128xi32, #tpu.memory_space<vmem>> -> memref<128xi32, #tpu.memory_space<vmem>>
    %dma_start3A_9 = arith.constant 0 : i32
    %dma_start3A_10 = arith.constant 0 : i32
    %dma_start3A_11 = tpu.memref_slice %arg2[%dma_start3A_9, %dma_start3A_10] : memref<1000000x128xf32, #tpu.memory_space<hbm>> -> memref<1000000x128xf32, #tpu.memory_space<hbm>>
    tpu.enqueue_indirect_dma source(%dma_start3A_11 : memref<1000000x128xf32, #tpu.memory_space<hbm>>) target(%dma_start3A_5 : memref<128x128xf32, #tpu.memory_space<vmem>>) offsets(%dma_start3A_8 : memref<128xi32, #tpu.memory_space<vmem>>) semaphore(%arg7 : memref<!tpu.dma_semaphore, #tpu.memory_space<semaphore_mem>>)
    %dma_start3A_12 = arith.constant 1 : i32
    %dma_start3A_13 = arith.constant 1 : i32
    %dma_start3A_14 = arith.constant 0 : i32
    %dma_start3A_15 = arith.constant 0 : i32
    %dma_start3A_16 = tpu.memref_slice %arg6[%dma_start3A_13, %dma_start3A_14, %dma_start3A_15] : memref<6x128x128xf32, #tpu.memory_space<vmem>> -> memref<1x128x128xf32, #tpu.memory_space<vmem>>
    %dma_start3A_17 = tpu.memref_squeeze %dma_start3A_16 : memref<1x128x128xf32, #tpu.memory_space<vmem>> -> memref<128x128xf32, #tpu.memory_space<vmem>>
    %dma_start3A_18 = arith.constant 0 : i32
    %dma_start3A_19 = tpu.memref_slice %arg5[%dma_start3A_12, %dma_start3A_18] : memref<12x128xi32, #tpu.memory_space<vmem>> -> memref<1x128xi32, #tpu.memory_space<vmem>>
    %dma_start3A_20 = tpu.memref_squeeze %dma_start3A_19 : memref<1x128xi32, #tpu.memory_space<vmem>> -> memref<128xi32, #tpu.memory_space<vmem>>
    %dma_start3A_21 = arith.constant 0 : i32
    %dma_start3A_22 = arith.constant 0 : i32
    %dma_start3A_23 = tpu.memref_slice %arg2[%dma_start3A_21, %dma_start3A_22] : memref<1000000x128xf32, #tpu.memory_space<hbm>> -> memref<1000000x128xf32, #tpu.memory_space<hbm>>
    tpu.enqueue_indirect_dma source(%dma_start3A_23 : memref<1000000x128xf32, #tpu.memory_space<hbm>>) target(%dma_start3A_17 : memref<128x128xf32, #tpu.memory_space<vmem>>) offsets(%dma_start3A_20 : memref<128xi32, #tpu.memory_space<vmem>>) semaphore(%arg7 : memref<!tpu.dma_semaphore, #tpu.memory_space<semaphore_mem>>)
    %dma_start3A_24 = arith.constant 2 : i32
    %dma_start3A_25 = arith.constant 2 : i32
    %dma_start3A_26 = arith.constant 0 : i32
    %dma_start3A_27 = arith.constant 0 : i32
    %dma_start3A_28 = tpu.memref_slice %arg6[%dma_start3A_25, %dma_start3A_26, %dma_start3A_27] : memref<6x128x128xf32, #tpu.memory_space<vmem>> -> memref<1x128x128xf32, #tpu.memory_space<vmem>>
    %dma_start3A_29 = tpu.memref_squeeze %dma_start3A_28 : memref<1x128x128xf32, #tpu.memory_space<vmem>> -> memref<128x128xf32, #tpu.memory_space<vmem>>
    %dma_start3A_30 = arith.constant 0 : i32
    %dma_start3A_31 = tpu.memref_slice %arg5[%dma_start3A_24, %dma_start3A_30] : memref<12x128xi32, #tpu.memory_space<vmem>> -> memref<1x128xi32, #tpu.memory_space<vmem>>
    %dma_start3A_32 = tpu.memref_squeeze %dma_start3A_31 : memref<1x128xi32, #tpu.memory_space<vmem>> -> memref<128xi32, #tpu.memory_space<vmem>>
    %dma_start3A_33 = arith.constant 0 : i32
    %dma_start3A_34 = arith.constant 0 : i32
    %dma_start3A_35 = tpu.memref_slice %arg2[%dma_start3A_33, %dma_start3A_34] : memref<1000000x128xf32, #tpu.memory_space<hbm>> -> memref<1000000x128xf32, #tpu.memory_space<hbm>>
    tpu.enqueue_indirect_dma source(%dma_start3A_35 : memref<1000000x128xf32, #tpu.memory_space<hbm>>) target(%dma_start3A_29 : memref<128x128xf32, #tpu.memory_space<vmem>>) offsets(%dma_start3A_32 : memref<128xi32, #tpu.memory_space<vmem>>) semaphore(%arg7 : memref<!tpu.dma_semaphore, #tpu.memory_space<semaphore_mem>>)
    %dma_start3A_36 = arith.constant 3 : i32
    %dma_start3A_37 = arith.constant 3 : i32
    %dma_start3A_38 = arith.constant 0 : i32
    %dma_start3A_39 = arith.constant 0 : i32
    %dma_start3A_40 = tpu.memref_slice %arg6[%dma_start3A_37, %dma_start3A_38, %dma_start3A_39] : memref<6x128x128xf32, #tpu.memory_space<vmem>> -> memref<1x128x128xf32, #tpu.memory_space<vmem>>
    %dma_start3A_41 = tpu.memref_squeeze %dma_start3A_40 : memref<1x128x128xf32, #tpu.memory_space<vmem>> -> memref<128x128xf32, #tpu.memory_space<vmem>>
    %dma_start3A_42 = arith.constant 0 : i32
    %dma_start3A_43 = tpu.memref_slice %arg5[%dma_start3A_36, %dma_start3A_42] : memref<12x128xi32, #tpu.memory_space<vmem>> -> memref<1x128xi32, #tpu.memory_space<vmem>>
    %dma_start3A_44 = tpu.memref_squeeze %dma_start3A_43 : memref<1x128xi32, #tpu.memory_space<vmem>> -> memref<128xi32, #tpu.memory_space<vmem>>
    %dma_start3A_45 = arith.constant 0 : i32
    %dma_start3A_46 = arith.constant 0 : i32
    %dma_start3A_47 = tpu.memref_slice %arg2[%dma_start3A_45, %dma_start3A_46] : memref<1000000x128xf32, #tpu.memory_space<hbm>> -> memref<1000000x128xf32, #tpu.memory_space<hbm>>
    tpu.enqueue_indirect_dma source(%dma_start3A_47 : memref<1000000x128xf32, #tpu.memory_space<hbm>>) target(%dma_start3A_41 : memref<128x128xf32, #tpu.memory_space<vmem>>) offsets(%dma_start3A_44 : memref<128xi32, #tpu.memory_space<vmem>>) semaphore(%arg7 : memref<!tpu.dma_semaphore, #tpu.memory_space<semaphore_mem>>)
    %dma_start3A_48 = arith.constant 4 : i32
    %dma_start3A_49 = arith.constant 4 : i32
    %dma_start3A_50 = arith.constant 0 : i32
    %dma_start3A_51 = arith.constant 0 : i32
    %dma_start3A_52 = tpu.memref_slice %arg6[%dma_start3A_49, %dma_start3A_50, %dma_start3A_51] : memref<6x128x128xf32, #tpu.memory_space<vmem>> -> memref<1x128x128xf32, #tpu.memory_space<vmem>>
    %dma_start3A_53 = tpu.memref_squeeze %dma_start3A_52 : memref<1x128x128xf32, #tpu.memory_space<vmem>> -> memref<128x128xf32, #tpu.memory_space<vmem>>
    %dma_start3A_54 = arith.constant 0 : i32
    %dma_start3A_55 = tpu.memref_slice %arg5[%dma_start3A_48, %dma_start3A_54] : memref<12x128xi32, #tpu.memory_space<vmem>> -> memref<1x128xi32, #tpu.memory_space<vmem>>
    %dma_start3A_56 = tpu.memref_squeeze %dma_start3A_55 : memref<1x128xi32, #tpu.memory_space<vmem>> -> memref<128xi32, #tpu.memory_space<vmem>>
    %dma_start3A_57 = arith.constant 0 : i32
    %dma_start3A_58 = arith.constant 0 : i32
    %dma_start3A_59 = tpu.memref_slice %arg2[%dma_start3A_57, %dma_start3A_58] : memref<1000000x128xf32, #tpu.memory_space<hbm>> -> memref<1000000x128xf32, #tpu.memory_space<hbm>>
    tpu.enqueue_indirect_dma source(%dma_start3A_59 : memref<1000000x128xf32, #tpu.memory_space<hbm>>) target(%dma_start3A_53 : memref<128x128xf32, #tpu.memory_space<vmem>>) offsets(%dma_start3A_56 : memref<128xi32, #tpu.memory_space<vmem>>) semaphore(%arg7 : memref<!tpu.dma_semaphore, #tpu.memory_space<semaphore_mem>>)
    %dma_start3A_60 = arith.constant 5 : i32
    %dma_start3A_61 = arith.constant 5 : i32
    %dma_start3A_62 = arith.constant 0 : i32
    %dma_start3A_63 = arith.constant 0 : i32
    %dma_start3A_64 = tpu.memref_slice %arg6[%dma_start3A_61, %dma_start3A_62, %dma_start3A_63] : memref<6x128x128xf32, #tpu.memory_space<vmem>> -> memref<1x128x128xf32, #tpu.memory_space<vmem>>
    %dma_start3A_65 = tpu.memref_squeeze %dma_start3A_64 : memref<1x128x128xf32, #tpu.memory_space<vmem>> -> memref<128x128xf32, #tpu.memory_space<vmem>>
    %dma_start3A_66 = arith.constant 0 : i32
    %dma_start3A_67 = tpu.memref_slice %arg5[%dma_start3A_60, %dma_start3A_66] : memref<12x128xi32, #tpu.memory_space<vmem>> -> memref<1x128xi32, #tpu.memory_space<vmem>>
    %dma_start3A_68 = tpu.memref_squeeze %dma_start3A_67 : memref<1x128xi32, #tpu.memory_space<vmem>> -> memref<128xi32, #tpu.memory_space<vmem>>
    %dma_start3A_69 = arith.constant 0 : i32
    %dma_start3A_70 = arith.constant 0 : i32
    %dma_start3A_71 = tpu.memref_slice %arg2[%dma_start3A_69, %dma_start3A_70] : memref<1000000x128xf32, #tpu.memory_space<hbm>> -> memref<1000000x128xf32, #tpu.memory_space<hbm>>
    tpu.enqueue_indirect_dma source(%dma_start3A_71 : memref<1000000x128xf32, #tpu.memory_space<hbm>>) target(%dma_start3A_65 : memref<128x128xf32, #tpu.memory_space<vmem>>) offsets(%dma_start3A_68 : memref<128xi32, #tpu.memory_space<vmem>>) semaphore(%arg7 : memref<!tpu.dma_semaphore, #tpu.memory_space<semaphore_mem>>)
    %dma_wait3A = arith.constant 0 : i32
    %dma_wait3A_72 = arith.constant 0 : i32
    %dma_wait3A_73 = arith.constant 0 : i32
    %dma_wait3A_74 = arith.constant 0 : i32
    %dma_wait3A_75 = tpu.memref_slice %arg6[%dma_wait3A_72, %dma_wait3A_73, %dma_wait3A_74] : memref<6x128x128xf32, #tpu.memory_space<vmem>> -> memref<1x128x128xf32, #tpu.memory_space<vmem>>
    %dma_wait3A_76 = tpu.memref_squeeze %dma_wait3A_75 : memref<1x128x128xf32, #tpu.memory_space<vmem>> -> memref<128x128xf32, #tpu.memory_space<vmem>>
    %dma_wait3A_77 = arith.constant 0 : i32
    %dma_wait3A_78 = tpu.memref_slice %arg5[%dma_wait3A, %dma_wait3A_77] : memref<12x128xi32, #tpu.memory_space<vmem>> -> memref<1x128xi32, #tpu.memory_space<vmem>>
    %dma_wait3A_79 = tpu.memref_squeeze %dma_wait3A_78 : memref<1x128xi32, #tpu.memory_space<vmem>> -> memref<128xi32, #tpu.memory_space<vmem>>
    %dma_wait3A_80 = arith.constant 0 : i32
    %dma_wait3A_81 = arith.constant 0 : i32
    %dma_wait3A_82 = tpu.memref_slice %arg2[%dma_wait3A_80, %dma_wait3A_81] : memref<1000000x128xf32, #tpu.memory_space<hbm>> -> memref<1000000x128xf32, #tpu.memory_space<hbm>>
    tpu.wait_indirect_dma semaphore(%arg7 : memref<!tpu.dma_semaphore, #tpu.memory_space<semaphore_mem>>) src(%dma_wait3A_82 : memref<1000000x128xf32, #tpu.memory_space<hbm>>) dst(%dma_wait3A_76 : memref<128x128xf32, #tpu.memory_space<vmem>>)
    %dma_wait3A_83 = arith.constant 1 : i32
    %dma_wait3A_84 = arith.constant 1 : i32
    %dma_wait3A_85 = arith.constant 0 : i32
    %dma_wait3A_86 = arith.constant 0 : i32
    %dma_wait3A_87 = tpu.memref_slice %arg6[%dma_wait3A_84, %dma_wait3A_85, %dma_wait3A_86] : memref<6x128x128xf32, #tpu.memory_space<vmem>> -> memref<1x128x128xf32, #tpu.memory_space<vmem>>
    %dma_wait3A_88 = tpu.memref_squeeze %dma_wait3A_87 : memref<1x128x128xf32, #tpu.memory_space<vmem>> -> memref<128x128xf32, #tpu.memory_space<vmem>>
    %dma_wait3A_89 = arith.constant 0 : i32
    %dma_wait3A_90 = tpu.memref_slice %arg5[%dma_wait3A_83, %dma_wait3A_89] : memref<12x128xi32, #tpu.memory_space<vmem>> -> memref<1x128xi32, #tpu.memory_space<vmem>>
    %dma_wait3A_91 = tpu.memref_squeeze %dma_wait3A_90 : memref<1x128xi32, #tpu.memory_space<vmem>> -> memref<128xi32, #tpu.memory_space<vmem>>
    %dma_wait3A_92 = arith.constant 0 : i32
    %dma_wait3A_93 = arith.constant 0 : i32
    %dma_wait3A_94 = tpu.memref_slice %arg2[%dma_wait3A_92, %dma_wait3A_93] : memref<1000000x128xf32, #tpu.memory_space<hbm>> -> memref<1000000x128xf32, #tpu.memory_space<hbm>>
    tpu.wait_indirect_dma semaphore(%arg7 : memref<!tpu.dma_semaphore, #tpu.memory_space<semaphore_mem>>) src(%dma_wait3A_94 : memref<1000000x128xf32, #tpu.memory_space<hbm>>) dst(%dma_wait3A_88 : memref<128x128xf32, #tpu.memory_space<vmem>>)
    %dma_wait3A_95 = arith.constant 2 : i32
    %dma_wait3A_96 = arith.constant 2 : i32
    %dma_wait3A_97 = arith.constant 0 : i32
    %dma_wait3A_98 = arith.constant 0 : i32
    %dma_wait3A_99 = tpu.memref_slice %arg6[%dma_wait3A_96, %dma_wait3A_97, %dma_wait3A_98] : memref<6x128x128xf32, #tpu.memory_space<vmem>> -> memref<1x128x128xf32, #tpu.memory_space<vmem>>
    %dma_wait3A_100 = tpu.memref_squeeze %dma_wait3A_99 : memref<1x128x128xf32, #tpu.memory_space<vmem>> -> memref<128x128xf32, #tpu.memory_space<vmem>>
    %dma_wait3A_101 = arith.constant 0 : i32
    %dma_wait3A_102 = tpu.memref_slice %arg5[%dma_wait3A_95, %dma_wait3A_101] : memref<12x128xi32, #tpu.memory_space<vmem>> -> memref<1x128xi32, #tpu.memory_space<vmem>>
    %dma_wait3A_103 = tpu.memref_squeeze %dma_wait3A_102 : memref<1x128xi32, #tpu.memory_space<vmem>> -> memref<128xi32, #tpu.memory_space<vmem>>
    %dma_wait3A_104 = arith.constant 0 : i32
    %dma_wait3A_105 = arith.constant 0 : i32
    %dma_wait3A_106 = tpu.memref_slice %arg2[%dma_wait3A_104, %dma_wait3A_105] : memref<1000000x128xf32, #tpu.memory_space<hbm>> -> memref<1000000x128xf32, #tpu.memory_space<hbm>>
    tpu.wait_indirect_dma semaphore(%arg7 : memref<!tpu.dma_semaphore, #tpu.memory_space<semaphore_mem>>) src(%dma_wait3A_106 : memref<1000000x128xf32, #tpu.memory_space<hbm>>) dst(%dma_wait3A_100 : memref<128x128xf32, #tpu.memory_space<vmem>>)
    %dma_wait3A_107 = arith.constant 3 : i32
    %dma_wait3A_108 = arith.constant 3 : i32
    %dma_wait3A_109 = arith.constant 0 : i32
    %dma_wait3A_110 = arith.constant 0 : i32
    %dma_wait3A_111 = tpu.memref_slice %arg6[%dma_wait3A_108, %dma_wait3A_109, %dma_wait3A_110] : memref<6x128x128xf32, #tpu.memory_space<vmem>> -> memref<1x128x128xf32, #tpu.memory_space<vmem>>
    %dma_wait3A_112 = tpu.memref_squeeze %dma_wait3A_111 : memref<1x128x128xf32, #tpu.memory_space<vmem>> -> memref<128x128xf32, #tpu.memory_space<vmem>>
    %dma_wait3A_113 = arith.constant 0 : i32
    %dma_wait3A_114 = tpu.memref_slice %arg5[%dma_wait3A_107, %dma_wait3A_113] : memref<12x128xi32, #tpu.memory_space<vmem>> -> memref<1x128xi32, #tpu.memory_space<vmem>>
    %dma_wait3A_115 = tpu.memref_squeeze %dma_wait3A_114 : memref<1x128xi32, #tpu.memory_space<vmem>> -> memref<128xi32, #tpu.memory_space<vmem>>
    %dma_wait3A_116 = arith.constant 0 : i32
    %dma_wait3A_117 = arith.constant 0 : i32
    %dma_wait3A_118 = tpu.memref_slice %arg2[%dma_wait3A_116, %dma_wait3A_117] : memref<1000000x128xf32, #tpu.memory_space<hbm>> -> memref<1000000x128xf32, #tpu.memory_space<hbm>>
    tpu.wait_indirect_dma semaphore(%arg7 : memref<!tpu.dma_semaphore, #tpu.memory_space<semaphore_mem>>) src(%dma_wait3A_118 : memref<1000000x128xf32, #tpu.memory_space<hbm>>) dst(%dma_wait3A_112 : memref<128x128xf32, #tpu.memory_space<vmem>>)
    %dma_wait3A_119 = arith.constant 4 : i32
    %dma_wait3A_120 = arith.constant 4 : i32
    %dma_wait3A_121 = arith.constant 0 : i32
    %dma_wait3A_122 = arith.constant 0 : i32
    %dma_wait3A_123 = tpu.memref_slice %arg6[%dma_wait3A_120, %dma_wait3A_121, %dma_wait3A_122] : memref<6x128x128xf32, #tpu.memory_space<vmem>> -> memref<1x128x128xf32, #tpu.memory_space<vmem>>
    %dma_wait3A_124 = tpu.memref_squeeze %dma_wait3A_123 : memref<1x128x128xf32, #tpu.memory_space<vmem>> -> memref<128x128xf32, #tpu.memory_space<vmem>>
    %dma_wait3A_125 = arith.constant 0 : i32
    %dma_wait3A_126 = tpu.memref_slice %arg5[%dma_wait3A_119, %dma_wait3A_125] : memref<12x128xi32, #tpu.memory_space<vmem>> -> memref<1x128xi32, #tpu.memory_space<vmem>>
    %dma_wait3A_127 = tpu.memref_squeeze %dma_wait3A_126 : memref<1x128xi32, #tpu.memory_space<vmem>> -> memref<128xi32, #tpu.memory_space<vmem>>
    %dma_wait3A_128 = arith.constant 0 : i32
    %dma_wait3A_129 = arith.constant 0 : i32
    %dma_wait3A_130 = tpu.memref_slice %arg2[%dma_wait3A_128, %dma_wait3A_129] : memref<1000000x128xf32, #tpu.memory_space<hbm>> -> memref<1000000x128xf32, #tpu.memory_space<hbm>>
    tpu.wait_indirect_dma semaphore(%arg7 : memref<!tpu.dma_semaphore, #tpu.memory_space<semaphore_mem>>) src(%dma_wait3A_130 : memref<1000000x128xf32, #tpu.memory_space<hbm>>) dst(%dma_wait3A_124 : memref<128x128xf32, #tpu.memory_space<vmem>>)
    %dma_wait3A_131 = arith.constant 5 : i32
    %dma_wait3A_132 = arith.constant 5 : i32
    %dma_wait3A_133 = arith.constant 0 : i32
    %dma_wait3A_134 = arith.constant 0 : i32
    %dma_wait3A_135 = tpu.memref_slice %arg6[%dma_wait3A_132, %dma_wait3A_133, %dma_wait3A_134] : memref<6x128x128xf32, #tpu.memory_space<vmem>> -> memref<1x128x128xf32, #tpu.memory_space<vmem>>
    %dma_wait3A_136 = tpu.memref_squeeze %dma_wait3A_135 : memref<1x128x128xf32, #tpu.memory_space<vmem>> -> memref<128x128xf32, #tpu.memory_space<vmem>>
    %dma_wait3A_137 = arith.constant 0 : i32
    %dma_wait3A_138 = tpu.memref_slice %arg5[%dma_wait3A_131, %dma_wait3A_137] : memref<12x128xi32, #tpu.memory_space<vmem>> -> memref<1x128xi32, #tpu.memory_space<vmem>>
    %dma_wait3A_139 = tpu.memref_squeeze %dma_wait3A_138 : memref<1x128xi32, #tpu.memory_space<vmem>> -> memref<128xi32, #tpu.memory_space<vmem>>
    %dma_wait3A_140 = arith.constant 0 : i32
    %dma_wait3A_141 = arith.constant 0 : i32
    %dma_wait3A_142 = tpu.memref_slice %arg2[%dma_wait3A_140, %dma_wait3A_141] : memref<1000000x128xf32, #tpu.memory_space<hbm>> -> memref<1000000x128xf32, #tpu.memory_space<hbm>>
    tpu.wait_indirect_dma semaphore(%arg7 : memref<!tpu.dma_semaphore, #tpu.memory_space<semaphore_mem>>) src(%dma_wait3A_142 : memref<1000000x128xf32, #tpu.memory_space<hbm>>) dst(%dma_wait3A_136 : memref<128x128xf32, #tpu.memory_space<vmem>>)
    "tpu.region"() ({
      %run_scoped3A = tpu.sem_alloc : memref<!tpu.dma_semaphore, #tpu.memory_space<semaphore_mem>>
      %dma_start3A_287 = arith.constant 0 : i32
      %dma_start3A_288 = arith.constant 0 : i32
      %dma_start3A_289 = arith.constant 0 : i32
      %dma_start3A_290 = tpu.memref_slice %arg4[%add3A, %dma_start3A_287, %dma_start3A_288, %dma_start3A_289] : memref<32x12x128x128xf32, #tpu.memory_space<hbm>> -> memref<1x6x128x128xf32, #tpu.memory_space<hbm>>
      %dma_start3A_291 = tpu.memref_squeeze %dma_start3A_290 : memref<1x6x128x128xf32, #tpu.memory_space<hbm>> -> memref<6x128x128xf32, #tpu.memory_space<hbm>>
      %dma_start3A_292 = arith.constant 0 : i32
      %dma_start3A_293 = arith.constant 0 : i32
      %dma_start3A_294 = arith.constant 0 : i32
      %dma_start3A_295 = tpu.memref_slice %arg4[%add3A, %dma_start3A_292, %dma_start3A_293, %dma_start3A_294] : memref<32x12x128x128xf32, #tpu.memory_space<hbm>> -> memref<1x6x128x128xf32, #tpu.memory_space<hbm>>
      %dma_start3A_296 = tpu.memref_squeeze %dma_start3A_295 : memref<1x6x128x128xf32, #tpu.memory_space<hbm>> -> memref<6x128x128xf32, #tpu.memory_space<hbm>>
      tpu.enqueue_dma source(%arg6 : memref<6x128x128xf32, #tpu.memory_space<vmem>>) target(%dma_start3A_296 : memref<6x128x128xf32, #tpu.memory_space<hbm>>) target_semaphore(%run_scoped3A : memref<!tpu.dma_semaphore, #tpu.memory_space<semaphore_mem>>)
      %dma_wait3A_297 = arith.constant 0 : i32
      %dma_wait3A_298 = arith.constant 0 : i32
      %dma_wait3A_299 = arith.constant 0 : i32
      %dma_wait3A_300 = tpu.memref_slice %arg4[%add3A, %dma_wait3A_297, %dma_wait3A_298, %dma_wait3A_299] : memref<32x12x128x128xf32, #tpu.memory_space<hbm>> -> memref<1x6x128x128xf32, #tpu.memory_space<hbm>>
      %dma_wait3A_301 = tpu.memref_squeeze %dma_wait3A_300 : memref<1x6x128x128xf32, #tpu.memory_space<hbm>> -> memref<6x128x128xf32, #tpu.memory_space<hbm>>
      %dma_wait3A_302 = arith.constant 0 : i32
      %dma_wait3A_303 = arith.constant 0 : i32
      %dma_wait3A_304 = arith.constant 0 : i32
      %dma_wait3A_305 = tpu.memref_slice %arg4[%add3A, %dma_wait3A_302, %dma_wait3A_303, %dma_wait3A_304] : memref<32x12x128x128xf32, #tpu.memory_space<hbm>> -> memref<1x6x128x128xf32, #tpu.memory_space<hbm>>
      %dma_wait3A_306 = tpu.memref_squeeze %dma_wait3A_305 : memref<1x6x128x128xf32, #tpu.memory_space<hbm>> -> memref<6x128x128xf32, #tpu.memory_space<hbm>>
      tpu.wait_dma2 semaphore(%run_scoped3A : memref<!tpu.dma_semaphore, #tpu.memory_space<semaphore_mem>>) src(%arg6 : memref<6x128x128xf32, #tpu.memory_space<vmem>>) dst(%dma_wait3A_306 : memref<6x128x128xf32, #tpu.memory_space<hbm>>)
      tpu.yield
    }) : () -> ()
    %dma_start3A_143 = arith.constant 6 : i32
    %dma_start3A_144 = arith.constant 0 : i32
    %dma_start3A_145 = arith.constant 0 : i32
    %dma_start3A_146 = arith.constant 0 : i32
    %dma_start3A_147 = tpu.memref_slice %arg6[%dma_start3A_144, %dma_start3A_145, %dma_start3A_146] : memref<6x128x128xf32, #tpu.memory_space<vmem>> -> memref<1x128x128xf32, #tpu.memory_space<vmem>>
    %dma_start3A_148 = tpu.memref_squeeze %dma_start3A_147 : memref<1x128x128xf32, #tpu.memory_space<vmem>> -> memref<128x128xf32, #tpu.memory_space<vmem>>
    %dma_start3A_149 = arith.constant 0 : i32
    %dma_start3A_150 = tpu.memref_slice %arg5[%dma_start3A_143, %dma_start3A_149] : memref<12x128xi32, #tpu.memory_space<vmem>> -> memref<1x128xi32, #tpu.memory_space<vmem>>
    %dma_start3A_151 = tpu.memref_squeeze %dma_start3A_150 : memref<1x128xi32, #tpu.memory_space<vmem>> -> memref<128xi32, #tpu.memory_space<vmem>>
    %dma_start3A_152 = arith.constant 0 : i32
    %dma_start3A_153 = arith.constant 0 : i32
    %dma_start3A_154 = tpu.memref_slice %arg2[%dma_start3A_152, %dma_start3A_153] : memref<1000000x128xf32, #tpu.memory_space<hbm>> -> memref<1000000x128xf32, #tpu.memory_space<hbm>>
    tpu.enqueue_indirect_dma source(%dma_start3A_154 : memref<1000000x128xf32, #tpu.memory_space<hbm>>) target(%dma_start3A_148 : memref<128x128xf32, #tpu.memory_space<vmem>>) offsets(%dma_start3A_151 : memref<128xi32, #tpu.memory_space<vmem>>) semaphore(%arg7 : memref<!tpu.dma_semaphore, #tpu.memory_space<semaphore_mem>>)
    %dma_start3A_155 = arith.constant 7 : i32
    %dma_start3A_156 = arith.constant 1 : i32
    %dma_start3A_157 = arith.constant 0 : i32
    %dma_start3A_158 = arith.constant 0 : i32
    %dma_start3A_159 = tpu.memref_slice %arg6[%dma_start3A_156, %dma_start3A_157, %dma_start3A_158] : memref<6x128x128xf32, #tpu.memory_space<vmem>> -> memref<1x128x128xf32, #tpu.memory_space<vmem>>
    %dma_start3A_160 = tpu.memref_squeeze %dma_start3A_159 : memref<1x128x128xf32, #tpu.memory_space<vmem>> -> memref<128x128xf32, #tpu.memory_space<vmem>>
    %dma_start3A_161 = arith.constant 0 : i32
    %dma_start3A_162 = tpu.memref_slice %arg5[%dma_start3A_155, %dma_start3A_161] : memref<12x128xi32, #tpu.memory_space<vmem>> -> memref<1x128xi32, #tpu.memory_space<vmem>>
    %dma_start3A_163 = tpu.memref_squeeze %dma_start3A_162 : memref<1x128xi32, #tpu.memory_space<vmem>> -> memref<128xi32, #tpu.memory_space<vmem>>
    %dma_start3A_164 = arith.constant 0 : i32
    %dma_start3A_165 = arith.constant 0 : i32
    %dma_start3A_166 = tpu.memref_slice %arg2[%dma_start3A_164, %dma_start3A_165] : memref<1000000x128xf32, #tpu.memory_space<hbm>> -> memref<1000000x128xf32, #tpu.memory_space<hbm>>
    tpu.enqueue_indirect_dma source(%dma_start3A_166 : memref<1000000x128xf32, #tpu.memory_space<hbm>>) target(%dma_start3A_160 : memref<128x128xf32, #tpu.memory_space<vmem>>) offsets(%dma_start3A_163 : memref<128xi32, #tpu.memory_space<vmem>>) semaphore(%arg7 : memref<!tpu.dma_semaphore, #tpu.memory_space<semaphore_mem>>)
    %dma_start3A_167 = arith.constant 8 : i32
    %dma_start3A_168 = arith.constant 2 : i32
    %dma_start3A_169 = arith.constant 0 : i32
    %dma_start3A_170 = arith.constant 0 : i32
    %dma_start3A_171 = tpu.memref_slice %arg6[%dma_start3A_168, %dma_start3A_169, %dma_start3A_170] : memref<6x128x128xf32, #tpu.memory_space<vmem>> -> memref<1x128x128xf32, #tpu.memory_space<vmem>>
    %dma_start3A_172 = tpu.memref_squeeze %dma_start3A_171 : memref<1x128x128xf32, #tpu.memory_space<vmem>> -> memref<128x128xf32, #tpu.memory_space<vmem>>
    %dma_start3A_173 = arith.constant 0 : i32
    %dma_start3A_174 = tpu.memref_slice %arg5[%dma_start3A_167, %dma_start3A_173] : memref<12x128xi32, #tpu.memory_space<vmem>> -> memref<1x128xi32, #tpu.memory_space<vmem>>
    %dma_start3A_175 = tpu.memref_squeeze %dma_start3A_174 : memref<1x128xi32, #tpu.memory_space<vmem>> -> memref<128xi32, #tpu.memory_space<vmem>>
    %dma_start3A_176 = arith.constant 0 : i32
    %dma_start3A_177 = arith.constant 0 : i32
    %dma_start3A_178 = tpu.memref_slice %arg2[%dma_start3A_176, %dma_start3A_177] : memref<1000000x128xf32, #tpu.memory_space<hbm>> -> memref<1000000x128xf32, #tpu.memory_space<hbm>>
    tpu.enqueue_indirect_dma source(%dma_start3A_178 : memref<1000000x128xf32, #tpu.memory_space<hbm>>) target(%dma_start3A_172 : memref<128x128xf32, #tpu.memory_space<vmem>>) offsets(%dma_start3A_175 : memref<128xi32, #tpu.memory_space<vmem>>) semaphore(%arg7 : memref<!tpu.dma_semaphore, #tpu.memory_space<semaphore_mem>>)
    %dma_start3A_179 = arith.constant 9 : i32
    %dma_start3A_180 = arith.constant 3 : i32
    %dma_start3A_181 = arith.constant 0 : i32
    %dma_start3A_182 = arith.constant 0 : i32
    %dma_start3A_183 = tpu.memref_slice %arg6[%dma_start3A_180, %dma_start3A_181, %dma_start3A_182] : memref<6x128x128xf32, #tpu.memory_space<vmem>> -> memref<1x128x128xf32, #tpu.memory_space<vmem>>
    %dma_start3A_184 = tpu.memref_squeeze %dma_start3A_183 : memref<1x128x128xf32, #tpu.memory_space<vmem>> -> memref<128x128xf32, #tpu.memory_space<vmem>>
    %dma_start3A_185 = arith.constant 0 : i32
    %dma_start3A_186 = tpu.memref_slice %arg5[%dma_start3A_179, %dma_start3A_185] : memref<12x128xi32, #tpu.memory_space<vmem>> -> memref<1x128xi32, #tpu.memory_space<vmem>>
    %dma_start3A_187 = tpu.memref_squeeze %dma_start3A_186 : memref<1x128xi32, #tpu.memory_space<vmem>> -> memref<128xi32, #tpu.memory_space<vmem>>
    %dma_start3A_188 = arith.constant 0 : i32
    %dma_start3A_189 = arith.constant 0 : i32
    %dma_start3A_190 = tpu.memref_slice %arg2[%dma_start3A_188, %dma_start3A_189] : memref<1000000x128xf32, #tpu.memory_space<hbm>> -> memref<1000000x128xf32, #tpu.memory_space<hbm>>
    tpu.enqueue_indirect_dma source(%dma_start3A_190 : memref<1000000x128xf32, #tpu.memory_space<hbm>>) target(%dma_start3A_184 : memref<128x128xf32, #tpu.memory_space<vmem>>) offsets(%dma_start3A_187 : memref<128xi32, #tpu.memory_space<vmem>>) semaphore(%arg7 : memref<!tpu.dma_semaphore, #tpu.memory_space<semaphore_mem>>)
    %dma_start3A_191 = arith.constant 10 : i32
    %dma_start3A_192 = arith.constant 4 : i32
    %dma_start3A_193 = arith.constant 0 : i32
    %dma_start3A_194 = arith.constant 0 : i32
    %dma_start3A_195 = tpu.memref_slice %arg6[%dma_start3A_192, %dma_start3A_193, %dma_start3A_194] : memref<6x128x128xf32, #tpu.memory_space<vmem>> -> memref<1x128x128xf32, #tpu.memory_space<vmem>>
    %dma_start3A_196 = tpu.memref_squeeze %dma_start3A_195 : memref<1x128x128xf32, #tpu.memory_space<vmem>> -> memref<128x128xf32, #tpu.memory_space<vmem>>
    %dma_start3A_197 = arith.constant 0 : i32
    %dma_start3A_198 = tpu.memref_slice %arg5[%dma_start3A_191, %dma_start3A_197] : memref<12x128xi32, #tpu.memory_space<vmem>> -> memref<1x128xi32, #tpu.memory_space<vmem>>
    %dma_start3A_199 = tpu.memref_squeeze %dma_start3A_198 : memref<1x128xi32, #tpu.memory_space<vmem>> -> memref<128xi32, #tpu.memory_space<vmem>>
    %dma_start3A_200 = arith.constant 0 : i32
    %dma_start3A_201 = arith.constant 0 : i32
    %dma_start3A_202 = tpu.memref_slice %arg2[%dma_start3A_200, %dma_start3A_201] : memref<1000000x128xf32, #tpu.memory_space<hbm>> -> memref<1000000x128xf32, #tpu.memory_space<hbm>>
    tpu.enqueue_indirect_dma source(%dma_start3A_202 : memref<1000000x128xf32, #tpu.memory_space<hbm>>) target(%dma_start3A_196 : memref<128x128xf32, #tpu.memory_space<vmem>>) offsets(%dma_start3A_199 : memref<128xi32, #tpu.memory_space<vmem>>) semaphore(%arg7 : memref<!tpu.dma_semaphore, #tpu.memory_space<semaphore_mem>>)
    %dma_start3A_203 = arith.constant 11 : i32
    %dma_start3A_204 = arith.constant 5 : i32
    %dma_start3A_205 = arith.constant 0 : i32
    %dma_start3A_206 = arith.constant 0 : i32
    %dma_start3A_207 = tpu.memref_slice %arg6[%dma_start3A_204, %dma_start3A_205, %dma_start3A_206] : memref<6x128x128xf32, #tpu.memory_space<vmem>> -> memref<1x128x128xf32, #tpu.memory_space<vmem>>
    %dma_start3A_208 = tpu.memref_squeeze %dma_start3A_207 : memref<1x128x128xf32, #tpu.memory_space<vmem>> -> memref<128x128xf32, #tpu.memory_space<vmem>>
    %dma_start3A_209 = arith.constant 0 : i32
    %dma_start3A_210 = tpu.memref_slice %arg5[%dma_start3A_203, %dma_start3A_209] : memref<12x128xi32, #tpu.memory_space<vmem>> -> memref<1x128xi32, #tpu.memory_space<vmem>>
    %dma_start3A_211 = tpu.memref_squeeze %dma_start3A_210 : memref<1x128xi32, #tpu.memory_space<vmem>> -> memref<128xi32, #tpu.memory_space<vmem>>
    %dma_start3A_212 = arith.constant 0 : i32
    %dma_start3A_213 = arith.constant 0 : i32
    %dma_start3A_214 = tpu.memref_slice %arg2[%dma_start3A_212, %dma_start3A_213] : memref<1000000x128xf32, #tpu.memory_space<hbm>> -> memref<1000000x128xf32, #tpu.memory_space<hbm>>
    tpu.enqueue_indirect_dma source(%dma_start3A_214 : memref<1000000x128xf32, #tpu.memory_space<hbm>>) target(%dma_start3A_208 : memref<128x128xf32, #tpu.memory_space<vmem>>) offsets(%dma_start3A_211 : memref<128xi32, #tpu.memory_space<vmem>>) semaphore(%arg7 : memref<!tpu.dma_semaphore, #tpu.memory_space<semaphore_mem>>)
    %dma_wait3A_215 = arith.constant 6 : i32
    %dma_wait3A_216 = arith.constant 0 : i32
    %dma_wait3A_217 = arith.constant 0 : i32
    %dma_wait3A_218 = arith.constant 0 : i32
    %dma_wait3A_219 = tpu.memref_slice %arg6[%dma_wait3A_216, %dma_wait3A_217, %dma_wait3A_218] : memref<6x128x128xf32, #tpu.memory_space<vmem>> -> memref<1x128x128xf32, #tpu.memory_space<vmem>>
    %dma_wait3A_220 = tpu.memref_squeeze %dma_wait3A_219 : memref<1x128x128xf32, #tpu.memory_space<vmem>> -> memref<128x128xf32, #tpu.memory_space<vmem>>
    %dma_wait3A_221 = arith.constant 0 : i32
    %dma_wait3A_222 = tpu.memref_slice %arg5[%dma_wait3A_215, %dma_wait3A_221] : memref<12x128xi32, #tpu.memory_space<vmem>> -> memref<1x128xi32, #tpu.memory_space<vmem>>
    %dma_wait3A_223 = tpu.memref_squeeze %dma_wait3A_222 : memref<1x128xi32, #tpu.memory_space<vmem>> -> memref<128xi32, #tpu.memory_space<vmem>>
    %dma_wait3A_224 = arith.constant 0 : i32
    %dma_wait3A_225 = arith.constant 0 : i32
    %dma_wait3A_226 = tpu.memref_slice %arg2[%dma_wait3A_224, %dma_wait3A_225] : memref<1000000x128xf32, #tpu.memory_space<hbm>> -> memref<1000000x128xf32, #tpu.memory_space<hbm>>
    tpu.wait_indirect_dma semaphore(%arg7 : memref<!tpu.dma_semaphore, #tpu.memory_space<semaphore_mem>>) src(%dma_wait3A_226 : memref<1000000x128xf32, #tpu.memory_space<hbm>>) dst(%dma_wait3A_220 : memref<128x128xf32, #tpu.memory_space<vmem>>)
    %dma_wait3A_227 = arith.constant 7 : i32
    %dma_wait3A_228 = arith.constant 1 : i32
    %dma_wait3A_229 = arith.constant 0 : i32
    %dma_wait3A_230 = arith.constant 0 : i32
    %dma_wait3A_231 = tpu.memref_slice %arg6[%dma_wait3A_228, %dma_wait3A_229, %dma_wait3A_230] : memref<6x128x128xf32, #tpu.memory_space<vmem>> -> memref<1x128x128xf32, #tpu.memory_space<vmem>>
    %dma_wait3A_232 = tpu.memref_squeeze %dma_wait3A_231 : memref<1x128x128xf32, #tpu.memory_space<vmem>> -> memref<128x128xf32, #tpu.memory_space<vmem>>
    %dma_wait3A_233 = arith.constant 0 : i32
    %dma_wait3A_234 = tpu.memref_slice %arg5[%dma_wait3A_227, %dma_wait3A_233] : memref<12x128xi32, #tpu.memory_space<vmem>> -> memref<1x128xi32, #tpu.memory_space<vmem>>
    %dma_wait3A_235 = tpu.memref_squeeze %dma_wait3A_234 : memref<1x128xi32, #tpu.memory_space<vmem>> -> memref<128xi32, #tpu.memory_space<vmem>>
    %dma_wait3A_236 = arith.constant 0 : i32
    %dma_wait3A_237 = arith.constant 0 : i32
    %dma_wait3A_238 = tpu.memref_slice %arg2[%dma_wait3A_236, %dma_wait3A_237] : memref<1000000x128xf32, #tpu.memory_space<hbm>> -> memref<1000000x128xf32, #tpu.memory_space<hbm>>
    tpu.wait_indirect_dma semaphore(%arg7 : memref<!tpu.dma_semaphore, #tpu.memory_space<semaphore_mem>>) src(%dma_wait3A_238 : memref<1000000x128xf32, #tpu.memory_space<hbm>>) dst(%dma_wait3A_232 : memref<128x128xf32, #tpu.memory_space<vmem>>)
    %dma_wait3A_239 = arith.constant 8 : i32
    %dma_wait3A_240 = arith.constant 2 : i32
    %dma_wait3A_241 = arith.constant 0 : i32
    %dma_wait3A_242 = arith.constant 0 : i32
    %dma_wait3A_243 = tpu.memref_slice %arg6[%dma_wait3A_240, %dma_wait3A_241, %dma_wait3A_242] : memref<6x128x128xf32, #tpu.memory_space<vmem>> -> memref<1x128x128xf32, #tpu.memory_space<vmem>>
    %dma_wait3A_244 = tpu.memref_squeeze %dma_wait3A_243 : memref<1x128x128xf32, #tpu.memory_space<vmem>> -> memref<128x128xf32, #tpu.memory_space<vmem>>
    %dma_wait3A_245 = arith.constant 0 : i32
    %dma_wait3A_246 = tpu.memref_slice %arg5[%dma_wait3A_239, %dma_wait3A_245] : memref<12x128xi32, #tpu.memory_space<vmem>> -> memref<1x128xi32, #tpu.memory_space<vmem>>
    %dma_wait3A_247 = tpu.memref_squeeze %dma_wait3A_246 : memref<1x128xi32, #tpu.memory_space<vmem>> -> memref<128xi32, #tpu.memory_space<vmem>>
    %dma_wait3A_248 = arith.constant 0 : i32
    %dma_wait3A_249 = arith.constant 0 : i32
    %dma_wait3A_250 = tpu.memref_slice %arg2[%dma_wait3A_248, %dma_wait3A_249] : memref<1000000x128xf32, #tpu.memory_space<hbm>> -> memref<1000000x128xf32, #tpu.memory_space<hbm>>
    tpu.wait_indirect_dma semaphore(%arg7 : memref<!tpu.dma_semaphore, #tpu.memory_space<semaphore_mem>>) src(%dma_wait3A_250 : memref<1000000x128xf32, #tpu.memory_space<hbm>>) dst(%dma_wait3A_244 : memref<128x128xf32, #tpu.memory_space<vmem>>)
    %dma_wait3A_251 = arith.constant 9 : i32
    %dma_wait3A_252 = arith.constant 3 : i32
    %dma_wait3A_253 = arith.constant 0 : i32
    %dma_wait3A_254 = arith.constant 0 : i32
    %dma_wait3A_255 = tpu.memref_slice %arg6[%dma_wait3A_252, %dma_wait3A_253, %dma_wait3A_254] : memref<6x128x128xf32, #tpu.memory_space<vmem>> -> memref<1x128x128xf32, #tpu.memory_space<vmem>>
    %dma_wait3A_256 = tpu.memref_squeeze %dma_wait3A_255 : memref<1x128x128xf32, #tpu.memory_space<vmem>> -> memref<128x128xf32, #tpu.memory_space<vmem>>
    %dma_wait3A_257 = arith.constant 0 : i32
    %dma_wait3A_258 = tpu.memref_slice %arg5[%dma_wait3A_251, %dma_wait3A_257] : memref<12x128xi32, #tpu.memory_space<vmem>> -> memref<1x128xi32, #tpu.memory_space<vmem>>
    %dma_wait3A_259 = tpu.memref_squeeze %dma_wait3A_258 : memref<1x128xi32, #tpu.memory_space<vmem>> -> memref<128xi32, #tpu.memory_space<vmem>>
    %dma_wait3A_260 = arith.constant 0 : i32
    %dma_wait3A_261 = arith.constant 0 : i32
    %dma_wait3A_262 = tpu.memref_slice %arg2[%dma_wait3A_260, %dma_wait3A_261] : memref<1000000x128xf32, #tpu.memory_space<hbm>> -> memref<1000000x128xf32, #tpu.memory_space<hbm>>
    tpu.wait_indirect_dma semaphore(%arg7 : memref<!tpu.dma_semaphore, #tpu.memory_space<semaphore_mem>>) src(%dma_wait3A_262 : memref<1000000x128xf32, #tpu.memory_space<hbm>>) dst(%dma_wait3A_256 : memref<128x128xf32, #tpu.memory_space<vmem>>)
    %dma_wait3A_263 = arith.constant 10 : i32
    %dma_wait3A_264 = arith.constant 4 : i32
    %dma_wait3A_265 = arith.constant 0 : i32
    %dma_wait3A_266 = arith.constant 0 : i32
    %dma_wait3A_267 = tpu.memref_slice %arg6[%dma_wait3A_264, %dma_wait3A_265, %dma_wait3A_266] : memref<6x128x128xf32, #tpu.memory_space<vmem>> -> memref<1x128x128xf32, #tpu.memory_space<vmem>>
    %dma_wait3A_268 = tpu.memref_squeeze %dma_wait3A_267 : memref<1x128x128xf32, #tpu.memory_space<vmem>> -> memref<128x128xf32, #tpu.memory_space<vmem>>
    %dma_wait3A_269 = arith.constant 0 : i32
    %dma_wait3A_270 = tpu.memref_slice %arg5[%dma_wait3A_263, %dma_wait3A_269] : memref<12x128xi32, #tpu.memory_space<vmem>> -> memref<1x128xi32, #tpu.memory_space<vmem>>
    %dma_wait3A_271 = tpu.memref_squeeze %dma_wait3A_270 : memref<1x128xi32, #tpu.memory_space<vmem>> -> memref<128xi32, #tpu.memory_space<vmem>>
    %dma_wait3A_272 = arith.constant 0 : i32
    %dma_wait3A_273 = arith.constant 0 : i32
    %dma_wait3A_274 = tpu.memref_slice %arg2[%dma_wait3A_272, %dma_wait3A_273] : memref<1000000x128xf32, #tpu.memory_space<hbm>> -> memref<1000000x128xf32, #tpu.memory_space<hbm>>
    tpu.wait_indirect_dma semaphore(%arg7 : memref<!tpu.dma_semaphore, #tpu.memory_space<semaphore_mem>>) src(%dma_wait3A_274 : memref<1000000x128xf32, #tpu.memory_space<hbm>>) dst(%dma_wait3A_268 : memref<128x128xf32, #tpu.memory_space<vmem>>)
    %dma_wait3A_275 = arith.constant 11 : i32
    %dma_wait3A_276 = arith.constant 5 : i32
    %dma_wait3A_277 = arith.constant 0 : i32
    %dma_wait3A_278 = arith.constant 0 : i32
    %dma_wait3A_279 = tpu.memref_slice %arg6[%dma_wait3A_276, %dma_wait3A_277, %dma_wait3A_278] : memref<6x128x128xf32, #tpu.memory_space<vmem>> -> memref<1x128x128xf32, #tpu.memory_space<vmem>>
    %dma_wait3A_280 = tpu.memref_squeeze %dma_wait3A_279 : memref<1x128x128xf32, #tpu.memory_space<vmem>> -> memref<128x128xf32, #tpu.memory_space<vmem>>
    %dma_wait3A_281 = arith.constant 0 : i32
    %dma_wait3A_282 = tpu.memref_slice %arg5[%dma_wait3A_275, %dma_wait3A_281] : memref<12x128xi32, #tpu.memory_space<vmem>> -> memref<1x128xi32, #tpu.memory_space<vmem>>
    %dma_wait3A_283 = tpu.memref_squeeze %dma_wait3A_282 : memref<1x128xi32, #tpu.memory_space<vmem>> -> memref<128xi32, #tpu.memory_space<vmem>>
    %dma_wait3A_284 = arith.constant 0 : i32
    %dma_wait3A_285 = arith.constant 0 : i32
    %dma_wait3A_286 = tpu.memref_slice %arg2[%dma_wait3A_284, %dma_wait3A_285] : memref<1000000x128xf32, #tpu.memory_space<hbm>> -> memref<1000000x128xf32, #tpu.memory_space<hbm>>
    tpu.wait_indirect_dma semaphore(%arg7 : memref<!tpu.dma_semaphore, #tpu.memory_space<semaphore_mem>>) src(%dma_wait3A_286 : memref<1000000x128xf32, #tpu.memory_space<hbm>>) dst(%dma_wait3A_280 : memref<128x128xf32, #tpu.memory_space<vmem>>)
    "tpu.region"() ({
      %run_scoped3A = tpu.sem_alloc : memref<!tpu.dma_semaphore, #tpu.memory_space<semaphore_mem>>
      %dma_start3A_287 = arith.constant 6 : i32
      %dma_start3A_288 = arith.constant 0 : i32
      %dma_start3A_289 = arith.constant 0 : i32
      %dma_start3A_290 = tpu.memref_slice %arg4[%add3A, %dma_start3A_287, %dma_start3A_288, %dma_start3A_289] : memref<32x12x128x128xf32, #tpu.memory_space<hbm>> -> memref<1x6x128x128xf32, #tpu.memory_space<hbm>>
      %dma_start3A_291 = tpu.memref_squeeze %dma_start3A_290 : memref<1x6x128x128xf32, #tpu.memory_space<hbm>> -> memref<6x128x128xf32, #tpu.memory_space<hbm>>
      %dma_start3A_292 = arith.constant 6 : i32
      %dma_start3A_293 = arith.constant 0 : i32
      %dma_start3A_294 = arith.constant 0 : i32
      %dma_start3A_295 = tpu.memref_slice %arg4[%add3A, %dma_start3A_292, %dma_start3A_293, %dma_start3A_294] : memref<32x12x128x128xf32, #tpu.memory_space<hbm>> -> memref<1x6x128x128xf32, #tpu.memory_space<hbm>>
      %dma_start3A_296 = tpu.memref_squeeze %dma_start3A_295 : memref<1x6x128x128xf32, #tpu.memory_space<hbm>> -> memref<6x128x128xf32, #tpu.memory_space<hbm>>
      tpu.enqueue_dma source(%arg6 : memref<6x128x128xf32, #tpu.memory_space<vmem>>) target(%dma_start3A_296 : memref<6x128x128xf32, #tpu.memory_space<hbm>>) target_semaphore(%run_scoped3A : memref<!tpu.dma_semaphore, #tpu.memory_space<semaphore_mem>>)
      %dma_wait3A_297 = arith.constant 6 : i32
      %dma_wait3A_298 = arith.constant 0 : i32
      %dma_wait3A_299 = arith.constant 0 : i32
      %dma_wait3A_300 = tpu.memref_slice %arg4[%add3A, %dma_wait3A_297, %dma_wait3A_298, %dma_wait3A_299] : memref<32x12x128x128xf32, #tpu.memory_space<hbm>> -> memref<1x6x128x128xf32, #tpu.memory_space<hbm>>
      %dma_wait3A_301 = tpu.memref_squeeze %dma_wait3A_300 : memref<1x6x128x128xf32, #tpu.memory_space<hbm>> -> memref<6x128x128xf32, #tpu.memory_space<hbm>>
      %dma_wait3A_302 = arith.constant 6 : i32
      %dma_wait3A_303 = arith.constant 0 : i32
      %dma_wait3A_304 = arith.constant 0 : i32
      %dma_wait3A_305 = tpu.memref_slice %arg4[%add3A, %dma_wait3A_302, %dma_wait3A_303, %dma_wait3A_304] : memref<32x12x128x128xf32, #tpu.memory_space<hbm>> -> memref<1x6x128x128xf32, #tpu.memory_space<hbm>>
      %dma_wait3A_306 = tpu.memref_squeeze %dma_wait3A_305 : memref<1x6x128x128xf32, #tpu.memory_space<hbm>> -> memref<6x128x128xf32, #tpu.memory_space<hbm>>
      tpu.wait_dma2 semaphore(%run_scoped3A : memref<!tpu.dma_semaphore, #tpu.memory_space<semaphore_mem>>) src(%arg6 : memref<6x128x128xf32, #tpu.memory_space<vmem>>) dst(%dma_wait3A_306 : memref<6x128x128xf32, #tpu.memory_space<hbm>>)
      tpu.yield
    }) : () -> ()
    return
  }
}

#map = affine_map<(d0, d1) -> (0, 0)>
#map1 = affine_map<(d0, d1) -> (0, 0, 0)>
#map2 = affine_map<(d0, d1) -> (0, 0, 0, 0)>
module attributes {stable_mosaic.version = 14 : i64} {
  func.func @gather_kernel(%arg0: i32, %arg1: i32, %arg2: memref<1000000x128xf32, #tpu.memory_space<hbm>>, %arg3: memref<32x12x128xi32, #tpu.memory_space<hbm>>, %arg4: memref<32x12x128x128xf32, #tpu.memory_space<hbm>>, %arg5: memref<12x128xi32, #tpu.memory_space<vmem>>, %arg6: memref<6x128x128xf32, #tpu.memory_space<vmem>>, %arg7: memref<!tpu.dma_semaphore, #tpu.memory_space<semaphore_mem>>) attributes {dimension_semantics = [#tpu.dimension_semantics<core_parallel>, #tpu.dimension_semantics<subcore_parallel>], iteration_bounds = array<i64: 2, 16>, scalar_prefetch = 0 : i64, scratch_operands = 3 : i64, tpu.core_type = #tpu.core_type<sc_vector_subcore>, window_params = [{transform_indices = #map}, {transform_indices = #map1}, {transform_indices = #map2}]} {
    %mul3A = arith.constant 2 : i32
    %mul3A_0 = arith.muli %arg1, %mul3A : i32
    %add3A = arith.addi %mul3A_0, %arg0 : i32
    "tpu.region"() ({
      %run_scoped3A = tpu.sem_alloc : memref<!tpu.dma_semaphore, #tpu.memory_space<semaphore_mem>>
      %dma_start3A_287 = arith.constant 0 : i32
      %dma_start3A_288 = arith.constant 0 : i32
      %dma_start3A_289 = tpu.memref_slice %arg3[%add3A, %dma_start3A_287, %dma_start3A_288] : memref<32x12x128xi32, #tpu.memory_space<hbm>> -> memref<1x12x128xi32, #tpu.memory_space<hbm>>
      %dma_start3A_290 = tpu.memref_squeeze %dma_start3A_289 : memref<1x12x128xi32, #tpu.memory_space<hbm>> -> memref<12x128xi32, #tpu.memory_space<hbm>>
      %dma_start3A_291 = arith.constant 0 : i32
      %dma_start3A_292 = arith.constant 0 : i32
      %dma_start3A_293 = tpu.memref_slice %arg3[%add3A, %dma_start3A_291, %dma_start3A_292] : memref<32x12x128xi32, #tpu.memory_space<hbm>> -> memref<1x12x128xi32, #tpu.memory_space<hbm>>
      %dma_start3A_294 = tpu.memref_squeeze %dma_start3A_293 : memref<1x12x128xi32, #tpu.memory_space<hbm>> -> memref<12x128xi32, #tpu.memory_space<hbm>>
      tpu.enqueue_dma source(%dma_start3A_294 : memref<12x128xi32, #tpu.memory_space<hbm>>) target(%arg5 : memref<12x128xi32, #tpu.memory_space<vmem>>) target_semaphore(%run_scoped3A : memref<!tpu.dma_semaphore, #tpu.memory_space<semaphore_mem>>)
      %dma_wait3A_295 = arith.constant 0 : i32
      %dma_wait3A_296 = arith.constant 0 : i32
      %dma_wait3A_297 = tpu.memref_slice %arg3[%add3A, %dma_wait3A_295, %dma_wait3A_296] : memref<32x12x128xi32, #tpu.memory_space<hbm>> -> memref<1x12x128xi32, #tpu.memory_space<hbm>>
      %dma_wait3A_298 = tpu.memref_squeeze %dma_wait3A_297 : memref<1x12x128xi32, #tpu.memory_space<hbm>> -> memref<12x128xi32, #tpu.memory_space<hbm>>
      %dma_wait3A_299 = arith.constant 0 : i32
      %dma_wait3A_300 = arith.constant 0 : i32
      %dma_wait3A_301 = tpu.memref_slice %arg3[%add3A, %dma_wait3A_299, %dma_wait3A_300] : memref<32x12x128xi32, #tpu.memory_space<hbm>> -> memref<1x12x128xi32, #tpu.memory_space<hbm>>
      %dma_wait3A_302 = tpu.memref_squeeze %dma_wait3A_301 : memref<1x12x128xi32, #tpu.memory_space<hbm>> -> memref<12x128xi32, #tpu.memory_space<hbm>>
      tpu.wait_dma2 semaphore(%run_scoped3A : memref<!tpu.dma_semaphore, #tpu.memory_space<semaphore_mem>>) src(%dma_wait3A_302 : memref<12x128xi32, #tpu.memory_space<hbm>>) dst(%arg5 : memref<12x128xi32, #tpu.memory_space<vmem>>)
      tpu.yield
    }) : () -> ()
    %dma_start3A = arith.constant 0 : i32
    %dma_start3A_1 = arith.constant 0 : i32
    %dma_start3A_2 = arith.constant 0 : i32
    %dma_start3A_3 = arith.constant 0 : i32
    %dma_start3A_4 = tpu.memref_slice %arg6[%dma_start3A_1, %dma_start3A_2, %dma_start3A_3] : memref<6x128x128xf32, #tpu.memory_space<vmem>> -> memref<1x128x128xf32, #tpu.memory_space<vmem>>
    %dma_start3A_5 = tpu.memref_squeeze %dma_start3A_4 : memref<1x128x128xf32, #tpu.memory_space<vmem>> -> memref<128x128xf32, #tpu.memory_space<vmem>>
    %dma_start3A_6 = arith.constant 0 : i32
    %dma_start3A_7 = tpu.memref_slice %arg5[%dma_start3A, %dma_start3A_6] : memref<12x128xi32, #tpu.memory_space<vmem>> -> memref<1x128xi32, #tpu.memory_space<vmem>>
    %dma_start3A_8 = tpu.memref_squeeze %dma_start3A_7 : memref<1x128xi32, #tpu.memory_space<vmem>> -> memref<128xi32, #tpu.memory_space<vmem>>
    %dma_start3A_9 = arith.constant 0 : i32
    %dma_start3A_10 = arith.constant 0 : i32
    %dma_start3A_11 = tpu.memref_slice %arg2[%dma_start3A_9, %dma_start3A_10] : memref<1000000x128xf32, #tpu.memory_space<hbm>> -> memref<1000000x128xf32, #tpu.memory_space<hbm>>
    tpu.enqueue_indirect_dma source(%dma_start3A_11 : memref<1000000x128xf32, #tpu.memory_space<hbm>>) target(%dma_start3A_5 : memref<128x128xf32, #tpu.memory_space<vmem>>) offsets(%dma_start3A_8 : memref<128xi32, #tpu.memory_space<vmem>>) semaphore(%arg7 : memref<!tpu.dma_semaphore, #tpu.memory_space<semaphore_mem>>)
    %dma_start3A_12 = arith.constant 1 : i32
    %dma_start3A_13 = arith.constant 1 : i32
    %dma_start3A_14 = arith.constant 0 : i32
    %dma_start3A_15 = arith.constant 0 : i32
    %dma_start3A_16 = tpu.memref_slice %arg6[%dma_start3A_13, %dma_start3A_14, %dma_start3A_15] : memref<6x128x128xf32, #tpu.memory_space<vmem>> -> memref<1x128x128xf32, #tpu.memory_space<vmem>>
    %dma_start3A_17 = tpu.memref_squeeze %dma_start3A_16 : memref<1x128x128xf32, #tpu.memory_space<vmem>> -> memref<128x128xf32, #tpu.memory_space<vmem>>
    %dma_start3A_18 = arith.constant 0 : i32
    %dma_start3A_19 = tpu.memref_slice %arg5[%dma_start3A_12, %dma_start3A_18] : memref<12x128xi32, #tpu.memory_space<vmem>> -> memref<1x128xi32, #tpu.memory_space<vmem>>
    %dma_start3A_20 = tpu.memref_squeeze %dma_start3A_19 : memref<1x128xi32, #tpu.memory_space<vmem>> -> memref<128xi32, #tpu.memory_space<vmem>>
    %dma_start3A_21 = arith.constant 0 : i32
    %dma_start3A_22 = arith.constant 0 : i32
    %dma_start3A_23 = tpu.memref_slice %arg2[%dma_start3A_21, %dma_start3A_22] : memref<1000000x128xf32, #tpu.memory_space<hbm>> -> memref<1000000x128xf32, #tpu.memory_space<hbm>>
    tpu.enqueue_indirect_dma source(%dma_start3A_23 : memref<1000000x128xf32, #tpu.memory_space<hbm>>) target(%dma_start3A_17 : memref<128x128xf32, #tpu.memory_space<vmem>>) offsets(%dma_start3A_20 : memref<128xi32, #tpu.memory_space<vmem>>) semaphore(%arg7 : memref<!tpu.dma_semaphore, #tpu.memory_space<semaphore_mem>>)
    %dma_start3A_24 = arith.constant 2 : i32
    %dma_start3A_25 = arith.constant 2 : i32
    %dma_start3A_26 = arith.constant 0 : i32
    %dma_start3A_27 = arith.constant 0 : i32
    %dma_start3A_28 = tpu.memref_slice %arg6[%dma_start3A_25, %dma_start3A_26, %dma_start3A_27] : memref<6x128x128xf32, #tpu.memory_space<vmem>> -> memref<1x128x128xf32, #tpu.memory_space<vmem>>
    %dma_start3A_29 = tpu.memref_squeeze %dma_start3A_28 : memref<1x128x128xf32, #tpu.memory_space<vmem>> -> memref<128x128xf32, #tpu.memory_space<vmem>>
    %dma_start3A_30 = arith.constant 0 : i32
    %dma_start3A_31 = tpu.memref_slice %arg5[%dma_start3A_24, %dma_start3A_30] : memref<12x128xi32, #tpu.memory_space<vmem>> -> memref<1x128xi32, #tpu.memory_space<vmem>>
    %dma_start3A_32 = tpu.memref_squeeze %dma_start3A_31 : memref<1x128xi32, #tpu.memory_space<vmem>> -> memref<128xi32, #tpu.memory_space<vmem>>
    %dma_start3A_33 = arith.constant 0 : i32
    %dma_start3A_34 = arith.constant 0 : i32
    %dma_start3A_35 = tpu.memref_slice %arg2[%dma_start3A_33, %dma_start3A_34] : memref<1000000x128xf32, #tpu.memory_space<hbm>> -> memref<1000000x128xf32, #tpu.memory_space<hbm>>
    tpu.enqueue_indirect_dma source(%dma_start3A_35 : memref<1000000x128xf32, #tpu.memory_space<hbm>>) target(%dma_start3A_29 : memref<128x128xf32, #tpu.memory_space<vmem>>) offsets(%dma_start3A_32 : memref<128xi32, #tpu.memory_space<vmem>>) semaphore(%arg7 : memref<!tpu.dma_semaphore, #tpu.memory_space<semaphore_mem>>)
    %dma_start3A_36 = arith.constant 3 : i32
    %dma_start3A_37 = arith.constant 3 : i32
    %dma_start3A_38 = arith.constant 0 : i32
    %dma_start3A_39 = arith.constant 0 : i32
    %dma_start3A_40 = tpu.memref_slice %arg6[%dma_start3A_37, %dma_start3A_38, %dma_start3A_39] : memref<6x128x128xf32, #tpu.memory_space<vmem>> -> memref<1x128x128xf32, #tpu.memory_space<vmem>>
    %dma_start3A_41 = tpu.memref_squeeze %dma_start3A_40 : memref<1x128x128xf32, #tpu.memory_space<vmem>> -> memref<128x128xf32, #tpu.memory_space<vmem>>
    %dma_start3A_42 = arith.constant 0 : i32
    %dma_start3A_43 = tpu.memref_slice %arg5[%dma_start3A_36, %dma_start3A_42] : memref<12x128xi32, #tpu.memory_space<vmem>> -> memref<1x128xi32, #tpu.memory_space<vmem>>
    %dma_start3A_44 = tpu.memref_squeeze %dma_start3A_43 : memref<1x128xi32, #tpu.memory_space<vmem>> -> memref<128xi32, #tpu.memory_space<vmem>>
    %dma_start3A_45 = arith.constant 0 : i32
    %dma_start3A_46 = arith.constant 0 : i32
    %dma_start3A_47 = tpu.memref_slice %arg2[%dma_start3A_45, %dma_start3A_46] : memref<1000000x128xf32, #tpu.memory_space<hbm>> -> memref<1000000x128xf32, #tpu.memory_space<hbm>>
    tpu.enqueue_indirect_dma source(%dma_start3A_47 : memref<1000000x128xf32, #tpu.memory_space<hbm>>) target(%dma_start3A_41 : memref<128x128xf32, #tpu.memory_space<vmem>>) offsets(%dma_start3A_44 : memref<128xi32, #tpu.memory_space<vmem>>) semaphore(%arg7 : memref<!tpu.dma_semaphore, #tpu.memory_space<semaphore_mem>>)
    %dma_start3A_48 = arith.constant 4 : i32
    %dma_start3A_49 = arith.constant 4 : i32
    %dma_start3A_50 = arith.constant 0 : i32
    %dma_start3A_51 = arith.constant 0 : i32
    %dma_start3A_52 = tpu.memref_slice %arg6[%dma_start3A_49, %dma_start3A_50, %dma_start3A_51] : memref<6x128x128xf32, #tpu.memory_space<vmem>> -> memref<1x128x128xf32, #tpu.memory_space<vmem>>
    %dma_start3A_53 = tpu.memref_squeeze %dma_start3A_52 : memref<1x128x128xf32, #tpu.memory_space<vmem>> -> memref<128x128xf32, #tpu.memory_space<vmem>>
    %dma_start3A_54 = arith.constant 0 : i32
    %dma_start3A_55 = tpu.memref_slice %arg5[%dma_start3A_48, %dma_start3A_54] : memref<12x128xi32, #tpu.memory_space<vmem>> -> memref<1x128xi32, #tpu.memory_space<vmem>>
    %dma_start3A_56 = tpu.memref_squeeze %dma_start3A_55 : memref<1x128xi32, #tpu.memory_space<vmem>> -> memref<128xi32, #tpu.memory_space<vmem>>
    %dma_start3A_57 = arith.constant 0 : i32
    %dma_start3A_58 = arith.constant 0 : i32
    %dma_start3A_59 = tpu.memref_slice %arg2[%dma_start3A_57, %dma_start3A_58] : memref<1000000x128xf32, #tpu.memory_space<hbm>> -> memref<1000000x128xf32, #tpu.memory_space<hbm>>
    tpu.enqueue_indirect_dma source(%dma_start3A_59 : memref<1000000x128xf32, #tpu.memory_space<hbm>>) target(%dma_start3A_53 : memref<128x128xf32, #tpu.memory_space<vmem>>) offsets(%dma_start3A_56 : memref<128xi32, #tpu.memory_space<vmem>>) semaphore(%arg7 : memref<!tpu.dma_semaphore, #tpu.memory_space<semaphore_mem>>)
    %dma_start3A_60 = arith.constant 5 : i32
    %dma_start3A_61 = arith.constant 5 : i32
    %dma_start3A_62 = arith.constant 0 : i32
    %dma_start3A_63 = arith.constant 0 : i32
    %dma_start3A_64 = tpu.memref_slice %arg6[%dma_start3A_61, %dma_start3A_62, %dma_start3A_63] : memref<6x128x128xf32, #tpu.memory_space<vmem>> -> memref<1x128x128xf32, #tpu.memory_space<vmem>>
    %dma_start3A_65 = tpu.memref_squeeze %dma_start3A_64 : memref<1x128x128xf32, #tpu.memory_space<vmem>> -> memref<128x128xf32, #tpu.memory_space<vmem>>
    %dma_start3A_66 = arith.constant 0 : i32
    %dma_start3A_67 = tpu.memref_slice %arg5[%dma_start3A_60, %dma_start3A_66] : memref<12x128xi32, #tpu.memory_space<vmem>> -> memref<1x128xi32, #tpu.memory_space<vmem>>
    %dma_start3A_68 = tpu.memref_squeeze %dma_start3A_67 : memref<1x128xi32, #tpu.memory_space<vmem>> -> memref<128xi32, #tpu.memory_space<vmem>>
    %dma_start3A_69 = arith.constant 0 : i32
    %dma_start3A_70 = arith.constant 0 : i32
    %dma_start3A_71 = tpu.memref_slice %arg2[%dma_start3A_69, %dma_start3A_70] : memref<1000000x128xf32, #tpu.memory_space<hbm>> -> memref<1000000x128xf32, #tpu.memory_space<hbm>>
    tpu.enqueue_indirect_dma source(%dma_start3A_71 : memref<1000000x128xf32, #tpu.memory_space<hbm>>) target(%dma_start3A_65 : memref<128x128xf32, #tpu.memory_space<vmem>>) offsets(%dma_start3A_68 : memref<128xi32, #tpu.memory_space<vmem>>) semaphore(%arg7 : memref<!tpu.dma_semaphore, #tpu.memory_space<semaphore_mem>>)
    %dma_wait3A = arith.constant 0 : i32
    %dma_wait3A_72 = arith.constant 0 : i32
    %dma_wait3A_73 = arith.constant 0 : i32
    %dma_wait3A_74 = arith.constant 0 : i32
    %dma_wait3A_75 = tpu.memref_slice %arg6[%dma_wait3A_72, %dma_wait3A_73, %dma_wait3A_74] : memref<6x128x128xf32, #tpu.memory_space<vmem>> -> memref<1x128x128xf32, #tpu.memory_space<vmem>>
    %dma_wait3A_76 = tpu.memref_squeeze %dma_wait3A_75 : memref<1x128x128xf32, #tpu.memory_space<vmem>> -> memref<128x128xf32, #tpu.memory_space<vmem>>
    %dma_wait3A_77 = arith.constant 0 : i32
    %dma_wait3A_78 = tpu.memref_slice %arg5[%dma_wait3A, %dma_wait3A_77] : memref<12x128xi32, #tpu.memory_space<vmem>> -> memref<1x128xi32, #tpu.memory_space<vmem>>
    %dma_wait3A_79 = tpu.memref_squeeze %dma_wait3A_78 : memref<1x128xi32, #tpu.memory_space<vmem>> -> memref<128xi32, #tpu.memory_space<vmem>>
    %dma_wait3A_80 = arith.constant 0 : i32
    %dma_wait3A_81 = arith.constant 0 : i32
    %dma_wait3A_82 = tpu.memref_slice %arg2[%dma_wait3A_80, %dma_wait3A_81] : memref<1000000x128xf32, #tpu.memory_space<hbm>> -> memref<1000000x128xf32, #tpu.memory_space<hbm>>
    tpu.wait_indirect_dma semaphore(%arg7 : memref<!tpu.dma_semaphore, #tpu.memory_space<semaphore_mem>>) src(%dma_wait3A_82 : memref<1000000x128xf32, #tpu.memory_space<hbm>>) dst(%dma_wait3A_76 : memref<128x128xf32, #tpu.memory_space<vmem>>)
    %dma_wait3A_83 = arith.constant 1 : i32
    %dma_wait3A_84 = arith.constant 1 : i32
    %dma_wait3A_85 = arith.constant 0 : i32
    %dma_wait3A_86 = arith.constant 0 : i32
    %dma_wait3A_87 = tpu.memref_slice %arg6[%dma_wait3A_84, %dma_wait3A_85, %dma_wait3A_86] : memref<6x128x128xf32, #tpu.memory_space<vmem>> -> memref<1x128x128xf32, #tpu.memory_space<vmem>>
    %dma_wait3A_88 = tpu.memref_squeeze %dma_wait3A_87 : memref<1x128x128xf32, #tpu.memory_space<vmem>> -> memref<128x128xf32, #tpu.memory_space<vmem>>
    %dma_wait3A_89 = arith.constant 0 : i32
    %dma_wait3A_90 = tpu.memref_slice %arg5[%dma_wait3A_83, %dma_wait3A_89] : memref<12x128xi32, #tpu.memory_space<vmem>> -> memref<1x128xi32, #tpu.memory_space<vmem>>
    %dma_wait3A_91 = tpu.memref_squeeze %dma_wait3A_90 : memref<1x128xi32, #tpu.memory_space<vmem>> -> memref<128xi32, #tpu.memory_space<vmem>>
    %dma_wait3A_92 = arith.constant 0 : i32
    %dma_wait3A_93 = arith.constant 0 : i32
    %dma_wait3A_94 = tpu.memref_slice %arg2[%dma_wait3A_92, %dma_wait3A_93] : memref<1000000x128xf32, #tpu.memory_space<hbm>> -> memref<1000000x128xf32, #tpu.memory_space<hbm>>
    tpu.wait_indirect_dma semaphore(%arg7 : memref<!tpu.dma_semaphore, #tpu.memory_space<semaphore_mem>>) src(%dma_wait3A_94 : memref<1000000x128xf32, #tpu.memory_space<hbm>>) dst(%dma_wait3A_88 : memref<128x128xf32, #tpu.memory_space<vmem>>)
    %dma_wait3A_95 = arith.constant 2 : i32
    %dma_wait3A_96 = arith.constant 2 : i32
    %dma_wait3A_97 = arith.constant 0 : i32
    %dma_wait3A_98 = arith.constant 0 : i32
    %dma_wait3A_99 = tpu.memref_slice %arg6[%dma_wait3A_96, %dma_wait3A_97, %dma_wait3A_98] : memref<6x128x128xf32, #tpu.memory_space<vmem>> -> memref<1x128x128xf32, #tpu.memory_space<vmem>>
    %dma_wait3A_100 = tpu.memref_squeeze %dma_wait3A_99 : memref<1x128x128xf32, #tpu.memory_space<vmem>> -> memref<128x128xf32, #tpu.memory_space<vmem>>
    %dma_wait3A_101 = arith.constant 0 : i32
    %dma_wait3A_102 = tpu.memref_slice %arg5[%dma_wait3A_95, %dma_wait3A_101] : memref<12x128xi32, #tpu.memory_space<vmem>> -> memref<1x128xi32, #tpu.memory_space<vmem>>
    %dma_wait3A_103 = tpu.memref_squeeze %dma_wait3A_102 : memref<1x128xi32, #tpu.memory_space<vmem>> -> memref<128xi32, #tpu.memory_space<vmem>>
    %dma_wait3A_104 = arith.constant 0 : i32
    %dma_wait3A_105 = arith.constant 0 : i32
    %dma_wait3A_106 = tpu.memref_slice %arg2[%dma_wait3A_104, %dma_wait3A_105] : memref<1000000x128xf32, #tpu.memory_space<hbm>> -> memref<1000000x128xf32, #tpu.memory_space<hbm>>
    tpu.wait_indirect_dma semaphore(%arg7 : memref<!tpu.dma_semaphore, #tpu.memory_space<semaphore_mem>>) src(%dma_wait3A_106 : memref<1000000x128xf32, #tpu.memory_space<hbm>>) dst(%dma_wait3A_100 : memref<128x128xf32, #tpu.memory_space<vmem>>)
    %dma_wait3A_107 = arith.constant 3 : i32
    %dma_wait3A_108 = arith.constant 3 : i32
    %dma_wait3A_109 = arith.constant 0 : i32
    %dma_wait3A_110 = arith.constant 0 : i32
    %dma_wait3A_111 = tpu.memref_slice %arg6[%dma_wait3A_108, %dma_wait3A_109, %dma_wait3A_110] : memref<6x128x128xf32, #tpu.memory_space<vmem>> -> memref<1x128x128xf32, #tpu.memory_space<vmem>>
    %dma_wait3A_112 = tpu.memref_squeeze %dma_wait3A_111 : memref<1x128x128xf32, #tpu.memory_space<vmem>> -> memref<128x128xf32, #tpu.memory_space<vmem>>
    %dma_wait3A_113 = arith.constant 0 : i32
    %dma_wait3A_114 = tpu.memref_slice %arg5[%dma_wait3A_107, %dma_wait3A_113] : memref<12x128xi32, #tpu.memory_space<vmem>> -> memref<1x128xi32, #tpu.memory_space<vmem>>
    %dma_wait3A_115 = tpu.memref_squeeze %dma_wait3A_114 : memref<1x128xi32, #tpu.memory_space<vmem>> -> memref<128xi32, #tpu.memory_space<vmem>>
    %dma_wait3A_116 = arith.constant 0 : i32
    %dma_wait3A_117 = arith.constant 0 : i32
    %dma_wait3A_118 = tpu.memref_slice %arg2[%dma_wait3A_116, %dma_wait3A_117] : memref<1000000x128xf32, #tpu.memory_space<hbm>> -> memref<1000000x128xf32, #tpu.memory_space<hbm>>
    tpu.wait_indirect_dma semaphore(%arg7 : memref<!tpu.dma_semaphore, #tpu.memory_space<semaphore_mem>>) src(%dma_wait3A_118 : memref<1000000x128xf32, #tpu.memory_space<hbm>>) dst(%dma_wait3A_112 : memref<128x128xf32, #tpu.memory_space<vmem>>)
    %dma_wait3A_119 = arith.constant 4 : i32
    %dma_wait3A_120 = arith.constant 4 : i32
    %dma_wait3A_121 = arith.constant 0 : i32
    %dma_wait3A_122 = arith.constant 0 : i32
    %dma_wait3A_123 = tpu.memref_slice %arg6[%dma_wait3A_120, %dma_wait3A_121, %dma_wait3A_122] : memref<6x128x128xf32, #tpu.memory_space<vmem>> -> memref<1x128x128xf32, #tpu.memory_space<vmem>>
    %dma_wait3A_124 = tpu.memref_squeeze %dma_wait3A_123 : memref<1x128x128xf32, #tpu.memory_space<vmem>> -> memref<128x128xf32, #tpu.memory_space<vmem>>
    %dma_wait3A_125 = arith.constant 0 : i32
    %dma_wait3A_126 = tpu.memref_slice %arg5[%dma_wait3A_119, %dma_wait3A_125] : memref<12x128xi32, #tpu.memory_space<vmem>> -> memref<1x128xi32, #tpu.memory_space<vmem>>
    %dma_wait3A_127 = tpu.memref_squeeze %dma_wait3A_126 : memref<1x128xi32, #tpu.memory_space<vmem>> -> memref<128xi32, #tpu.memory_space<vmem>>
    %dma_wait3A_128 = arith.constant 0 : i32
    %dma_wait3A_129 = arith.constant 0 : i32
    %dma_wait3A_130 = tpu.memref_slice %arg2[%dma_wait3A_128, %dma_wait3A_129] : memref<1000000x128xf32, #tpu.memory_space<hbm>> -> memref<1000000x128xf32, #tpu.memory_space<hbm>>
    tpu.wait_indirect_dma semaphore(%arg7 : memref<!tpu.dma_semaphore, #tpu.memory_space<semaphore_mem>>) src(%dma_wait3A_130 : memref<1000000x128xf32, #tpu.memory_space<hbm>>) dst(%dma_wait3A_124 : memref<128x128xf32, #tpu.memory_space<vmem>>)
    %dma_wait3A_131 = arith.constant 5 : i32
    %dma_wait3A_132 = arith.constant 5 : i32
    %dma_wait3A_133 = arith.constant 0 : i32
    %dma_wait3A_134 = arith.constant 0 : i32
    %dma_wait3A_135 = tpu.memref_slice %arg6[%dma_wait3A_132, %dma_wait3A_133, %dma_wait3A_134] : memref<6x128x128xf32, #tpu.memory_space<vmem>> -> memref<1x128x128xf32, #tpu.memory_space<vmem>>
    %dma_wait3A_136 = tpu.memref_squeeze %dma_wait3A_135 : memref<1x128x128xf32, #tpu.memory_space<vmem>> -> memref<128x128xf32, #tpu.memory_space<vmem>>
    %dma_wait3A_137 = arith.constant 0 : i32
    %dma_wait3A_138 = tpu.memref_slice %arg5[%dma_wait3A_131, %dma_wait3A_137] : memref<12x128xi32, #tpu.memory_space<vmem>> -> memref<1x128xi32, #tpu.memory_space<vmem>>
    %dma_wait3A_139 = tpu.memref_squeeze %dma_wait3A_138 : memref<1x128xi32, #tpu.memory_space<vmem>> -> memref<128xi32, #tpu.memory_space<vmem>>
    %dma_wait3A_140 = arith.constant 0 : i32
    %dma_wait3A_141 = arith.constant 0 : i32
    %dma_wait3A_142 = tpu.memref_slice %arg2[%dma_wait3A_140, %dma_wait3A_141] : memref<1000000x128xf32, #tpu.memory_space<hbm>> -> memref<1000000x128xf32, #tpu.memory_space<hbm>>
    tpu.wait_indirect_dma semaphore(%arg7 : memref<!tpu.dma_semaphore, #tpu.memory_space<semaphore_mem>>) src(%dma_wait3A_142 : memref<1000000x128xf32, #tpu.memory_space<hbm>>) dst(%dma_wait3A_136 : memref<128x128xf32, #tpu.memory_space<vmem>>)
    "tpu.region"() ({
      %run_scoped3A = tpu.sem_alloc : memref<!tpu.dma_semaphore, #tpu.memory_space<semaphore_mem>>
      %dma_start3A_287 = arith.constant 0 : i32
      %dma_start3A_288 = arith.constant 0 : i32
      %dma_start3A_289 = arith.constant 0 : i32
      %dma_start3A_290 = tpu.memref_slice %arg4[%add3A, %dma_start3A_287, %dma_start3A_288, %dma_start3A_289] : memref<32x12x128x128xf32, #tpu.memory_space<hbm>> -> memref<1x6x128x128xf32, #tpu.memory_space<hbm>>
      %dma_start3A_291 = tpu.memref_squeeze %dma_start3A_290 : memref<1x6x128x128xf32, #tpu.memory_space<hbm>> -> memref<6x128x128xf32, #tpu.memory_space<hbm>>
      %dma_start3A_292 = arith.constant 0 : i32
      %dma_start3A_293 = arith.constant 0 : i32
      %dma_start3A_294 = arith.constant 0 : i32
      %dma_start3A_295 = tpu.memref_slice %arg4[%add3A, %dma_start3A_292, %dma_start3A_293, %dma_start3A_294] : memref<32x12x128x128xf32, #tpu.memory_space<hbm>> -> memref<1x6x128x128xf32, #tpu.memory_space<hbm>>
      %dma_start3A_296 = tpu.memref_squeeze %dma_start3A_295 : memref<1x6x128x128xf32, #tpu.memory_space<hbm>> -> memref<6x128x128xf32, #tpu.memory_space<hbm>>
      tpu.enqueue_dma source(%arg6 : memref<6x128x128xf32, #tpu.memory_space<vmem>>) target(%dma_start3A_296 : memref<6x128x128xf32, #tpu.memory_space<hbm>>) target_semaphore(%run_scoped3A : memref<!tpu.dma_semaphore, #tpu.memory_space<semaphore_mem>>)
      %dma_wait3A_297 = arith.constant 0 : i32
      %dma_wait3A_298 = arith.constant 0 : i32
      %dma_wait3A_299 = arith.constant 0 : i32
      %dma_wait3A_300 = tpu.memref_slice %arg4[%add3A, %dma_wait3A_297, %dma_wait3A_298, %dma_wait3A_299] : memref<32x12x128x128xf32, #tpu.memory_space<hbm>> -> memref<1x6x128x128xf32, #tpu.memory_space<hbm>>
      %dma_wait3A_301 = tpu.memref_squeeze %dma_wait3A_300 : memref<1x6x128x128xf32, #tpu.memory_space<hbm>> -> memref<6x128x128xf32, #tpu.memory_space<hbm>>
      %dma_wait3A_302 = arith.constant 0 : i32
      %dma_wait3A_303 = arith.constant 0 : i32
      %dma_wait3A_304 = arith.constant 0 : i32
      %dma_wait3A_305 = tpu.memref_slice %arg4[%add3A, %dma_wait3A_302, %dma_wait3A_303, %dma_wait3A_304] : memref<32x12x128x128xf32, #tpu.memory_space<hbm>> -> memref<1x6x128x128xf32, #tpu.memory_space<hbm>>
      %dma_wait3A_306 = tpu.memref_squeeze %dma_wait3A_305 : memref<1x6x128x128xf32, #tpu.memory_space<hbm>> -> memref<6x128x128xf32, #tpu.memory_space<hbm>>
      tpu.wait_dma2 semaphore(%run_scoped3A : memref<!tpu.dma_semaphore, #tpu.memory_space<semaphore_mem>>) src(%arg6 : memref<6x128x128xf32, #tpu.memory_space<vmem>>) dst(%dma_wait3A_306 : memref<6x128x128xf32, #tpu.memory_space<hbm>>)
      tpu.yield
    }) : () -> ()
    %dma_start3A_143 = arith.constant 6 : i32
    %dma_start3A_144 = arith.constant 0 : i32
    %dma_start3A_145 = arith.constant 0 : i32
    %dma_start3A_146 = arith.constant 0 : i32
    %dma_start3A_147 = tpu.memref_slice %arg6[%dma_start3A_144, %dma_start3A_145, %dma_start3A_146] : memref<6x128x128xf32, #tpu.memory_space<vmem>> -> memref<1x128x128xf32, #tpu.memory_space<vmem>>
    %dma_start3A_148 = tpu.memref_squeeze %dma_start3A_147 : memref<1x128x128xf32, #tpu.memory_space<vmem>> -> memref<128x128xf32, #tpu.memory_space<vmem>>
    %dma_start3A_149 = arith.constant 0 : i32
    %dma_start3A_150 = tpu.memref_slice %arg5[%dma_start3A_143, %dma_start3A_149] : memref<12x128xi32, #tpu.memory_space<vmem>> -> memref<1x128xi32, #tpu.memory_space<vmem>>
    %dma_start3A_151 = tpu.memref_squeeze %dma_start3A_150 : memref<1x128xi32, #tpu.memory_space<vmem>> -> memref<128xi32, #tpu.memory_space<vmem>>
    %dma_start3A_152 = arith.constant 0 : i32
    %dma_start3A_153 = arith.constant 0 : i32
    %dma_start3A_154 = tpu.memref_slice %arg2[%dma_start3A_152, %dma_start3A_153] : memref<1000000x128xf32, #tpu.memory_space<hbm>> -> memref<1000000x128xf32, #tpu.memory_space<hbm>>
    tpu.enqueue_indirect_dma source(%dma_start3A_154 : memref<1000000x128xf32, #tpu.memory_space<hbm>>) target(%dma_start3A_148 : memref<128x128xf32, #tpu.memory_space<vmem>>) offsets(%dma_start3A_151 : memref<128xi32, #tpu.memory_space<vmem>>) semaphore(%arg7 : memref<!tpu.dma_semaphore, #tpu.memory_space<semaphore_mem>>)
    %dma_start3A_155 = arith.constant 7 : i32
    %dma_start3A_156 = arith.constant 1 : i32
    %dma_start3A_157 = arith.constant 0 : i32
    %dma_start3A_158 = arith.constant 0 : i32
    %dma_start3A_159 = tpu.memref_slice %arg6[%dma_start3A_156, %dma_start3A_157, %dma_start3A_158] : memref<6x128x128xf32, #tpu.memory_space<vmem>> -> memref<1x128x128xf32, #tpu.memory_space<vmem>>
    %dma_start3A_160 = tpu.memref_squeeze %dma_start3A_159 : memref<1x128x128xf32, #tpu.memory_space<vmem>> -> memref<128x128xf32, #tpu.memory_space<vmem>>
    %dma_start3A_161 = arith.constant 0 : i32
    %dma_start3A_162 = tpu.memref_slice %arg5[%dma_start3A_155, %dma_start3A_161] : memref<12x128xi32, #tpu.memory_space<vmem>> -> memref<1x128xi32, #tpu.memory_space<vmem>>
    %dma_start3A_163 = tpu.memref_squeeze %dma_start3A_162 : memref<1x128xi32, #tpu.memory_space<vmem>> -> memref<128xi32, #tpu.memory_space<vmem>>
    %dma_start3A_164 = arith.constant 0 : i32
    %dma_start3A_165 = arith.constant 0 : i32
    %dma_start3A_166 = tpu.memref_slice %arg2[%dma_start3A_164, %dma_start3A_165] : memref<1000000x128xf32, #tpu.memory_space<hbm>> -> memref<1000000x128xf32, #tpu.memory_space<hbm>>
    tpu.enqueue_indirect_dma source(%dma_start3A_166 : memref<1000000x128xf32, #tpu.memory_space<hbm>>) target(%dma_start3A_160 : memref<128x128xf32, #tpu.memory_space<vmem>>) offsets(%dma_start3A_163 : memref<128xi32, #tpu.memory_space<vmem>>) semaphore(%arg7 : memref<!tpu.dma_semaphore, #tpu.memory_space<semaphore_mem>>)
    %dma_start3A_167 = arith.constant 8 : i32
    %dma_start3A_168 = arith.constant 2 : i32
    %dma_start3A_169 = arith.constant 0 : i32
    %dma_start3A_170 = arith.constant 0 : i32
    %dma_start3A_171 = tpu.memref_slice %arg6[%dma_start3A_168, %dma_start3A_169, %dma_start3A_170] : memref<6x128x128xf32, #tpu.memory_space<vmem>> -> memref<1x128x128xf32, #tpu.memory_space<vmem>>
    %dma_start3A_172 = tpu.memref_squeeze %dma_start3A_171 : memref<1x128x128xf32, #tpu.memory_space<vmem>> -> memref<128x128xf32, #tpu.memory_space<vmem>>
    %dma_start3A_173 = arith.constant 0 : i32
    %dma_start3A_174 = tpu.memref_slice %arg5[%dma_start3A_167, %dma_start3A_173] : memref<12x128xi32, #tpu.memory_space<vmem>> -> memref<1x128xi32, #tpu.memory_space<vmem>>
    %dma_start3A_175 = tpu.memref_squeeze %dma_start3A_174 : memref<1x128xi32, #tpu.memory_space<vmem>> -> memref<128xi32, #tpu.memory_space<vmem>>
    %dma_start3A_176 = arith.constant 0 : i32
    %dma_start3A_177 = arith.constant 0 : i32
    %dma_start3A_178 = tpu.memref_slice %arg2[%dma_start3A_176, %dma_start3A_177] : memref<1000000x128xf32, #tpu.memory_space<hbm>> -> memref<1000000x128xf32, #tpu.memory_space<hbm>>
    tpu.enqueue_indirect_dma source(%dma_start3A_178 : memref<1000000x128xf32, #tpu.memory_space<hbm>>) target(%dma_start3A_172 : memref<128x128xf32, #tpu.memory_space<vmem>>) offsets(%dma_start3A_175 : memref<128xi32, #tpu.memory_space<vmem>>) semaphore(%arg7 : memref<!tpu.dma_semaphore, #tpu.memory_space<semaphore_mem>>)
    %dma_start3A_179 = arith.constant 9 : i32
    %dma_start3A_180 = arith.constant 3 : i32
    %dma_start3A_181 = arith.constant 0 : i32
    %dma_start3A_182 = arith.constant 0 : i32
    %dma_start3A_183 = tpu.memref_slice %arg6[%dma_start3A_180, %dma_start3A_181, %dma_start3A_182] : memref<6x128x128xf32, #tpu.memory_space<vmem>> -> memref<1x128x128xf32, #tpu.memory_space<vmem>>
    %dma_start3A_184 = tpu.memref_squeeze %dma_start3A_183 : memref<1x128x128xf32, #tpu.memory_space<vmem>> -> memref<128x128xf32, #tpu.memory_space<vmem>>
    %dma_start3A_185 = arith.constant 0 : i32
    %dma_start3A_186 = tpu.memref_slice %arg5[%dma_start3A_179, %dma_start3A_185] : memref<12x128xi32, #tpu.memory_space<vmem>> -> memref<1x128xi32, #tpu.memory_space<vmem>>
    %dma_start3A_187 = tpu.memref_squeeze %dma_start3A_186 : memref<1x128xi32, #tpu.memory_space<vmem>> -> memref<128xi32, #tpu.memory_space<vmem>>
    %dma_start3A_188 = arith.constant 0 : i32
    %dma_start3A_189 = arith.constant 0 : i32
    %dma_start3A_190 = tpu.memref_slice %arg2[%dma_start3A_188, %dma_start3A_189] : memref<1000000x128xf32, #tpu.memory_space<hbm>> -> memref<1000000x128xf32, #tpu.memory_space<hbm>>
    tpu.enqueue_indirect_dma source(%dma_start3A_190 : memref<1000000x128xf32, #tpu.memory_space<hbm>>) target(%dma_start3A_184 : memref<128x128xf32, #tpu.memory_space<vmem>>) offsets(%dma_start3A_187 : memref<128xi32, #tpu.memory_space<vmem>>) semaphore(%arg7 : memref<!tpu.dma_semaphore, #tpu.memory_space<semaphore_mem>>)
    %dma_start3A_191 = arith.constant 10 : i32
    %dma_start3A_192 = arith.constant 4 : i32
    %dma_start3A_193 = arith.constant 0 : i32
    %dma_start3A_194 = arith.constant 0 : i32
    %dma_start3A_195 = tpu.memref_slice %arg6[%dma_start3A_192, %dma_start3A_193, %dma_start3A_194] : memref<6x128x128xf32, #tpu.memory_space<vmem>> -> memref<1x128x128xf32, #tpu.memory_space<vmem>>
    %dma_start3A_196 = tpu.memref_squeeze %dma_start3A_195 : memref<1x128x128xf32, #tpu.memory_space<vmem>> -> memref<128x128xf32, #tpu.memory_space<vmem>>
    %dma_start3A_197 = arith.constant 0 : i32
    %dma_start3A_198 = tpu.memref_slice %arg5[%dma_start3A_191, %dma_start3A_197] : memref<12x128xi32, #tpu.memory_space<vmem>> -> memref<1x128xi32, #tpu.memory_space<vmem>>
    %dma_start3A_199 = tpu.memref_squeeze %dma_start3A_198 : memref<1x128xi32, #tpu.memory_space<vmem>> -> memref<128xi32, #tpu.memory_space<vmem>>
    %dma_start3A_200 = arith.constant 0 : i32
    %dma_start3A_201 = arith.constant 0 : i32
    %dma_start3A_202 = tpu.memref_slice %arg2[%dma_start3A_200, %dma_start3A_201] : memref<1000000x128xf32, #tpu.memory_space<hbm>> -> memref<1000000x128xf32, #tpu.memory_space<hbm>>
    tpu.enqueue_indirect_dma source(%dma_start3A_202 : memref<1000000x128xf32, #tpu.memory_space<hbm>>) target(%dma_start3A_196 : memref<128x128xf32, #tpu.memory_space<vmem>>) offsets(%dma_start3A_199 : memref<128xi32, #tpu.memory_space<vmem>>) semaphore(%arg7 : memref<!tpu.dma_semaphore, #tpu.memory_space<semaphore_mem>>)
    %dma_start3A_203 = arith.constant 11 : i32
    %dma_start3A_204 = arith.constant 5 : i32
    %dma_start3A_205 = arith.constant 0 : i32
    %dma_start3A_206 = arith.constant 0 : i32
    %dma_start3A_207 = tpu.memref_slice %arg6[%dma_start3A_204, %dma_start3A_205, %dma_start3A_206] : memref<6x128x128xf32, #tpu.memory_space<vmem>> -> memref<1x128x128xf32, #tpu.memory_space<vmem>>
    %dma_start3A_208 = tpu.memref_squeeze %dma_start3A_207 : memref<1x128x128xf32, #tpu.memory_space<vmem>> -> memref<128x128xf32, #tpu.memory_space<vmem>>
    %dma_start3A_209 = arith.constant 0 : i32
    %dma_start3A_210 = tpu.memref_slice %arg5[%dma_start3A_203, %dma_start3A_209] : memref<12x128xi32, #tpu.memory_space<vmem>> -> memref<1x128xi32, #tpu.memory_space<vmem>>
    %dma_start3A_211 = tpu.memref_squeeze %dma_start3A_210 : memref<1x128xi32, #tpu.memory_space<vmem>> -> memref<128xi32, #tpu.memory_space<vmem>>
    %dma_start3A_212 = arith.constant 0 : i32
    %dma_start3A_213 = arith.constant 0 : i32
    %dma_start3A_214 = tpu.memref_slice %arg2[%dma_start3A_212, %dma_start3A_213] : memref<1000000x128xf32, #tpu.memory_space<hbm>> -> memref<1000000x128xf32, #tpu.memory_space<hbm>>
    tpu.enqueue_indirect_dma source(%dma_start3A_214 : memref<1000000x128xf32, #tpu.memory_space<hbm>>) target(%dma_start3A_208 : memref<128x128xf32, #tpu.memory_space<vmem>>) offsets(%dma_start3A_211 : memref<128xi32, #tpu.memory_space<vmem>>) semaphore(%arg7 : memref<!tpu.dma_semaphore, #tpu.memory_space<semaphore_mem>>)
    %dma_wait3A_215 = arith.constant 6 : i32
    %dma_wait3A_216 = arith.constant 0 : i32
    %dma_wait3A_217 = arith.constant 0 : i32
    %dma_wait3A_218 = arith.constant 0 : i32
    %dma_wait3A_219 = tpu.memref_slice %arg6[%dma_wait3A_216, %dma_wait3A_217, %dma_wait3A_218] : memref<6x128x128xf32, #tpu.memory_space<vmem>> -> memref<1x128x128xf32, #tpu.memory_space<vmem>>
    %dma_wait3A_220 = tpu.memref_squeeze %dma_wait3A_219 : memref<1x128x128xf32, #tpu.memory_space<vmem>> -> memref<128x128xf32, #tpu.memory_space<vmem>>
    %dma_wait3A_221 = arith.constant 0 : i32
    %dma_wait3A_222 = tpu.memref_slice %arg5[%dma_wait3A_215, %dma_wait3A_221] : memref<12x128xi32, #tpu.memory_space<vmem>> -> memref<1x128xi32, #tpu.memory_space<vmem>>
    %dma_wait3A_223 = tpu.memref_squeeze %dma_wait3A_222 : memref<1x128xi32, #tpu.memory_space<vmem>> -> memref<128xi32, #tpu.memory_space<vmem>>
    %dma_wait3A_224 = arith.constant 0 : i32
    %dma_wait3A_225 = arith.constant 0 : i32
    %dma_wait3A_226 = tpu.memref_slice %arg2[%dma_wait3A_224, %dma_wait3A_225] : memref<1000000x128xf32, #tpu.memory_space<hbm>> -> memref<1000000x128xf32, #tpu.memory_space<hbm>>
    tpu.wait_indirect_dma semaphore(%arg7 : memref<!tpu.dma_semaphore, #tpu.memory_space<semaphore_mem>>) src(%dma_wait3A_226 : memref<1000000x128xf32, #tpu.memory_space<hbm>>) dst(%dma_wait3A_220 : memref<128x128xf32, #tpu.memory_space<vmem>>)
    %dma_wait3A_227 = arith.constant 7 : i32
    %dma_wait3A_228 = arith.constant 1 : i32
    %dma_wait3A_229 = arith.constant 0 : i32
    %dma_wait3A_230 = arith.constant 0 : i32
    %dma_wait3A_231 = tpu.memref_slice %arg6[%dma_wait3A_228, %dma_wait3A_229, %dma_wait3A_230] : memref<6x128x128xf32, #tpu.memory_space<vmem>> -> memref<1x128x128xf32, #tpu.memory_space<vmem>>
    %dma_wait3A_232 = tpu.memref_squeeze %dma_wait3A_231 : memref<1x128x128xf32, #tpu.memory_space<vmem>> -> memref<128x128xf32, #tpu.memory_space<vmem>>
    %dma_wait3A_233 = arith.constant 0 : i32
    %dma_wait3A_234 = tpu.memref_slice %arg5[%dma_wait3A_227, %dma_wait3A_233] : memref<12x128xi32, #tpu.memory_space<vmem>> -> memref<1x128xi32, #tpu.memory_space<vmem>>
    %dma_wait3A_235 = tpu.memref_squeeze %dma_wait3A_234 : memref<1x128xi32, #tpu.memory_space<vmem>> -> memref<128xi32, #tpu.memory_space<vmem>>
    %dma_wait3A_236 = arith.constant 0 : i32
    %dma_wait3A_237 = arith.constant 0 : i32
    %dma_wait3A_238 = tpu.memref_slice %arg2[%dma_wait3A_236, %dma_wait3A_237] : memref<1000000x128xf32, #tpu.memory_space<hbm>> -> memref<1000000x128xf32, #tpu.memory_space<hbm>>
    tpu.wait_indirect_dma semaphore(%arg7 : memref<!tpu.dma_semaphore, #tpu.memory_space<semaphore_mem>>) src(%dma_wait3A_238 : memref<1000000x128xf32, #tpu.memory_space<hbm>>) dst(%dma_wait3A_232 : memref<128x128xf32, #tpu.memory_space<vmem>>)
    %dma_wait3A_239 = arith.constant 8 : i32
    %dma_wait3A_240 = arith.constant 2 : i32
    %dma_wait3A_241 = arith.constant 0 : i32
    %dma_wait3A_242 = arith.constant 0 : i32
    %dma_wait3A_243 = tpu.memref_slice %arg6[%dma_wait3A_240, %dma_wait3A_241, %dma_wait3A_242] : memref<6x128x128xf32, #tpu.memory_space<vmem>> -> memref<1x128x128xf32, #tpu.memory_space<vmem>>
    %dma_wait3A_244 = tpu.memref_squeeze %dma_wait3A_243 : memref<1x128x128xf32, #tpu.memory_space<vmem>> -> memref<128x128xf32, #tpu.memory_space<vmem>>
    %dma_wait3A_245 = arith.constant 0 : i32
    %dma_wait3A_246 = tpu.memref_slice %arg5[%dma_wait3A_239, %dma_wait3A_245] : memref<12x128xi32, #tpu.memory_space<vmem>> -> memref<1x128xi32, #tpu.memory_space<vmem>>
    %dma_wait3A_247 = tpu.memref_squeeze %dma_wait3A_246 : memref<1x128xi32, #tpu.memory_space<vmem>> -> memref<128xi32, #tpu.memory_space<vmem>>
    %dma_wait3A_248 = arith.constant 0 : i32
    %dma_wait3A_249 = arith.constant 0 : i32
    %dma_wait3A_250 = tpu.memref_slice %arg2[%dma_wait3A_248, %dma_wait3A_249] : memref<1000000x128xf32, #tpu.memory_space<hbm>> -> memref<1000000x128xf32, #tpu.memory_space<hbm>>
    tpu.wait_indirect_dma semaphore(%arg7 : memref<!tpu.dma_semaphore, #tpu.memory_space<semaphore_mem>>) src(%dma_wait3A_250 : memref<1000000x128xf32, #tpu.memory_space<hbm>>) dst(%dma_wait3A_244 : memref<128x128xf32, #tpu.memory_space<vmem>>)
    %dma_wait3A_251 = arith.constant 9 : i32
    %dma_wait3A_252 = arith.constant 3 : i32
    %dma_wait3A_253 = arith.constant 0 : i32
    %dma_wait3A_254 = arith.constant 0 : i32
    %dma_wait3A_255 = tpu.memref_slice %arg6[%dma_wait3A_252, %dma_wait3A_253, %dma_wait3A_254] : memref<6x128x128xf32, #tpu.memory_space<vmem>> -> memref<1x128x128xf32, #tpu.memory_space<vmem>>
    %dma_wait3A_256 = tpu.memref_squeeze %dma_wait3A_255 : memref<1x128x128xf32, #tpu.memory_space<vmem>> -> memref<128x128xf32, #tpu.memory_space<vmem>>
    %dma_wait3A_257 = arith.constant 0 : i32
    %dma_wait3A_258 = tpu.memref_slice %arg5[%dma_wait3A_251, %dma_wait3A_257] : memref<12x128xi32, #tpu.memory_space<vmem>> -> memref<1x128xi32, #tpu.memory_space<vmem>>
    %dma_wait3A_259 = tpu.memref_squeeze %dma_wait3A_258 : memref<1x128xi32, #tpu.memory_space<vmem>> -> memref<128xi32, #tpu.memory_space<vmem>>
    %dma_wait3A_260 = arith.constant 0 : i32
    %dma_wait3A_261 = arith.constant 0 : i32
    %dma_wait3A_262 = tpu.memref_slice %arg2[%dma_wait3A_260, %dma_wait3A_261] : memref<1000000x128xf32, #tpu.memory_space<hbm>> -> memref<1000000x128xf32, #tpu.memory_space<hbm>>
    tpu.wait_indirect_dma semaphore(%arg7 : memref<!tpu.dma_semaphore, #tpu.memory_space<semaphore_mem>>) src(%dma_wait3A_262 : memref<1000000x128xf32, #tpu.memory_space<hbm>>) dst(%dma_wait3A_256 : memref<128x128xf32, #tpu.memory_space<vmem>>)
    %dma_wait3A_263 = arith.constant 10 : i32
    %dma_wait3A_264 = arith.constant 4 : i32
    %dma_wait3A_265 = arith.constant 0 : i32
    %dma_wait3A_266 = arith.constant 0 : i32
    %dma_wait3A_267 = tpu.memref_slice %arg6[%dma_wait3A_264, %dma_wait3A_265, %dma_wait3A_266] : memref<6x128x128xf32, #tpu.memory_space<vmem>> -> memref<1x128x128xf32, #tpu.memory_space<vmem>>
    %dma_wait3A_268 = tpu.memref_squeeze %dma_wait3A_267 : memref<1x128x128xf32, #tpu.memory_space<vmem>> -> memref<128x128xf32, #tpu.memory_space<vmem>>
    %dma_wait3A_269 = arith.constant 0 : i32
    %dma_wait3A_270 = tpu.memref_slice %arg5[%dma_wait3A_263, %dma_wait3A_269] : memref<12x128xi32, #tpu.memory_space<vmem>> -> memref<1x128xi32, #tpu.memory_space<vmem>>
    %dma_wait3A_271 = tpu.memref_squeeze %dma_wait3A_270 : memref<1x128xi32, #tpu.memory_space<vmem>> -> memref<128xi32, #tpu.memory_space<vmem>>
    %dma_wait3A_272 = arith.constant 0 : i32
    %dma_wait3A_273 = arith.constant 0 : i32
    %dma_wait3A_274 = tpu.memref_slice %arg2[%dma_wait3A_272, %dma_wait3A_273] : memref<1000000x128xf32, #tpu.memory_space<hbm>> -> memref<1000000x128xf32, #tpu.memory_space<hbm>>
    tpu.wait_indirect_dma semaphore(%arg7 : memref<!tpu.dma_semaphore, #tpu.memory_space<semaphore_mem>>) src(%dma_wait3A_274 : memref<1000000x128xf32, #tpu.memory_space<hbm>>) dst(%dma_wait3A_268 : memref<128x128xf32, #tpu.memory_space<vmem>>)
    %dma_wait3A_275 = arith.constant 11 : i32
    %dma_wait3A_276 = arith.constant 5 : i32
    %dma_wait3A_277 = arith.constant 0 : i32
    %dma_wait3A_278 = arith.constant 0 : i32
    %dma_wait3A_279 = tpu.memref_slice %arg6[%dma_wait3A_276, %dma_wait3A_277, %dma_wait3A_278] : memref<6x128x128xf32, #tpu.memory_space<vmem>> -> memref<1x128x128xf32, #tpu.memory_space<vmem>>
    %dma_wait3A_280 = tpu.memref_squeeze %dma_wait3A_279 : memref<1x128x128xf32, #tpu.memory_space<vmem>> -> memref<128x128xf32, #tpu.memory_space<vmem>>
    %dma_wait3A_281 = arith.constant 0 : i32
    %dma_wait3A_282 = tpu.memref_slice %arg5[%dma_wait3A_275, %dma_wait3A_281] : memref<12x128xi32, #tpu.memory_space<vmem>> -> memref<1x128xi32, #tpu.memory_space<vmem>>
    %dma_wait3A_283 = tpu.memref_squeeze %dma_wait3A_282 : memref<1x128xi32, #tpu.memory_space<vmem>> -> memref<128xi32, #tpu.memory_space<vmem>>
    %dma_wait3A_284 = arith.constant 0 : i32
    %dma_wait3A_285 = arith.constant 0 : i32
    %dma_wait3A_286 = tpu.memref_slice %arg2[%dma_wait3A_284, %dma_wait3A_285] : memref<1000000x128xf32, #tpu.memory_space<hbm>> -> memref<1000000x128xf32, #tpu.memory_space<hbm>>
    tpu.wait_indirect_dma semaphore(%arg7 : memref<!tpu.dma_semaphore, #tpu.memory_space<semaphore_mem>>) src(%dma_wait3A_286 : memref<1000000x128xf32, #tpu.memory_space<hbm>>) dst(%dma_wait3A_280 : memref<128x128xf32, #tpu.memory_space<vmem>>)
    "tpu.region"() ({
      %run_scoped3A = tpu.sem_alloc : memref<!tpu.dma_semaphore, #tpu.memory_space<semaphore_mem>>
      %dma_start3A_287 = arith.constant 6 : i32
      %dma_start3A_288 = arith.constant 0 : i32
      %dma_start3A_289 = arith.constant 0 : i32
      %dma_start3A_290 = tpu.memref_slice %arg4[%add3A, %dma_start3A_287, %dma_start3A_288, %dma_start3A_289] : memref<32x12x128x128xf32, #tpu.memory_space<hbm>> -> memref<1x6x128x128xf32, #tpu.memory_space<hbm>>
      %dma_start3A_291 = tpu.memref_squeeze %dma_start3A_290 : memref<1x6x128x128xf32, #tpu.memory_space<hbm>> -> memref<6x128x128xf32, #tpu.memory_space<hbm>>
      %dma_start3A_292 = arith.constant 6 : i32
      %dma_start3A_293 = arith.constant 0 : i32
      %dma_start3A_294 = arith.constant 0 : i32
      %dma_start3A_295 = tpu.memref_slice %arg4[%add3A, %dma_start3A_292, %dma_start3A_293, %dma_start3A_294] : memref<32x12x128x128xf32, #tpu.memory_space<hbm>> -> memref<1x6x128x128xf32, #tpu.memory_space<hbm>>
      %dma_start3A_296 = tpu.memref_squeeze %dma_start3A_295 : memref<1x6x128x128xf32, #tpu.memory_space<hbm>> -> memref<6x128x128xf32, #tpu.memory_space<hbm>>
      tpu.enqueue_dma source(%arg6 : memref<6x128x128xf32, #tpu.memory_space<vmem>>) target(%dma_start3A_296 : memref<6x128x128xf32, #tpu.memory_space<hbm>>) target_semaphore(%run_scoped3A : memref<!tpu.dma_semaphore, #tpu.memory_space<semaphore_mem>>)
      %dma_wait3A_297 = arith.constant 6 : i32
      %dma_wait3A_298 = arith.constant 0 : i32
      %dma_wait3A_299 = arith.constant 0 : i32
      %dma_wait3A_300 = tpu.memref_slice %arg4[%add3A, %dma_wait3A_297, %dma_wait3A_298, %dma_wait3A_299] : memref<32x12x128x128xf32, #tpu.memory_space<hbm>> -> memref<1x6x128x128xf32, #tpu.memory_space<hbm>>
      %dma_wait3A_301 = tpu.memref_squeeze %dma_wait3A_300 : memref<1x6x128x128xf32, #tpu.memory_space<hbm>> -> memref<6x128x128xf32, #tpu.memory_space<hbm>>
      %dma_wait3A_302 = arith.constant 6 : i32
      %dma_wait3A_303 = arith.constant 0 : i32
      %dma_wait3A_304 = arith.constant 0 : i32
      %dma_wait3A_305 = tpu.memref_slice %arg4[%add3A, %dma_wait3A_302, %dma_wait3A_303, %dma_wait3A_304] : memref<32x12x128x128xf32, #tpu.memory_space<hbm>> -> memref<1x6x128x128xf32, #tpu.memory_space<hbm>>
      %dma_wait3A_306 = tpu.memref_squeeze %dma_wait3A_305 : memref<1x6x128x128xf32, #tpu.memory_space<hbm>> -> memref<6x128x128xf32, #tpu.memory_space<hbm>>
      tpu.wait_dma2 semaphore(%run_scoped3A : memref<!tpu.dma_semaphore, #tpu.memory_space<semaphore_mem>>) src(%arg6 : memref<6x128x128xf32, #tpu.memory_space<vmem>>) dst(%dma_wait3A_306 : memref<6x128x128xf32, #tpu.memory_space<hbm>>)
      tpu.yield
    }) : () -> ()
    return
  }
}

module attributes {stable_mosaic.version = 14 : i64} {
  func.func @_transpose_body(%arg0: i32, %arg1: memref<64x16384xf32, #tpu.memory_space<vmem>>, %arg2: memref<16384x128xf32, #tpu.memory_space<vmem>>) attributes {dimension_semantics = [#tpu.dimension_semantics<arbitrary>], iteration_bounds = array<i64: 62>, scalar_prefetch = 0 : i64, scratch_operands = 0 : i64, tpu.core_type = #tpu.core_type<tc>, window_params = [{transform_indices = @transform_0, window_bounds = array<i64: 64, 16384>}, {transform_indices = @transform_1, window_bounds = array<i64: 16384, 128>}]} {
    %get3A = arith.constant 0 : index
    %get3A_0 = arith.constant 0 : index
    %get3A_1 = vector.load %arg1[%get3A, %get3A_0] : memref<64x16384xf32, #tpu.memory_space<vmem>>, vector<64x16384xf32>
    %transpose3A = tpu.transpose %get3A_1, [1, 0] : vector<64x16384xf32> -> vector<16384x64xf32>
    %concatenate3A = tpu.concatenate %transpose3A, %transpose3A in 1 : vector<16384x64xf32>, vector<16384x64xf32> -> vector<16384x128xf32>
    %swap3A = arith.constant 0 : index
    %swap3A_2 = arith.constant 0 : index
    %swap3A_3 = vector.load %arg2[%swap3A, %swap3A_2] : memref<16384x128xf32, #tpu.memory_space<vmem>>, vector<16384x128xf32>
    tpu.vector_store %arg2[%swap3A, %swap3A_2], %concatenate3A {strides = array<i32>} : memref<16384x128xf32, #tpu.memory_space<vmem>>, vector<16384x128xf32>,
    return
  }
  func.func @transform_0(%arg0: i32) -> (i32, i32) {
    %c0_i32 = arith.constant 0 : i32
    %c0_i32_0 = arith.constant 0 : i32
    return %c0_i32, %arg0 : i32, i32
  }
  func.func @transform_1(%arg0: i32) -> (i32, i32) {
    %c0_i32 = arith.constant 0 : i32
    %c0_i32_0 = arith.constant 0 : i32
    return %arg0, %c0_i32 : i32, i32
  }
}

module attributes {stable_mosaic.version = 14 : i64} {
  func.func @_tc_body(%arg0: i32, %arg1: memref<5120x128xf32, #tpu.memory_space<vmem>>, %arg2: memref<512x128xf32, #tpu.memory_space<vmem>>, %arg3: memref<512x128xf32, #tpu.memory_space<vmem>>, %arg4: memref<512x1xi32, #tpu.memory_space<vmem>>, %arg5: memref<64x64xf32, #tpu.memory_space<vmem>>, %arg6: memref<1x64xf32, #tpu.memory_space<vmem>>, %arg7: memref<64x2xf32, #tpu.memory_space<vmem>>, %arg8: memref<1x2xf32, #tpu.memory_space<vmem>>, %arg9: memref<1x1xf32, #tpu.memory_space<vmem>>, %arg10: memref<1x1xf32, #tpu.memory_space<vmem>>) attributes {dimension_semantics = [#tpu.dimension_semantics<arbitrary>], iteration_bounds = array<i64: 8>, scalar_prefetch = 0 : i64, scratch_operands = 0 : i64, tpu.core_type = #tpu.core_type<tc>, window_params = [{transform_indices = @transform_0, window_bounds = array<i64: 5120, 128>}, {transform_indices = @transform_1, window_bounds = array<i64: 512, 128>}, {transform_indices = @transform_2, window_bounds = array<i64: 512, 128>}, {transform_indices = @transform_3, window_bounds = array<i64: 512, 1>}, {pipeline_mode = #tpu.pipeline_mode<synchronous>, transform_indices = @transform_4, window_bounds = array<i64: 64, 64>}, {pipeline_mode = #tpu.pipeline_mode<synchronous>, transform_indices = @transform_5, window_bounds = array<i64: 1, 64>}, {pipeline_mode = #tpu.pipeline_mode<synchronous>, transform_indices = @transform_6, window_bounds = array<i64: 64, 2>}, {pipeline_mode = #tpu.pipeline_mode<synchronous>, transform_indices = @transform_7, window_bounds = array<i64: 1, 2>}, {pipeline_mode = #tpu.pipeline_mode<synchronous>, transform_indices = @transform_8, window_bounds = array<i64: 1, 1>}, {pipeline_mode = #tpu.pipeline_mode<synchronous>, transform_indices = @transform_9, window_bounds = array<i64: 1, 1>}]} {
    %get3A = arith.constant 0 : index
    %get3A_0 = arith.constant 0 : index
    %get3A_1 = vector.load %arg5[%get3A, %get3A_0] : memref<64x64xf32, #tpu.memory_space<vmem>>, vector<64x64xf32>
    %get3A_2 = arith.constant 0 : index
    %get3A_3 = arith.constant 0 : index
    %get3A_4 = vector.load %arg6[%get3A_2, %get3A_3] : memref<1x64xf32, #tpu.memory_space<vmem>>, vector<1x64xf32>
    %get3A_5 = arith.constant 0 : index
    %get3A_6 = arith.constant 0 : index
    %get3A_7 = vector.load %arg2[%get3A_5, %get3A_6] : memref<512x128xf32, #tpu.memory_space<vmem>>, vector<512x64xf32>
    %dot_general3A = arith.constant dense<0.000000e+00> : vector<512x64xf32>
    %dot_general3A_8 = tpu.matmul %get3A_7, %get3A_1, %dot_general3A {dimension_numbers = #tpu.dot_dimension_numbers<[1], [0], [0], [1], [0, 0, 1, 1], [], []>, transpose_lhs_hint = false} : vector<512x64xf32>, vector<64x64xf32>, vector<512x64xf32> -> vector<512x64xf32>
    %add3A = vector.broadcast %get3A_4 : vector<1x64xf32> to vector<512x64xf32>
    %add3A_9 = arith.addf %dot_general3A_8, %add3A : vector<512x64xf32>
    %gt3A = arith.constant 0.000000e+00 : f32
    %gt3A_10 = vector.broadcast %gt3A : f32 to vector<512x64xf32>
    %gt3A_11 = arith.cmpf ogt, %add3A_9, %gt3A_10 : vector<512x64xf32>
    %min3A = arith.constant 0.000000e+00 : f32
    %min3A_12 = vector.broadcast %min3A : f32 to vector<512x64xf32>
    %min3A_13 = arith.minimumf %add3A_9, %min3A_12 : vector<512x64xf32>
    %exp3A = math.exp %min3A_13 : vector<512x64xf32>
    %sub3A = arith.constant 1.000000e+00 : f32
    %sub3A_14 = vector.broadcast %sub3A : f32 to vector<512x64xf32>
    %sub3A_15 = arith.subf %exp3A, %sub3A_14 : vector<512x64xf32>
    %mul3A = arith.constant 1.67326319 : f32
    %mul3A_16 = vector.broadcast %mul3A : f32 to vector<512x64xf32>
    %mul3A_17 = arith.mulf %mul3A_16, %sub3A_15 : vector<512x64xf32>
    %select_n3A = arith.select %gt3A_11, %add3A_9, %mul3A_17 : vector<512x64xi1>, vector<512x64xf32>
    %mul3A_18 = arith.constant 1.05070102 : f32
    %mul3A_19 = vector.broadcast %mul3A_18 : f32 to vector<512x64xf32>
    %mul3A_20 = arith.mulf %mul3A_19, %select_n3A : vector<512x64xf32>
    %get3A_21 = arith.constant 0 : index
    %get3A_22 = arith.constant 0 : index
    %get3A_23 = vector.load %arg3[%get3A_21, %get3A_22] : memref<512x128xf32, #tpu.memory_space<vmem>>, vector<512x64xf32>
    %dot_general3A_24 = arith.constant dense<0.000000e+00> : vector<512x64xf32>
    %dot_general3A_25 = tpu.matmul %get3A_23, %get3A_1, %dot_general3A_24 {dimension_numbers = #tpu.dot_dimension_numbers<[1], [0], [0], [1], [0, 0, 1, 1], [], []>, transpose_lhs_hint = false} : vector<512x64xf32>, vector<64x64xf32>, vector<512x64xf32> -> vector<512x64xf32>
    %add3A_26 = vector.broadcast %get3A_4 : vector<1x64xf32> to vector<512x64xf32>
    %add3A_27 = arith.addf %dot_general3A_25, %add3A_26 : vector<512x64xf32>
    %gt3A_28 = arith.constant 0.000000e+00 : f32
    %gt3A_29 = vector.broadcast %gt3A_28 : f32 to vector<512x64xf32>
    %gt3A_30 = arith.cmpf ogt, %add3A_27, %gt3A_29 : vector<512x64xf32>
    %min3A_31 = arith.constant 0.000000e+00 : f32
    %min3A_32 = vector.broadcast %min3A_31 : f32 to vector<512x64xf32>
    %min3A_33 = arith.minimumf %add3A_27, %min3A_32 : vector<512x64xf32>
    %exp3A_34 = math.exp %min3A_33 : vector<512x64xf32>
    %sub3A_35 = arith.constant 1.000000e+00 : f32
    %sub3A_36 = vector.broadcast %sub3A_35 : f32 to vector<512x64xf32>
    %sub3A_37 = arith.subf %exp3A_34, %sub3A_36 : vector<512x64xf32>
    %mul3A_38 = arith.constant 1.67326319 : f32
    %mul3A_39 = vector.broadcast %mul3A_38 : f32 to vector<512x64xf32>
    %mul3A_40 = arith.mulf %mul3A_39, %sub3A_37 : vector<512x64xf32>
    %select_n3A_41 = arith.select %gt3A_30, %add3A_27, %mul3A_40 : vector<512x64xi1>, vector<512x64xf32>
    %mul3A_42 = arith.constant 1.05070102 : f32
    %mul3A_43 = vector.broadcast %mul3A_42 : f32 to vector<512x64xf32>
    %mul3A_44 = arith.mulf %mul3A_43, %select_n3A_41 : vector<512x64xf32>
    %get3A_45 = arith.constant 0 : index
    %get3A_46 = arith.constant 0 : index
    %get3A_47 = vector.load %arg1[%get3A_45, %get3A_46] : memref<5120x128xf32, #tpu.memory_space<vmem>>, vector<5120x64xf32>
    %dot_general3A_48 = arith.constant dense<0.000000e+00> : vector<5120x64xf32>
    %dot_general3A_49 = tpu.matmul %get3A_47, %get3A_1, %dot_general3A_48 {dimension_numbers = #tpu.dot_dimension_numbers<[1], [0], [0], [1], [0, 0, 1, 1], [], []>, transpose_lhs_hint = false} : vector<5120x64xf32>, vector<64x64xf32>, vector<5120x64xf32> -> vector<5120x64xf32>
    %add3A_50 = vector.broadcast %get3A_4 : vector<1x64xf32> to vector<5120x64xf32>
    %add3A_51 = arith.addf %dot_general3A_49, %add3A_50 : vector<5120x64xf32>
    %gt3A_52 = arith.constant 0.000000e+00 : f32
    %gt3A_53 = vector.broadcast %gt3A_52 : f32 to vector<5120x64xf32>
    %gt3A_54 = arith.cmpf ogt, %add3A_51, %gt3A_53 : vector<5120x64xf32>
    %min3A_55 = arith.constant 0.000000e+00 : f32
    %min3A_56 = vector.broadcast %min3A_55 : f32 to vector<5120x64xf32>
    %min3A_57 = arith.minimumf %add3A_51, %min3A_56 : vector<5120x64xf32>
    %exp3A_58 = math.exp %min3A_57 : vector<5120x64xf32>
    %sub3A_59 = arith.constant 1.000000e+00 : f32
    %sub3A_60 = vector.broadcast %sub3A_59 : f32 to vector<5120x64xf32>
    %sub3A_61 = arith.subf %exp3A_58, %sub3A_60 : vector<5120x64xf32>
    %mul3A_62 = arith.constant 1.67326319 : f32
    %mul3A_63 = vector.broadcast %mul3A_62 : f32 to vector<5120x64xf32>
    %mul3A_64 = arith.mulf %mul3A_63, %sub3A_61 : vector<5120x64xf32>
    %select_n3A_65 = arith.select %gt3A_54, %add3A_51, %mul3A_64 : vector<5120x64xi1>, vector<5120x64xf32>
    %mul3A_66 = arith.constant 1.05070102 : f32
    %mul3A_67 = vector.broadcast %mul3A_66 : f32 to vector<5120x64xf32>
    %mul3A_68 = arith.mulf %mul3A_67, %select_n3A_65 : vector<5120x64xf32>
    %mul3A_69 = arith.mulf %mul3A_20, %mul3A_44 : vector<512x64xf32>
    %reduce_sum3A = arith.constant dense<0.000000e+00> : vector<512xf32>
    %reduce_sum3A_70 = vector.multi_reduction <add>, %mul3A_69, %reduce_sum3A [1] : vector<512x64xf32> to vector<512xf32>
    %broadcast_in_dim3A = vector.shape_cast %reduce_sum3A_70 : vector<512xf32> to vector<512x1xf32>
    %reshape3A = vector.shape_cast %mul3A_68 : vector<5120x64xf32> to vector<512x10x64xf32>
    %broadcast_in_dim3A_71 = vector.shape_cast %mul3A_20 : vector<512x64xf32> to vector<512x1x64xf32>
    %mul3A_72 = vector.broadcast %broadcast_in_dim3A_71 : vector<512x1x64xf32> to vector<512x10x64xf32>
    %mul3A_73 = arith.mulf %reshape3A, %mul3A_72 : vector<512x10x64xf32>
    %reduce_sum3A_74 = arith.constant dense<0.000000e+00> : vector<512x10xf32>
    %reduce_sum3A_75 = vector.multi_reduction <add>, %mul3A_73, %reduce_sum3A_74 [2] : vector<512x10x64xf32> to vector<512x10xf32>
    %min3A_76 = arith.constant 0.000000e+00 : f32
    %min3A_77 = vector.broadcast %min3A_76 : f32 to vector<512x1xf32>
    %min3A_78 = arith.minimumf %broadcast_in_dim3A, %min3A_77 : vector<512x1xf32>
    %abs3A = math.absf %broadcast_in_dim3A : vector<512x1xf32>
    %neg3A = arith.constant 0.000000e+00 : f32
    %neg3A_79 = vector.broadcast %neg3A : f32 to vector<512x1xf32>
    %neg3A_80 = arith.subf %neg3A_79, %abs3A : vector<512x1xf32>
    %exp3A_81 = math.exp %neg3A_80 : vector<512x1xf32>
    %add3A_82 = arith.constant 1.000000e+00 : f32
    %add3A_83 = vector.broadcast %add3A_82 : f32 to vector<512x1xf32>
    %add3A_84 = arith.addf %add3A_83, %exp3A_81 : vector<512x1xf32>
    %log3A = math.log %add3A_84 : vector<512x1xf32>
    %sub3A_85 = arith.subf %min3A_78, %log3A : vector<512x1xf32>
    %reduce_sum3A_86 = vector.shape_cast %sub3A_85 : vector<512x1xf32> to vector<1x512x1xf32>
    %reduce_sum3A_87 = arith.constant dense<0.000000e+00> : vector<1xf32>
    %reduce_sum3A_88 = vector.multi_reduction <add>, %reduce_sum3A_86, %reduce_sum3A_87 [1, 2] : vector<1x512x1xf32> to vector<1xf32>
    %reduce_sum3A_89 = vector.shape_cast %reduce_sum3A_88 : vector<1xf32> to vector<1x1x1xf32>
    %reduce_sum3A_90 = vector.extract %reduce_sum3A_89[0, 0, 0] : f32 from vector<1x1x1xf32>
    %broadcast_in_dim3A_91 = vector.broadcast %reduce_sum3A_90 : f32 to vector<1x1xf32>
    %neg3A_92 = arith.constant 0.000000e+00 : f32
    %neg3A_93 = vector.broadcast %neg3A_92 : f32 to vector<512x10xf32>
    %neg3A_94 = arith.subf %neg3A_93, %reduce_sum3A_75 : vector<512x10xf32>
    %min3A_95 = arith.constant 0.000000e+00 : f32
    %min3A_96 = vector.broadcast %min3A_95 : f32 to vector<512x10xf32>
    %min3A_97 = arith.minimumf %neg3A_94, %min3A_96 : vector<512x10xf32>
    %abs3A_98 = math.absf %neg3A_94 : vector<512x10xf32>
    %neg3A_99 = arith.constant 0.000000e+00 : f32
    %neg3A_100 = vector.broadcast %neg3A_99 : f32 to vector<512x10xf32>
    %neg3A_101 = arith.subf %neg3A_100, %abs3A_98 : vector<512x10xf32>
    %exp3A_102 = math.exp %neg3A_101 : vector<512x10xf32>
    %add3A_103 = arith.constant 1.000000e+00 : f32
    %add3A_104 = vector.broadcast %add3A_103 : f32 to vector<512x10xf32>
    %add3A_105 = arith.addf %add3A_104, %exp3A_102 : vector<512x10xf32>
    %log3A_106 = math.log %add3A_105 : vector<512x10xf32>
    %sub3A_107 = arith.subf %min3A_97, %log3A_106 : vector<512x10xf32>
    %reduce_sum3A_108 = vector.shape_cast %sub3A_107 : vector<512x10xf32> to vector<1x512x10xf32>
    %reduce_sum3A_109 = arith.constant dense<0.000000e+00> : vector<1xf32>
    %reduce_sum3A_110 = vector.multi_reduction <add>, %reduce_sum3A_108, %reduce_sum3A_109 [1, 2] : vector<1x512x10xf32> to vector<1xf32>
    %reduce_sum3A_111 = vector.shape_cast %reduce_sum3A_110 : vector<1xf32> to vector<1x1x1xf32>
    %reduce_sum3A_112 = vector.extract %reduce_sum3A_111[0, 0, 0] : f32 from vector<1x1x1xf32>
    %broadcast_in_dim3A_113 = vector.broadcast %reduce_sum3A_112 : f32 to vector<1x1xf32>
    %add3A_114 = arith.addf %broadcast_in_dim3A_91, %broadcast_in_dim3A_113 : vector<1x1xf32>
    %get3A_115 = arith.constant 0 : index
    %get3A_116 = arith.constant 0 : index
    %get3A_117 = vector.load %arg7[%get3A_115, %get3A_116] : memref<64x2xf32, #tpu.memory_space<vmem>>, vector<64x2xf32>
    %dot_general3A_118 = arith.constant dense<0.000000e+00> : vector<512x2xf32>
    %dot_general3A_119 = tpu.matmul %mul3A_20, %get3A_117, %dot_general3A_118 {dimension_numbers = #tpu.dot_dimension_numbers<[1], [0], [0], [1], [0, 0, 1, 1], [], []>, transpose_lhs_hint = false} : vector<512x64xf32>, vector<64x2xf32>, vector<512x2xf32> -> vector<512x2xf32>
    %get3A_120 = arith.constant 0 : index
    %get3A_121 = arith.constant 0 : index
    %get3A_122 = vector.load %arg8[%get3A_120, %get3A_121] : memref<1x2xf32, #tpu.memory_space<vmem>>, vector<1x2xf32>
    %add3A_123 = vector.broadcast %get3A_122 : vector<1x2xf32> to vector<512x2xf32>
    %add3A_124 = arith.addf %dot_general3A_119, %add3A_123 : vector<512x2xf32>
    %slice3A = vector.extract_strided_slice %add3A_124 {offsets = [0, 0], sizes = [512, 1], strides = [1, 1]} : vector<512x2xf32> to vector<512x1xf32>
    %slice3A_125 = vector.extract_strided_slice %add3A_124 {offsets = [0, 1], sizes = [512, 1], strides = [1, 1]} : vector<512x2xf32> to vector<512x1xf32>
    %max3A = arith.maximumf %slice3A, %slice3A_125 : vector<512x1xf32>
    %sub3A_126 = arith.subf %slice3A, %max3A : vector<512x1xf32>
    %exp3A_127 = math.exp %sub3A_126 : vector<512x1xf32>
    %sub3A_128 = arith.subf %slice3A_125, %max3A : vector<512x1xf32>
    %exp3A_129 = math.exp %sub3A_128 : vector<512x1xf32>
    %add3A_130 = arith.addf %exp3A_127, %exp3A_129 : vector<512x1xf32>
    %log3A_131 = math.log %add3A_130 : vector<512x1xf32>
    %add3A_132 = arith.addf %max3A, %log3A_131 : vector<512x1xf32>
    %get3A_133 = arith.constant 0 : index
    %get3A_134 = arith.constant 0 : index
    %get3A_135 = vector.load %arg4[%get3A_133, %get3A_134] : memref<512x1xi32, #tpu.memory_space<vmem>>, vector<512x1xi32>
    %eq3A = arith.constant 0 : i32
    %eq3A_136 = vector.broadcast %eq3A : i32 to vector<512x1xi32>
    %eq3A_137 = arith.cmpi eq, %get3A_135, %eq3A_136 : vector<512x1xi32>
    %select_n3A_138 = arith.select %eq3A_137, %slice3A, %slice3A_125 : vector<512x1xi1>, vector<512x1xf32>
    %sub3A_139 = arith.subf %select_n3A_138, %add3A_132 : vector<512x1xf32>
    %reduce_sum3A_140 = vector.shape_cast %sub3A_139 : vector<512x1xf32> to vector<1x512x1xf32>
    %reduce_sum3A_141 = arith.constant dense<0.000000e+00> : vector<1xf32>
    %reduce_sum3A_142 = vector.multi_reduction <add>, %reduce_sum3A_140, %reduce_sum3A_141 [1, 2] : vector<1x512x1xf32> to vector<1xf32>
    %reduce_sum3A_143 = vector.shape_cast %reduce_sum3A_142 : vector<1xf32> to vector<1x1x1xf32>
    %reduce_sum3A_144 = vector.extract %reduce_sum3A_143[0, 0, 0] : f32 from vector<1x1x1xf32>
    %broadcast_in_dim3A_145 = vector.broadcast %reduce_sum3A_144 : f32 to vector<1x1xf32>
    %eq3A_146 = arith.constant 0 : i32
    %eq3A_147 = arith.cmpi eq, %arg0, %eq3A_146 : i32
    %convert_element_type3A = arith.extui %eq3A_147 : i1 to i32
    %cond3A = arith.constant 0 : i32
    %cond3A_148 = arith.cmpi ne, %convert_element_type3A, %cond3A : i32
    scf.if %cond3A_148 {
      %broadcast_in_dim3A_162 = arith.constant 0.000000e+00 : f32
      %broadcast_in_dim3A_163 = vector.broadcast %broadcast_in_dim3A_162 : f32 to vector<1x1xf32>
      %swap3A_164 = arith.constant 0 : index
      %swap3A_165 = arith.constant 0 : index
      %swap3A_166 = vector.load %arg9[%swap3A_164, %swap3A_165] : memref<1x1xf32, #tpu.memory_space<vmem>>, vector<1x1xf32>
      tpu.vector_store %arg9[%swap3A_164, %swap3A_165], %broadcast_in_dim3A_163 {strides = array<i32>} : memref<1x1xf32, #tpu.memory_space<vmem>>, vector<1x1xf32>,
      %broadcast_in_dim3A_167 = arith.constant 0.000000e+00 : f32
      %broadcast_in_dim3A_168 = vector.broadcast %broadcast_in_dim3A_167 : f32 to vector<1x1xf32>
      %swap3A_169 = arith.constant 0 : index
      %swap3A_170 = arith.constant 0 : index
      %swap3A_171 = vector.load %arg10[%swap3A_169, %swap3A_170] : memref<1x1xf32, #tpu.memory_space<vmem>>, vector<1x1xf32>
      tpu.vector_store %arg10[%swap3A_169, %swap3A_170], %broadcast_in_dim3A_168 {strides = array<i32>} : memref<1x1xf32, #tpu.memory_space<vmem>>, vector<1x1xf32>,
    } else {
    }
    %get3A_149 = arith.constant 0 : index
    %get3A_150 = arith.constant 0 : index
    %get3A_151 = vector.load %arg9[%get3A_149, %get3A_150] : memref<1x1xf32, #tpu.memory_space<vmem>>, vector<1x1xf32>
    %add3A_152 = arith.addf %get3A_151, %add3A_114 : vector<1x1xf32>
    %swap3A = arith.constant 0 : index
    %swap3A_153 = arith.constant 0 : index
    %swap3A_154 = vector.load %arg9[%swap3A, %swap3A_153] : memref<1x1xf32, #tpu.memory_space<vmem>>, vector<1x1xf32>
    tpu.vector_store %arg9[%swap3A, %swap3A_153], %add3A_152 {strides = array<i32>} : memref<1x1xf32, #tpu.memory_space<vmem>>, vector<1x1xf32>,
    %get3A_155 = arith.constant 0 : index
    %get3A_156 = arith.constant 0 : index
    %get3A_157 = vector.load %arg10[%get3A_155, %get3A_156] : memref<1x1xf32, #tpu.memory_space<vmem>>, vector<1x1xf32>
    %add3A_158 = arith.addf %get3A_157, %broadcast_in_dim3A_145 : vector<1x1xf32>
    %swap3A_159 = arith.constant 0 : index
    %swap3A_160 = arith.constant 0 : index
    %swap3A_161 = vector.load %arg10[%swap3A_159, %swap3A_160] : memref<1x1xf32, #tpu.memory_space<vmem>>, vector<1x1xf32>
    tpu.vector_store %arg10[%swap3A_159, %swap3A_160], %add3A_158 {strides = array<i32>} : memref<1x1xf32, #tpu.memory_space<vmem>>, vector<1x1xf32>,
    return
  }
  func.func @transform_0(%arg0: i32) -> (i32, i32) {
    %c0_i32 = arith.constant 0 : i32
    %c0_i32_0 = arith.constant 0 : i32
    return %arg0, %c0_i32 : i32, i32
  }
  func.func @transform_1(%arg0: i32) -> (i32, i32) {
    %add3A = arith.constant 80 : i32
    %add3A_0 = arith.addi %arg0, %add3A : i32
    %c0_i32 = arith.constant 0 : i32
    %c0_i32_1 = arith.constant 0 : i32
    return %add3A_0, %c0_i32 : i32, i32
  }
  func.func @transform_2(%arg0: i32) -> (i32, i32) {
    %add3A = arith.constant 88 : i32
    %add3A_0 = arith.addi %arg0, %add3A : i32
    %c0_i32 = arith.constant 0 : i32
    %c0_i32_1 = arith.constant 0 : i32
    return %add3A_0, %c0_i32 : i32, i32
  }
  func.func @transform_3(%arg0: i32) -> (i32, i32) {
    %c0_i32 = arith.constant 0 : i32
    %c0_i32_0 = arith.constant 0 : i32
    return %arg0, %c0_i32 : i32, i32
  }
  func.func @transform_4(%arg0: i32) -> (i32, i32) {
    %c0_i32 = arith.constant 0 : i32
    %c0_i32_0 = arith.constant 0 : i32
    %c0_i32_1 = arith.constant 0 : i32
    return %c0_i32, %c0_i32_0 : i32, i32
  }
  func.func @transform_5(%arg0: i32) -> (i32, i32) {
    %c0_i32 = arith.constant 0 : i32
    %c0_i32_0 = arith.constant 0 : i32
    %c0_i32_1 = arith.constant 0 : i32
    return %c0_i32, %c0_i32_0 : i32, i32
  }
  func.func @transform_6(%arg0: i32) -> (i32, i32) {
    %c0_i32 = arith.constant 0 : i32
    %c0_i32_0 = arith.constant 0 : i32
    %c0_i32_1 = arith.constant 0 : i32
    return %c0_i32, %c0_i32_0 : i32, i32
  }
  func.func @transform_7(%arg0: i32) -> (i32, i32) {
    %c0_i32 = arith.constant 0 : i32
    %c0_i32_0 = arith.constant 0 : i32
    %c0_i32_1 = arith.constant 0 : i32
    return %c0_i32, %c0_i32_0 : i32, i32
  }
  func.func @transform_8(%arg0: i32) -> (i32, i32) {
    %c0_i32 = arith.constant 0 : i32
    %c0_i32_0 = arith.constant 0 : i32
    %c0_i32_1 = arith.constant 0 : i32
    return %c0_i32, %c0_i32_0 : i32, i32
  }
  func.func @transform_9(%arg0: i32) -> (i32, i32) {
    %c0_i32 = arith.constant 0 : i32
    %c0_i32_0 = arith.constant 0 : i32
    %c0_i32_1 = arith.constant 0 : i32
    return %c0_i32, %c0_i32_0 : i32, i32
  }
}

</mosaic_0001>

<sc_bundles>
// kernel: kernel.11.cloned.1.call-start
scs
__scs_entry_jumppad:
0x0: {  	(pc) =	sbr.rel $0x88, $3  }
0x1: {  	(tag) =	ssettag $0x0;
	lr =	simm.s32 $0x1  }
0x2: {  	[smem:$0x3F98] =	sst lr;
	_ =	strace $0xD0000000  }
0x3: {  	_ = 	snop  }
0x4: {  	_ = 	snop  }
0x5: {  	_ = 	snop  }
0x6: {  	_ = 	snop  }
0x7: {  	_ = 	snop  }
__scs_overlays_trampoline_lowered:
0x8: {  	[smem:$0x3FA7] =	sst s0  }
0x9: {  	[smem:$0x3FA8] =	sst s1  }
0xa: {  	[smem:$0x3FA9] =	sst s2  }
0xb: {  	[smem:$0x3FAA] =	sst s3  }
0xc: {  	[smem:$0x3FAB] =	sst s4  }
0xd: {  	[smem:$0x3FAC] =	sst s5  }
0xe: {  	[smem:$0x3FAD] =	sst s6  }
0xf: {  	[smem:$0x3FAE] =	sst s7  }
0x10: {  	[smem:$0x3FAF] =	sst s8  }
0x11: {  	[smem:$0x3FB0] =	sst s9;
	s0 =	simm.s32 @!p0 $0x0  }
0x12: {  	s1 =	sld [smem:$0x3F96];
	s0 =	simm.s32 @p0 $0x1  }
0x13: {  	[smem:$0x3FB1] =	sst s0;
	s0 =	simm.s32 @!p1 $0x0  }
0x14: {  	s2 =	sld [smem:$0x3F95];
	s0 =	simm.s32 @p1 $0x1  }
0x15: {  	[smem:$0x3FB2] =	sst s0;
	s0 =	simm.s32 @!p2 $0x0  }
0x16: {  	s3 =	sld [smem:$0x3FDB];
	s0 =	simm.s32 @p2 $0x1  }
0x17: {  	s4 =	simm.s32 $0x1BF5;
	[smem:$0x3FB4] =	sst s0  }
0x18: {  	s0 =	sld [smem:$0x3F97];
	_ =	swait.ge [sflag:s4], $0x0  }
0x19: {  	s7 =	sld [smem:$0x3F98]  }
0x1a: {  	s8 =	sadd.s32 $0xFFFFE003, lr  }
0x1b: {  	s9 =	sadd.s32 $0xFFFFFEF7, lr;
	s5 =	simm.s32 $0xFFFFFFFF;
	p2 =	slt.u32 s8, $0xFFFFF086  }
0x1c: {  	p1 =	slt.u32 s9, $0xF7A;
	s5 =	simm.s32 @!p2 $0x0  }
0x1d: {  	s5 =	simm.s32 @p1 $0x1;
	p0 =	seq.s32 s7, s2  }
0x1e: {  	s7 =	smul.u32 @!p0 $0xF7A, s2;
	p2 =	seq.s32 @!p0 s5, $0x0  }
0x1f: {  	s9 =	smul.u32 $0xF7A, s1;
	s8 =	simm.s32 @!p0 $0x1BF5;
	p2 =	por !p2, p0  }
0x20: {  	[sflag:s8] =	ssyncset.s32 @!p0 $0xFFFFF086;
	s6 =	sadd.s32 @!p0 s3, s7;
	s7 =	simm.s32 @!p0 $0x108  }
0x21: {  	s3 =	sadd.s32 s3, s9;
	s6 =	sadd.s32 @!p0 $0x88, s6;
	s7 =	simm.s32 @p2 $0x1082  }
0x22: {  	[simem:s7], [sflag:s8] =	dma.local @!p0 [hbm:s6], $0xF7A  }
0x23: {  	s9 =	sor.u32 $0xD0000000, s2;
	s6 =	simm.s32 $0x108;
	_ =	swait.ge @!p0 [sflag:s8], $0x0  }
0x24: {  	s3 =	sadd.s32 $0x88, s3;
	s6 =	simm.s32 @!p1 $0x1082;
	[sflag:s4] =	ssyncset.s32 $0xFFFFF086  }
0x25: {  	[simem:s6], [sflag:s4] =	dma.local [hbm:s3], $0xF7A  }
0x26: {  	[smem:$0x3F98] =	sst s1;
	(tag) =	ssettag s2;
	_ =	strace s9  }
0x27: {  	s1 =	sld [smem:$0x3FA8]  }
0x28: {  	s2 =	sld [smem:$0x3FA9]  }
0x29: {  	s4 =	sld [smem:$0x3FAB]  }
0x2a: {  	p0 =	seq.s32 s5, $0x0;
	s5 =	sld [smem:$0x3FAC]  }
0x2b: {  	s6 =	sld [smem:$0x3FAD]  }
0x2c: {  	s7 =	sld [smem:$0x3FAE]  }
0x2d: {  	s3 =	simm.s32 $0x108;
	s8 =	sld [smem:$0x3FAF]  }
0x2e: {  	s3 =	simm.s32 @!p0 $0x1082;
	s9 =	sld [smem:$0x3FB0]  }
0x2f: {  	lr =	sadd.s32 s0, s3;
	s0 =	sld [smem:$0x3FA7]  }
0x30: {  	s3 =	sld [smem:$0x3FAA]  }
0x31: {  	[smem:$0x3FB3] =	sst s10  }
0x32: {  	s10 =	sld [smem:$0x3FB1];
	_ =	sdelay $0x3  }
0x33: {  	p0 =	seq.s32 s10, $0x1;
	s10 =	sld [smem:$0x3FB3];
	_ =	sdelay $0x3  }
0x34: {  	[smem:$0x3FB3] =	sst s10  }
0x35: {  	s10 =	sld [smem:$0x3FB2];
	_ =	sdelay $0x3  }
0x36: {  	p1 =	seq.s32 s10, $0x1;
	s10 =	sld [smem:$0x3FB3];
	_ =	sdelay $0x3  }
0x37: {  	[smem:$0x3FB3] =	sst s10  }
0x38: {  	s10 =	sld [smem:$0x3FB4]  }
0x39: {  	_ = 	snop;
	(pc) =	sbr.ind lr, $3  }
0x3a: {  	_ = 	snop  }
0x3b: {  	_ = 	snop  }
0x3c: {  	p2 =	seq.s32 s10, $0x1;
	s10 =	sld [smem:$0x3FB3]  }
0x3d: {  	_ =	shalt  }
0x3e: {  	_ =	shalt  }
0x3f: {  	_ =	shalt  }
0x40: {  	_ =	shalt  }
0x41: {  	_ =	shalt  }
0x42: {  	_ =	shalt  }
0x43: {  	_ =	shalt  }
0x44: {  	_ =	shalt  }
0x45: {  	_ =	shalt  }
0x46: {  	_ =	shalt  }
0x47: {  	_ =	shalt  }
0x48: {  	_ =	shalt  }
0x49: {  	_ =	shalt  }
0x4a: {  	_ =	shalt  }
0x4b: {  	_ =	shalt  }
0x4c: {  	_ =	shalt  }
0x4d: {  	_ =	shalt  }
0x4e: {  	_ =	shalt  }
0x4f: {  	_ =	shalt  }
0x50: {  	_ =	shalt  }
0x51: {  	_ =	shalt  }
0x52: {  	_ =	shalt  }
0x53: {  	_ =	shalt  }
0x54: {  	_ =	shalt  }
0x55: {  	_ =	shalt  }
0x56: {  	_ =	shalt  }
0x57: {  	_ =	shalt  }
0x58: {  	_ =	shalt  }
0x59: {  	_ =	shalt  }
0x5a: {  	_ =	shalt  }
0x5b: {  	_ =	shalt  }
0x5c: {  	_ =	shalt  }
0x5d: {  	_ =	shalt  }
0x5e: {  	_ =	shalt  }
0x5f: {  	_ =	shalt  }
0x60: {  	_ =	shalt  }
0x61: {  	_ =	shalt  }
0x62: {  	_ =	shalt  }
0x63: {  	_ =	shalt  }
0x64: {  	_ =	shalt  }
0x65: {  	_ =	shalt  }
0x66: {  	_ =	shalt  }
0x67: {  	_ =	shalt  }
0x68: {  	_ =	shalt  }
0x69: {  	_ =	shalt  }
0x6a: {  	_ =	shalt  }
0x6b: {  	_ =	shalt  }
0x6c: {  	_ =	shalt  }
0x6d: {  	_ =	shalt  }
0x6e: {  	_ =	shalt  }
0x6f: {  	_ =	shalt  }
0x70: {  	_ =	shalt  }
0x71: {  	_ =	shalt  }
0x72: {  	_ =	shalt  }
0x73: {  	_ =	shalt  }
0x74: {  	_ =	shalt  }
0x75: {  	_ =	shalt  }
0x76: {  	_ =	shalt  }
0x77: {  	_ =	shalt  }
0x78: {  	_ =	shalt  }
0x79: {  	_ =	shalt  }
0x7a: {  	_ =	shalt  }
0x7b: {  	_ =	shalt  }
0x7c: {  	_ =	shalt  }
0x7d: {  	_ =	shalt  }
0x7e: {  	_ =	shalt  }
0x7f: {  	_ =	shalt  }
0x80: {  	_ =	shalt  }
0x81: {  	_ =	shalt  }
0x82: {  	_ =	shalt  }
0x83: {  	_ =	shalt  }
0x84: {  	_ =	shalt  }
0x85: {  	_ =	shalt  }
0x86: {  	_ =	shalt  }
0x87: {  	_ =	shalt  }
.Lfunc_end0:
.L_simem_size_0:
called_computation_lowered:
.L_overlay_start_0:
0x88: {  	s2 =	sld [smem:$0x3FD9]  }
0x89: {  	s3 =	sld [smem:$0x3FFE];
	_ =	sdelay $0x1  }
0x8a: {  	s1 =	srdreg.scid  }
0x8b: {  	s0 =	sand.u32 $0x1, s1  }
0x8c: {  	s17 =	sshll.u32 s0, $0xA;
	s2 =	sadd.s32 s3, s2  }
0x8d: {  	s2 =	sadd.s32 s2, s17  }
0x8e: {  	[smem:$0x3FBF] =	sst s2  }
0x8f: {  	_ = 	snop  }
0x90: {  	(tm) =	ssettm $0x1  }
0x91: {  	s18 =	sld [smem:$0x3FFB];
	_ =	sdelay $0x3  }
0x92: {  	_ =	strace s18  }
0x93: {  	s2 =	sld [smem:$0x3FFC];
	_ =	sdelay $0x3  }
0x94: {  	_ =	strace s2  }
0x95: {  	s2 =	sld [smem:$0x3FFD];
	_ =	sdelay $0x3  }
0x96: {  	_ =	strace s2  }
0x97: {  	_ =	strace $0x8FFFFFFF  }
0x98: {  	s19 =	sld [smem:$0x3FDB];
	_ =	sdelay $0x1  }
0x99: {  	s20 =	simm.s32 $_scs_section_size  }
0x9a: {  	s4 =	simm.s32 $_size__tile_overlayer_lowered;
	s5 =	simm.s32 $_tile_overlayer_lowered  }
0x9b: {  	s6 =	simm.s32 $0x1BFF;
	s21 =	sshll.u32 s5, $0x1;
	s3 =	sadd.s32 s20, s19  }
0x9c: {  	s22 =	simm.s32 $0x0;
	s4 =	sshll.u32 s4, $0x1;
	s5 =	sadd.s32 s21, s3  }
0x9d: {  	[timem:s22], [sflag:s6] =	dma.local [hbm:s5], s4  }
0x9e: {  	_ =	swait.ge [sflag:s6], s4  }
0x9f: {  	s4 =	ssub.s32 $0x0, s4;
	[sflag:s6] =	ssyncset.done $0x0  }
0xa0: {  	[sflag:s6] =	ssyncadd.s32 s4;
	_ =	sdelay $0x1  }
0xa1: {  	s23 =	simm.s32 $0x1B8B  }
0xa2: {  	_ =	swait.ge [sflag:s23], $0x1  }
0xa3: {  	[sflag:s23] =	ssyncset.done $0x0  }
0xa4: {  	[sflag:s23] =	ssyncadd.s32 $0xFFFFFFFF  }
0xa5: {  	s4 =	sld [smem:$0x0]  }
0xa6: {  	s5 =	sand.u32 $0xFFFFFFFE, s1  }
0xa7: {  	p0 =	sne.s32 s1, s5  }
0xa8: {  	s5 =	sshll.u32 @p0 s5, $0xE  }
0xa9: {  	s5 =	sadd.s32 @p0 $0x11B8D, s5;
	s6 =	sshll.u32 @p0 s4, $0x11  }
0xaa: {  	s5 =	sor.u32 @p0 s6, s5  }
0xab: {  	[sflag:s5] =	ssyncadd.remote.s32 @p0 $0x1;
	_ =	sdelay $0x1  }
0xac: {  	s5 =	simm.s32 @p0 $0x1B8D  }
0xad: {  	_ =	swait.eq @p0 [sflag:s5], $0x1  }
0xae: {  	[sflag:s5] =	ssyncadd.s32 @p0 $0xFFFFFFFF  }
0xaf: {  	s6 =	sshll.u32 @!p0 s1, $0xE  }
0xb0: {  	s6 =	sor.u32 @!p0 $0x4000, s6;
	s5 =	simm.s32 @!p0 $0x1B8D  }
0xb1: {  	s4 =	sshll.u32 @!p0 s4, $0x11;
	s6 =	sadd.s32 @!p0 $0x11B8D, s6;
	_ =	swait.eq @!p0 [sflag:s5], $0x1  }
0xb2: {  	s4 =	sor.u32 @!p0 s4, s6;
	[sflag:s5] =	ssyncadd.s32 @!p0 $0xFFFFFFFF  }
0xb3: {  	s25 =	simm.s32 $0x1B8E;
	s24 =	sld [smem:$0x3FFE];
	[sflag:s4] =	ssyncadd.remote.s32 @!p0 $0x1  }
0xb4: {  	s26 =	simm.s32 $execute0_lowered;
	[smem:$0x3FD2] =	sst s25  }
0xb5: {  	s5 =	sshll.u32 s26, $0x1;
	_ =	strace $0x80000049;
	[dreg:$0x1] =	wrdreg $0xFFFFFFFF  }
0xb6: {  	s28 =	simm.s32 $_size_execute0_lowered;
	s3 =	sadd.s32 s3, s5;
	[dreg:$0x0] =	wrdreg $0x0  }
0xb7: {  	s5 =	sshll.u32 s28, $0x1;
	[dreg:$0x2] =	wrdreg s3  }
0xb8: {  	[dreg:$0x3] =	wrdreg s5  }
0xb9: {  	[dreg:$0x4] =	wrdreg $0xC0  }
0xba: {  	_ =	task [dreg:s22], $0x5FFFF  }
0xbb: {  	[dreg:$0x1] =	wrdreg $0xFFFFFFFF  }
0xbc: {  	[dreg:$0x0] =	wrdreg $0x60  }
0xbd: {  	[dreg:$0x2] =	wrdreg s24  }
0xbe: {  	[dreg:$0x3] =	wrdreg $0x9  }
0xbf: {  	_ =	task.clear_ibuf [dreg:s22], $0x4FFFF;
	_ =	strace $0x90000049  }
0xc0: {  	s29 =	simm.s32 $0x9;
	_ =	strace $0x8000004B  }
0xc1: {  	_ =	swait.ge [sflag:s29], $0x1  }
0xc2: {  	[sflag:s29] =	ssyncadd.s32 $0xFFFFFFFF  }
0xc3: {  	_ =	strace $0x9000004B  }
0xc4: {  	_ =	sfence  }
0xc5: {  	s30 =	sld [smem:$0x0];
	_ =	sdelay $0x2  }
0xc6: {  	s31 =	sshll.u32 s1, $0xD;
	s1 =	sshrl.u32 s1, $0x2  }
0xc7: {  	s4 =	sand.u32 $0x4000, s31;
	s1 =	sadd.s32 s1, s30  }
0xc8: {  	s0 =	sor.u32 s4, s0;
	s1 =	sshll.u32 s1, $0x11  }
0xc9: {  	s0 =	sor.u32 s1, s0  }
0xca: {  	s0 =	sadd.s32 $0x8F2B, s0  }
0xcb: {  	[sflag:s0] =	ssyncadd.remote.s32 $0x1  }
0xcc: {  	_ =	sfence.sel $0xFFFF  }
0xcd: {  	[dreg:$0x0] =	wrdreg $0xFFFFFFFF;
	(pc) =	sbr.abs _section_cstart, $3  }
0xce: {  	[dreg:$0x1] =	wrdreg $0xFFFFFFFF  }
0xcf: {  	_ =	task.clear_ibuf [dreg:s22], $0x2FFFF;
	_ =	strace $0x9FFFFFFF  }
0xd0: {  	(tm) =	ssettm $0x7FFFFFFF  }
0xd1: {  	_ =	shalt  }
tec
execute0_lowered:
.L_overlay_start_1:
0x0: {  	(tag) =	ssettag $0x1  }
0x1: {  	s1 =	srdreg.scid;
	s0 =	stileid.u32  }
0x2: {  	s25 =	sand.u32 $0x1, s1;
	s30 =	sshll.u32 s0, $0x1  }
0x3: {  	s18 =	rddreg [dreg:$0x0];
	s19 =	sor.u32 s25, s30  }
0x4: {  	s2 =	simm.s32 $0x0;
	s1 =	rddreg [dreg:$0x1];
	s3 =	sshll.u32 s19, $0x8  }
0x5: {  	[smem:$0x7FF] =	sst s2;
	s3 =	sadd.s32 s3, s18  }
0x6: {  	_ =	strace $0x8000004A;
	s4 =	sadd.s32 $0x100E000, s3;
	s3 =	simm.s32 $0x2  }
0x7: {  	[tilespmem:s2], [sflag:$0x2] =	stream.linear.gather [hbm4b:s4+s2], $0x600, $0x38;
	[tilespmem:$0x18800] =	vst v63  }
0x8: {  	_ =	swait.ge [sflag:s3], $0x600  }
0x9: {  	s6 =	simm.s32 $0x80;
	[sflag:s3] =	ssyncset.done $0x0  }
0xa: {  	s7 =	simm.s32 $0x800;
	s5 =	sadd.s32 $0xBC00, s18;
	[sflag:s3] =	ssyncadd.s32 $0xFFFFFA00  }
0xb: {  	[tilespmem:s7], [sflag:$0x1] =	stream.indirect.gather [hbm4b:s5+s6], $0x80, s2, s6, $0xb8;
	[tilespmem:$0x18800] =	vst v63  }
0xc: {  	s8 =	simm.s32 $0x4800  }
0xd: {  	[tilespmem:s8], [sflag:$0x1] =	stream.indirect.gather [hbm4b:s5+s6], $0x80, s6, s6, $0xb8;
	[tilespmem:$0x18800] =	vst v63  }
0xe: {  	s9 =	simm.s32 $0x100;
	s10 =	simm.s32 $0x8800  }
0xf: {  	[tilespmem:s10], [sflag:$0x1] =	stream.indirect.gather [hbm4b:s5+s6], $0x80, s9, s6, $0xb8;
	[tilespmem:$0x18800] =	vst v63  }
0x10: {  	s11 =	simm.s32 $0x180;
	s12 =	simm.s32 $0xC800  }
0x11: {  	[tilespmem:s12], [sflag:$0x1] =	stream.indirect.gather [hbm4b:s5+s6], $0x80, s11, s6, $0xb8;
	[tilespmem:$0x18800] =	vst v63  }
0x12: {  	s13 =	simm.s32 $0x200;
	s14 =	simm.s32 $0x10800  }
0x13: {  	[tilespmem:s14], [sflag:$0x1] =	stream.indirect.gather [hbm4b:s5+s6], $0x80, s13, s6, $0xb8;
	[tilespmem:$0x18800] =	vst v63  }
0x14: {  	s15 =	simm.s32 $0x280;
	s16 =	simm.s32 $0x14800;
	s17 =	simm.s32 $0x1  }
0x15: {  	[tilespmem:s16], [sflag:$0x1] =	stream.indirect.gather [hbm4b:s5+s6], $0x80, s15, s6, $0xb8;
	[tilespmem:$0x18800] =	vst v63  }
0x16: {  	_ =	swait.ge [sflag:s17], $0x4000  }
0x17: {  	[sflag:s17] =	ssyncset.done $0x0  }
0x18: {  	[sflag:s17] =	ssyncadd.s32 $0xFFFFC000  }
0x19: {  	_ =	swait.ge [sflag:s17], $0x4000  }
0x1a: {  	[sflag:s17] =	ssyncset.done $0x0  }
0x1b: {  	[sflag:s17] =	ssyncadd.s32 $0xFFFFC000  }
0x1c: {  	_ =	swait.ge [sflag:s17], $0x4000  }
0x1d: {  	[sflag:s17] =	ssyncset.done $0x0  }
0x1e: {  	[sflag:s17] =	ssyncadd.s32 $0xFFFFC000  }
0x1f: {  	_ =	swait.ge [sflag:s17], $0x4000  }
0x20: {  	[sflag:s17] =	ssyncset.done $0x0  }
0x21: {  	[sflag:s17] =	ssyncadd.s32 $0xFFFFC000  }
0x22: {  	_ =	swait.ge [sflag:s17], $0x4000  }
0x23: {  	s19 =	smul.u32 $0x30000, s19;
	[sflag:s17] =	ssyncset.done $0x0  }
0x24: {  	[sflag:s17] =	ssyncadd.s32 $0xFFFFC000  }
0x25: {  	s19 =	sshrl.u32 s19, $0x3;
	_ =	swait.ge [sflag:s17], $0x4000  }
0x26: {  	s26 =	sadd.s32 s19, s18;
	[sflag:s17] =	ssyncset.done $0x0  }
0x27: {  	s18 =	sadd.s32 $0x1010000, s26;
	[sflag:s17] =	ssyncadd.s32 $0xFFFFC000  }
0x28: {  	[hbm4b:s18+s2] =	stream.linear.scatter [tilespmem:s7], [sflag:$0x2], $0x18000, $0x38;
	[tilespmem:$0x18800] =	vst v63  }
0x29: {  	_ =	swait.ge [sflag:s3], $0x18000  }
0x2a: {  	[sflag:s3] =	ssyncset.done $0x0  }
0x2b: {  	s19 =	simm.s32 $0x300;
	[sflag:s3] =	ssyncadd.s32 $0xFFFE8000  }
0x2c: {  	[tilespmem:s7], [sflag:$0x1] =	stream.indirect.gather [hbm4b:s5+s6], $0x80, s19, s6, $0xb8;
	[tilespmem:$0x18800] =	vst v63  }
0x2d: {  	s20 =	simm.s32 $0x380  }
0x2e: {  	[tilespmem:s8], [sflag:$0x1] =	stream.indirect.gather [hbm4b:s5+s6], $0x80, s20, s6, $0xb8;
	[tilespmem:$0x18800] =	vst v63  }
0x2f: {  	s21 =	simm.s32 $0x400  }
0x30: {  	[tilespmem:s10], [sflag:$0x1] =	stream.indirect.gather [hbm4b:s5+s6], $0x80, s21, s6, $0xb8;
	[tilespmem:$0x18800] =	vst v63  }
0x31: {  	s22 =	simm.s32 $0x480  }
0x32: {  	[tilespmem:s12], [sflag:$0x1] =	stream.indirect.gather [hbm4b:s5+s6], $0x80, s22, s6, $0xb8;
	[tilespmem:$0x18800] =	vst v63  }
0x33: {  	s23 =	simm.s32 $0x500  }
0x34: {  	[tilespmem:s14], [sflag:$0x1] =	stream.indirect.gather [hbm4b:s5+s6], $0x80, s23, s6, $0xb8;
	[tilespmem:$0x18800] =	vst v63  }
0x35: {  	s24 =	simm.s32 $0x580  }
0x36: {  	[tilespmem:s16], [sflag:$0x1] =	stream.indirect.gather [hbm4b:s5+s6], $0x80, s24, s6, $0xb8;
	[tilespmem:$0x18800] =	vst v63  }
0x37: {  	_ =	swait.ge [sflag:s17], $0x4000  }
0x38: {  	[sflag:s17] =	ssyncset.done $0x0  }
0x39: {  	[sflag:s17] =	ssyncadd.s32 $0xFFFFC000  }
0x3a: {  	_ =	swait.ge [sflag:s17], $0x4000  }
0x3b: {  	[sflag:s17] =	ssyncset.done $0x0  }
0x3c: {  	[sflag:s17] =	ssyncadd.s32 $0xFFFFC000  }
0x3d: {  	_ =	swait.ge [sflag:s17], $0x4000  }
0x3e: {  	[sflag:s17] =	ssyncset.done $0x0  }
0x3f: {  	[sflag:s17] =	ssyncadd.s32 $0xFFFFC000  }
0x40: {  	_ =	swait.ge [sflag:s17], $0x4000  }
0x41: {  	[sflag:s17] =	ssyncset.done $0x0  }
0x42: {  	s25 =	ssub.s32 $0x2, s25;
	[sflag:s17] =	ssyncadd.s32 $0xFFFFC000  }
0x43: {  	s28 =	sshrl.u32 s25, $0x1;
	_ =	swait.ge [sflag:s17], $0x4000  }
0x44: {  	s28 =	ssub.s32 s25, s28;
	[sflag:s17] =	ssyncset.done $0x0  }
0x45: {  	s31 =	smax.u32 s28, $0x1;
	[sflag:s17] =	ssyncadd.s32 $0xFFFFC000  }
0x46: {  	p0 =	sne.s32 s31, $0x1;
	_ =	swait.ge [sflag:s17], $0x4000  }
.Ltmp0:
0x47: {  	[sflag:s17] =	ssyncset.done $0x0;
	(pc) =	sbr.rel @!p0 .LBB2_2-.Ltmp0, $4  }
0x48: {  	s25 =	sadd.s32 $0x1013000, s26;
	[sflag:s17] =	ssyncadd.s32 $0xFFFFC000  }
0x49: {  	[hbm4b:s25+s2] =	stream.linear.scatter [tilespmem:s7], [sflag:$0x2], $0x18000, $0x38;
	[tilespmem:$0x18800] =	vst v63  }
0x4a: {  	_ =	swait.ge [sflag:s3], $0x18000  }
0x4b: {  	s26 =	sadd.s32 $0xFFFFFFFF, s31;
	[sflag:s3] =	ssyncset.done $0x0  }
.LBB2_1:
0x4c: {  	p0 =	sne.s32 s26, $0x1;
	s26 =	sadd.s32 $0xFFFFFFFF, s26;
	[sflag:s3] =	ssyncadd.s32 $0xFFFE8000  }
0x4d: {  	[tilespmem:s2], [sflag:$0x2] =	stream.linear.gather [hbm4b:s4+s2], $0x600, $0x38;
	[tilespmem:$0x18800] =	vst v63  }
0x4e: {  	_ =	swait.ge [sflag:s3], $0x600  }
0x4f: {  	[sflag:s3] =	ssyncset.done $0x0  }
0x50: {  	[sflag:s3] =	ssyncadd.s32 $0xFFFFFA00  }
0x51: {  	[tilespmem:s7], [sflag:$0x1] =	stream.indirect.gather [hbm4b:s5+s6], $0x80, s2, s6, $0xb8;
	[tilespmem:$0x18800] =	vst v63  }
0x52: {  	_ = 	snop  }
0x53: {  	[tilespmem:s8], [sflag:$0x1] =	stream.indirect.gather [hbm4b:s5+s6], $0x80, s6, s6, $0xb8;
	[tilespmem:$0x18800] =	vst v63  }
0x54: {  	_ = 	snop  }
0x55: {  	[tilespmem:s10], [sflag:$0x1] =	stream.indirect.gather [hbm4b:s5+s6], $0x80, s9, s6, $0xb8;
	[tilespmem:$0x18800] =	vst v63  }
0x56: {  	_ = 	snop  }
0x57: {  	[tilespmem:s12], [sflag:$0x1] =	stream.indirect.gather [hbm4b:s5+s6], $0x80, s11, s6, $0xb8;
	[tilespmem:$0x18800] =	vst v63  }
0x58: {  	_ = 	snop  }
0x59: {  	[tilespmem:s14], [sflag:$0x1] =	stream.indirect.gather [hbm4b:s5+s6], $0x80, s13, s6, $0xb8;
	[tilespmem:$0x18800] =	vst v63  }
0x5a: {  	_ = 	snop  }
0x5b: {  	[tilespmem:s16], [sflag:$0x1] =	stream.indirect.gather [hbm4b:s5+s6], $0x80, s15, s6, $0xb8;
	[tilespmem:$0x18800] =	vst v63  }
0x5c: {  	_ =	swait.ge [sflag:s17], $0x4000  }
0x5d: {  	[sflag:s17] =	ssyncset.done $0x0  }
0x5e: {  	[sflag:s17] =	ssyncadd.s32 $0xFFFFC000  }
0x5f: {  	_ =	swait.ge [sflag:s17], $0x4000  }
0x60: {  	[sflag:s17] =	ssyncset.done $0x0  }
0x61: {  	[sflag:s17] =	ssyncadd.s32 $0xFFFFC000  }
0x62: {  	_ =	swait.ge [sflag:s17], $0x4000  }
0x63: {  	[sflag:s17] =	ssyncset.done $0x0  }
0x64: {  	[sflag:s17] =	ssyncadd.s32 $0xFFFFC000  }
0x65: {  	_ =	swait.ge [sflag:s17], $0x4000  }
0x66: {  	[sflag:s17] =	ssyncset.done $0x0  }
0x67: {  	[sflag:s17] =	ssyncadd.s32 $0xFFFFC000  }
0x68: {  	_ =	swait.ge [sflag:s17], $0x4000  }
0x69: {  	[sflag:s17] =	ssyncset.done $0x0  }
0x6a: {  	[sflag:s17] =	ssyncadd.s32 $0xFFFFC000  }
0x6b: {  	_ =	swait.ge [sflag:s17], $0x4000  }
0x6c: {  	[sflag:s17] =	ssyncset.done $0x0  }
0x6d: {  	[sflag:s17] =	ssyncadd.s32 $0xFFFFC000  }
0x6e: {  	[hbm4b:s18+s2] =	stream.linear.scatter [tilespmem:s7], [sflag:$0x2], $0x18000, $0x38;
	[tilespmem:$0x18800] =	vst v63  }
0x6f: {  	_ =	swait.ge [sflag:s3], $0x18000  }
0x70: {  	[sflag:s3] =	ssyncset.done $0x0  }
0x71: {  	[sflag:s3] =	ssyncadd.s32 $0xFFFE8000  }
0x72: {  	[tilespmem:s7], [sflag:$0x1] =	stream.indirect.gather [hbm4b:s5+s6], $0x80, s19, s6, $0xb8;
	[tilespmem:$0x18800] =	vst v63  }
0x73: {  	_ = 	snop  }
0x74: {  	[tilespmem:s8], [sflag:$0x1] =	stream.indirect.gather [hbm4b:s5+s6], $0x80, s20, s6, $0xb8;
	[tilespmem:$0x18800] =	vst v63  }
0x75: {  	_ = 	snop  }
0x76: {  	[tilespmem:s10], [sflag:$0x1] =	stream.indirect.gather [hbm4b:s5+s6], $0x80, s21, s6, $0xb8;
	[tilespmem:$0x18800] =	vst v63  }
0x77: {  	_ = 	snop  }
0x78: {  	[tilespmem:s12], [sflag:$0x1] =	stream.indirect.gather [hbm4b:s5+s6], $0x80, s22, s6, $0xb8;
	[tilespmem:$0x18800] =	vst v63  }
0x79: {  	_ = 	snop  }
0x7a: {  	[tilespmem:s14], [sflag:$0x1] =	stream.indirect.gather [hbm4b:s5+s6], $0x80, s23, s6, $0xb8;
	[tilespmem:$0x18800] =	vst v63  }
0x7b: {  	_ = 	snop  }
0x7c: {  	[tilespmem:s16], [sflag:$0x1] =	stream.indirect.gather [hbm4b:s5+s6], $0x80, s24, s6, $0xb8;
	[tilespmem:$0x18800] =	vst v63  }
0x7d: {  	_ =	swait.ge [sflag:s17], $0x4000  }
0x7e: {  	[sflag:s17] =	ssyncset.done $0x0  }
0x7f: {  	[sflag:s17] =	ssyncadd.s32 $0xFFFFC000  }
0x80: {  	_ =	swait.ge [sflag:s17], $0x4000  }
0x81: {  	[sflag:s17] =	ssyncset.done $0x0  }
0x82: {  	[sflag:s17] =	ssyncadd.s32 $0xFFFFC000  }
0x83: {  	_ =	swait.ge [sflag:s17], $0x4000  }
0x84: {  	[sflag:s17] =	ssyncset.done $0x0  }
0x85: {  	[sflag:s17] =	ssyncadd.s32 $0xFFFFC000  }
0x86: {  	_ =	swait.ge [sflag:s17], $0x4000  }
0x87: {  	[sflag:s17] =	ssyncset.done $0x0  }
0x88: {  	[sflag:s17] =	ssyncadd.s32 $0xFFFFC000  }
0x89: {  	_ =	swait.ge [sflag:s17], $0x4000  }
0x8a: {  	[sflag:s17] =	ssyncset.done $0x0  }
0x8b: {  	[sflag:s17] =	ssyncadd.s32 $0xFFFFC000  }
0x8c: {  	_ =	swait.ge [sflag:s17], $0x4000  }
.Ltmp1:
0x8d: {  	[sflag:s17] =	ssyncset.done $0x0;
	(pc) =	sbr.rel @p0 .LBB2_1-.Ltmp1, $4  }
0x8e: {  	[sflag:s17] =	ssyncadd.s32 $0xFFFFC000  }
0x8f: {  	[hbm4b:s25+s2] =	stream.linear.scatter [tilespmem:s7], [sflag:$0x2], $0x18000, $0x38;
	[tilespmem:$0x18800] =	vst v63  }
0x90: {  	_ =	swait.ge [sflag:s3], $0x18000  }
0x91: {  	[sflag:s3] =	ssyncset.done $0x0  }
.LBB2_2:
0x92: {  	[sflag:s3] =	ssyncadd.s32 $0xFFFE8000  }
0x93: {  	_ =	sfence.sel $0x180000  }
0x94: {  	[bflag:$0x0] =	sbarrier.arrive $0xFFFF  }
0x95: {  	p0 =	sne.s32 s0, $0x0;
	_ =	strace $0x9000004A  }
0x96: {  	s0 =	sadd.s32 @!p0 $0x100000, s1;
	[bflag:$0x2] =	sbarrier.arrive $0xFFFF  }
0x97: {  	[sflag:s0] =	ssyncadd.tile.s32 @!p0 $0x1;
	_ =	shalt  }
.Lfunc_end2:
_tile_overlayer_lowered:
.L_overlay_start_2:
0x98: {  	(tag) =	ssettag $0x2  }
0x99: {  	s0 =	rddreg [dreg:$0x0];
	s2 =	stileid.u32  }
0x9a: {  	s1 =	rddreg [dreg:$0x1];
	p0 =	sne.s32 s2, $0x0  }
0x9b: {  	s3 =	rddreg [dreg:$0x2];
	[bflag:$0x3] =	sbarrier.arrive $0xFFFF;
	s2 =	simm.s32 @!p0 $0x1C02  }
0x9c: {  	[timem:s3], [sflag:s2] =	dma.local @!p0 [hbm:s0], s1  }
0x9d: {  	s0 =	simm.s32 @!p0 $0x2  }
0x9e: {  	_ =	swait.ge @!p0 [sflag:s0], s1  }
0x9f: {  	s1 =	ssub.s32 @!p0 $0x0, s1;
	[sflag:s0] =	ssyncset.done @!p0 $0x0  }
0xa0: {  	[sflag:s0] =	ssyncadd.s32 @!p0 s1  }
0xa1: {  	[bflag:$0x3] =	sbarrier.arrive $0xFFFF  }
0xa2: {  	_ =	shalt  }

// kernel: kernel.14.cloned.1.call-start
scs
__scs_entry_jumppad:
0x0: {  	(pc) =	sbr.rel $0x88, $3  }
0x1: {  	(tag) =	ssettag $0x0;
	lr =	simm.s32 $0x1  }
0x2: {  	[smem:$0x3F98] =	sst lr;
	_ =	strace $0xD0000000  }
0x3: {  	_ = 	snop  }
0x4: {  	_ = 	snop  }
0x5: {  	_ = 	snop  }
0x6: {  	_ = 	snop  }
0x7: {  	_ = 	snop  }
__scs_overlays_trampoline_lowered:
0x8: {  	[smem:$0x3FA7] =	sst s0  }
0x9: {  	[smem:$0x3FA8] =	sst s1  }
0xa: {  	[smem:$0x3FA9] =	sst s2  }
0xb: {  	[smem:$0x3FAA] =	sst s3  }
0xc: {  	[smem:$0x3FAB] =	sst s4  }
0xd: {  	[smem:$0x3FAC] =	sst s5  }
0xe: {  	[smem:$0x3FAD] =	sst s6  }
0xf: {  	[smem:$0x3FAE] =	sst s7  }
0x10: {  	[smem:$0x3FAF] =	sst s8  }
0x11: {  	[smem:$0x3FB0] =	sst s9;
	s0 =	simm.s32 @!p0 $0x0  }
0x12: {  	s1 =	sld [smem:$0x3F96];
	s0 =	simm.s32 @p0 $0x1  }
0x13: {  	[smem:$0x3FB1] =	sst s0;
	s0 =	simm.s32 @!p1 $0x0  }
0x14: {  	s2 =	sld [smem:$0x3F95];
	s0 =	simm.s32 @p1 $0x1  }
0x15: {  	[smem:$0x3FB2] =	sst s0;
	s0 =	simm.s32 @!p2 $0x0  }
0x16: {  	s3 =	sld [smem:$0x3FDB];
	s0 =	simm.s32 @p2 $0x1  }
0x17: {  	s4 =	simm.s32 $0x1BF5;
	[smem:$0x3FB4] =	sst s0  }
0x18: {  	s0 =	sld [smem:$0x3F97];
	_ =	swait.ge [sflag:s4], $0x0  }
0x19: {  	s7 =	sld [smem:$0x3F98]  }
0x1a: {  	s8 =	sadd.s32 $0xFFFFE003, lr  }
0x1b: {  	s9 =	sadd.s32 $0xFFFFFEF7, lr;
	s5 =	simm.s32 $0xFFFFFFFF;
	p2 =	slt.u32 s8, $0xFFFFF086  }
0x1c: {  	p1 =	slt.u32 s9, $0xF7A;
	s5 =	simm.s32 @!p2 $0x0  }
0x1d: {  	s5 =	simm.s32 @p1 $0x1;
	p0 =	seq.s32 s7, s2  }
0x1e: {  	s7 =	smul.u32 @!p0 $0xF7A, s2;
	p2 =	seq.s32 @!p0 s5, $0x0  }
0x1f: {  	s9 =	smul.u32 $0xF7A, s1;
	s8 =	simm.s32 @!p0 $0x1BF5;
	p2 =	por !p2, p0  }
0x20: {  	[sflag:s8] =	ssyncset.s32 @!p0 $0xFFFFF086;
	s6 =	sadd.s32 @!p0 s3, s7;
	s7 =	simm.s32 @!p0 $0x108  }
0x21: {  	s3 =	sadd.s32 s3, s9;
	s6 =	sadd.s32 @!p0 $0x88, s6;
	s7 =	simm.s32 @p2 $0x1082  }
0x22: {  	[simem:s7], [sflag:s8] =	dma.local @!p0 [hbm:s6], $0xF7A  }
0x23: {  	s9 =	sor.u32 $0xD0000000, s2;
	s6 =	simm.s32 $0x108;
	_ =	swait.ge @!p0 [sflag:s8], $0x0  }
0x24: {  	s3 =	sadd.s32 $0x88, s3;
	s6 =	simm.s32 @!p1 $0x1082;
	[sflag:s4] =	ssyncset.s32 $0xFFFFF086  }
0x25: {  	[simem:s6], [sflag:s4] =	dma.local [hbm:s3], $0xF7A  }
0x26: {  	[smem:$0x3F98] =	sst s1;
	(tag) =	ssettag s2;
	_ =	strace s9  }
0x27: {  	s1 =	sld [smem:$0x3FA8]  }
0x28: {  	s2 =	sld [smem:$0x3FA9]  }
0x29: {  	s4 =	sld [smem:$0x3FAB]  }
0x2a: {  	p0 =	seq.s32 s5, $0x0;
	s5 =	sld [smem:$0x3FAC]  }
0x2b: {  	s6 =	sld [smem:$0x3FAD]  }
0x2c: {  	s7 =	sld [smem:$0x3FAE]  }
0x2d: {  	s3 =	simm.s32 $0x108;
	s8 =	sld [smem:$0x3FAF]  }
0x2e: {  	s3 =	simm.s32 @!p0 $0x1082;
	s9 =	sld [smem:$0x3FB0]  }
0x2f: {  	lr =	sadd.s32 s0, s3;
	s0 =	sld [smem:$0x3FA7]  }
0x30: {  	s3 =	sld [smem:$0x3FAA]  }
0x31: {  	[smem:$0x3FB3] =	sst s10  }
0x32: {  	s10 =	sld [smem:$0x3FB1];
	_ =	sdelay $0x3  }
0x33: {  	p0 =	seq.s32 s10, $0x1;
	s10 =	sld [smem:$0x3FB3];
	_ =	sdelay $0x3  }
0x34: {  	[smem:$0x3FB3] =	sst s10  }
0x35: {  	s10 =	sld [smem:$0x3FB2];
	_ =	sdelay $0x3  }
0x36: {  	p1 =	seq.s32 s10, $0x1;
	s10 =	sld [smem:$0x3FB3];
	_ =	sdelay $0x3  }
0x37: {  	[smem:$0x3FB3] =	sst s10  }
0x38: {  	s10 =	sld [smem:$0x3FB4]  }
0x39: {  	_ = 	snop;
	(pc) =	sbr.ind lr, $3  }
0x3a: {  	_ = 	snop  }
0x3b: {  	_ = 	snop  }
0x3c: {  	p2 =	seq.s32 s10, $0x1;
	s10 =	sld [smem:$0x3FB3]  }
0x3d: {  	_ =	shalt  }
0x3e: {  	_ =	shalt  }
0x3f: {  	_ =	shalt  }
0x40: {  	_ =	shalt  }
0x41: {  	_ =	shalt  }
0x42: {  	_ =	shalt  }
0x43: {  	_ =	shalt  }
0x44: {  	_ =	shalt  }
0x45: {  	_ =	shalt  }
0x46: {  	_ =	shalt  }
0x47: {  	_ =	shalt  }
0x48: {  	_ =	shalt  }
0x49: {  	_ =	shalt  }
0x4a: {  	_ =	shalt  }
0x4b: {  	_ =	shalt  }
0x4c: {  	_ =	shalt  }
0x4d: {  	_ =	shalt  }
0x4e: {  	_ =	shalt  }
0x4f: {  	_ =	shalt  }
0x50: {  	_ =	shalt  }
0x51: {  	_ =	shalt  }
0x52: {  	_ =	shalt  }
0x53: {  	_ =	shalt  }
0x54: {  	_ =	shalt  }
0x55: {  	_ =	shalt  }
0x56: {  	_ =	shalt  }
0x57: {  	_ =	shalt  }
0x58: {  	_ =	shalt  }
0x59: {  	_ =	shalt  }
0x5a: {  	_ =	shalt  }
0x5b: {  	_ =	shalt  }
0x5c: {  	_ =	shalt  }
0x5d: {  	_ =	shalt  }
0x5e: {  	_ =	shalt  }
0x5f: {  	_ =	shalt  }
0x60: {  	_ =	shalt  }
0x61: {  	_ =	shalt  }
0x62: {  	_ =	shalt  }
0x63: {  	_ =	shalt  }
0x64: {  	_ =	shalt  }
0x65: {  	_ =	shalt  }
0x66: {  	_ =	shalt  }
0x67: {  	_ =	shalt  }
0x68: {  	_ =	shalt  }
0x69: {  	_ =	shalt  }
0x6a: {  	_ =	shalt  }
0x6b: {  	_ =	shalt  }
0x6c: {  	_ =	shalt  }
0x6d: {  	_ =	shalt  }
0x6e: {  	_ =	shalt  }
0x6f: {  	_ =	shalt  }
0x70: {  	_ =	shalt  }
0x71: {  	_ =	shalt  }
0x72: {  	_ =	shalt  }
0x73: {  	_ =	shalt  }
0x74: {  	_ =	shalt  }
0x75: {  	_ =	shalt  }
0x76: {  	_ =	shalt  }
0x77: {  	_ =	shalt  }
0x78: {  	_ =	shalt  }
0x79: {  	_ =	shalt  }
0x7a: {  	_ =	shalt  }
0x7b: {  	_ =	shalt  }
0x7c: {  	_ =	shalt  }
0x7d: {  	_ =	shalt  }
0x7e: {  	_ =	shalt  }
0x7f: {  	_ =	shalt  }
0x80: {  	_ =	shalt  }
0x81: {  	_ =	shalt  }
0x82: {  	_ =	shalt  }
0x83: {  	_ =	shalt  }
0x84: {  	_ =	shalt  }
0x85: {  	_ =	shalt  }
0x86: {  	_ =	shalt  }
0x87: {  	_ =	shalt  }
.Lfunc_end0:
.L_simem_size_0:
called_computation.1_lowered:
.L_overlay_start_0:
0x88: {  	s2 =	sld [smem:$0x3FD9]  }
0x89: {  	s3 =	sld [smem:$0x3FFE];
	_ =	sdelay $0x1  }
0x8a: {  	s1 =	srdreg.scid  }
0x8b: {  	s0 =	sand.u32 $0x1, s1  }
0x8c: {  	s16 =	sshll.u32 s0, $0xA;
	s2 =	sadd.s32 s3, s2  }
0x8d: {  	s2 =	sadd.s32 s2, s16  }
0x8e: {  	[smem:$0x3FBF] =	sst s2  }
0x8f: {  	_ = 	snop  }
0x90: {  	(tm) =	ssettm $0x1  }
0x91: {  	s17 =	sld [smem:$0x3FFB];
	_ =	sdelay $0x3  }
0x92: {  	_ =	strace s17  }
0x93: {  	s2 =	sld [smem:$0x3FFC];
	_ =	sdelay $0x3  }
0x94: {  	_ =	strace s2  }
0x95: {  	s2 =	sld [smem:$0x3FFD];
	_ =	sdelay $0x3  }
0x96: {  	_ =	strace s2  }
0x97: {  	_ =	strace $0x8FFFFFFF  }
0x98: {  	s18 =	sld [smem:$0x3FDB];
	_ =	sdelay $0x1  }
0x99: {  	s19 =	simm.s32 $_scs_section_size  }
0x9a: {  	s4 =	simm.s32 $_size__tile_overlayer_lowered;
	s5 =	simm.s32 $_tile_overlayer_lowered  }
0x9b: {  	s22 =	simm.s32 $0x1BFF;
	s21 =	sshll.u32 s5, $0x1;
	s2 =	sadd.s32 s19, s18  }
0x9c: {  	s6 =	simm.s32 $0x0;
	s20 =	sshll.u32 s4, $0x1;
	s4 =	sadd.s32 s21, s2  }
0x9d: {  	[timem:s6], [sflag:s22] =	dma.local [hbm:s4], s20  }
0x9e: {  	_ =	swait.ge [sflag:s22], s20  }
0x9f: {  	s3 =	ssub.s32 $0x0, s20;
	[sflag:s22] =	ssyncset.done $0x0  }
0xa0: {  	[sflag:s22] =	ssyncadd.s32 s3;
	_ =	sdelay $0x1  }
0xa1: {  	s23 =	simm.s32 $0x1B8B  }
0xa2: {  	_ =	swait.ge [sflag:s23], $0x1  }
0xa3: {  	[sflag:s23] =	ssyncset.done $0x0  }
0xa4: {  	s25 =	simm.s32 $0x1B8E;
	s24 =	sld [smem:$0x3FFE];
	[sflag:s23] =	ssyncadd.s32 $0xFFFFFFFF  }
0xa5: {  	s26 =	simm.s32 $execute0_lowered;
	[smem:$0x3FD2] =	sst s25  }
0xa6: {  	s4 =	sshll.u32 s26, $0x1;
	_ =	strace $0x80000046;
	[dreg:$0x1] =	wrdreg $0xFFFFFFFF  }
0xa7: {  	s28 =	simm.s32 $_size_execute0_lowered;
	s2 =	sadd.s32 s2, s4;
	[dreg:$0x0] =	wrdreg $0x0  }
0xa8: {  	s4 =	sshll.u32 s28, $0x1;
	[dreg:$0x2] =	wrdreg s2  }
0xa9: {  	[dreg:$0x3] =	wrdreg s4  }
0xaa: {  	[dreg:$0x4] =	wrdreg $0xC0  }
0xab: {  	_ =	task [dreg:s6], $0x5FFFF  }
0xac: {  	[dreg:$0x1] =	wrdreg $0xFFFFFFFF  }
0xad: {  	[dreg:$0x0] =	wrdreg $0x60  }
0xae: {  	[dreg:$0x2] =	wrdreg s24  }
0xaf: {  	[dreg:$0x3] =	wrdreg $0xA  }
0xb0: {  	_ =	task.clear_ibuf [dreg:s6], $0x4FFFF;
	_ =	strace $0x90000046  }
0xb1: {  	s29 =	simm.s32 $0xA;
	_ =	strace $0x80000048  }
0xb2: {  	_ =	swait.ge [sflag:s29], $0x1  }
0xb3: {  	[sflag:s29] =	ssyncadd.s32 $0xFFFFFFFF  }
0xb4: {  	_ =	strace $0x90000048  }
0xb5: {  	_ =	sfence  }
0xb6: {  	s30 =	sld [smem:$0x0];
	_ =	sdelay $0x2  }
0xb7: {  	s31 =	sshll.u32 s1, $0xD;
	s1 =	sshrl.u32 s1, $0x2  }
0xb8: {  	s3 =	sand.u32 $0x4000, s31;
	s1 =	sadd.s32 s1, s30  }
0xb9: {  	s0 =	sor.u32 s3, s0;
	s1 =	sshll.u32 s1, $0x11  }
0xba: {  	s0 =	sor.u32 s1, s0  }
0xbb: {  	s0 =	sadd.s32 $0x8F2B, s0  }
0xbc: {  	[sflag:s0] =	ssyncadd.remote.s32 $0x1  }
0xbd: {  	_ =	sfence.sel $0xFFFF  }
0xbe: {  	[dreg:$0x0] =	wrdreg $0xFFFFFFFF;
	(pc) =	sbr.abs _section_cstart, $3  }
0xbf: {  	[dreg:$0x1] =	wrdreg $0xFFFFFFFF  }
0xc0: {  	_ =	task.clear_ibuf [dreg:s6], $0x2FFFF;
	_ =	strace $0x9FFFFFFF  }
0xc1: {  	(tm) =	ssettm $0x7FFFFFFF  }
tec
execute0_lowered:
.L_overlay_start_1:
0x0: {  	(tag) =	ssettag $0x1  }
0x1: {  	s1 =	srdreg.scid;
	s0 =	stileid.u32  }
0x2: {  	s25 =	sand.u32 $0x1, s1;
	s30 =	sshll.u32 s0, $0x1  }
0x3: {  	s18 =	rddreg [dreg:$0x0];
	s19 =	sor.u32 s25, s30  }
0x4: {  	s2 =	simm.s32 $0x0;
	s1 =	rddreg [dreg:$0x1];
	s3 =	sshll.u32 s19, $0x8  }
0x5: {  	[smem:$0x7FF] =	sst s2;
	s3 =	sadd.s32 s3, s18  }
0x6: {  	_ =	strace $0x80000047;
	s4 =	sadd.s32 $0x9C00, s3;
	s3 =	simm.s32 $0x2  }
0x7: {  	[tilespmem:s2], [sflag:$0x2] =	stream.linear.gather [hbm4b:s4+s2], $0x600, $0x38;
	[tilespmem:$0x18800] =	vst v63  }
0x8: {  	_ =	swait.ge [sflag:s3], $0x600  }
0x9: {  	s6 =	simm.s32 $0x80;
	[sflag:s3] =	ssyncset.done $0x0  }
0xa: {  	s7 =	simm.s32 $0x800;
	s5 =	sadd.s32 $0xBC00, s18;
	[sflag:s3] =	ssyncadd.s32 $0xFFFFFA00  }
0xb: {  	[tilespmem:s7], [sflag:$0x1] =	stream.indirect.gather [hbm4b:s5+s6], $0x80, s2, s6, $0xb8;
	[tilespmem:$0x18800] =	vst v63  }
0xc: {  	s8 =	simm.s32 $0x4800  }
0xd: {  	[tilespmem:s8], [sflag:$0x1] =	stream.indirect.gather [hbm4b:s5+s6], $0x80, s6, s6, $0xb8;
	[tilespmem:$0x18800] =	vst v63  }
0xe: {  	s9 =	simm.s32 $0x100;
	s10 =	simm.s32 $0x8800  }
0xf: {  	[tilespmem:s10], [sflag:$0x1] =	stream.indirect.gather [hbm4b:s5+s6], $0x80, s9, s6, $0xb8;
	[tilespmem:$0x18800] =	vst v63  }
0x10: {  	s11 =	simm.s32 $0x180;
	s12 =	simm.s32 $0xC800  }
0x11: {  	[tilespmem:s12], [sflag:$0x1] =	stream.indirect.gather [hbm4b:s5+s6], $0x80, s11, s6, $0xb8;
	[tilespmem:$0x18800] =	vst v63  }
0x12: {  	s13 =	simm.s32 $0x200;
	s14 =	simm.s32 $0x10800  }
0x13: {  	[tilespmem:s14], [sflag:$0x1] =	stream.indirect.gather [hbm4b:s5+s6], $0x80, s13, s6, $0xb8;
	[tilespmem:$0x18800] =	vst v63  }
0x14: {  	s15 =	simm.s32 $0x280;
	s16 =	simm.s32 $0x14800;
	s17 =	simm.s32 $0x1  }
0x15: {  	[tilespmem:s16], [sflag:$0x1] =	stream.indirect.gather [hbm4b:s5+s6], $0x80, s15, s6, $0xb8;
	[tilespmem:$0x18800] =	vst v63  }
0x16: {  	_ =	swait.ge [sflag:s17], $0x4000  }
0x17: {  	[sflag:s17] =	ssyncset.done $0x0  }
0x18: {  	[sflag:s17] =	ssyncadd.s32 $0xFFFFC000  }
0x19: {  	_ =	swait.ge [sflag:s17], $0x4000  }
0x1a: {  	[sflag:s17] =	ssyncset.done $0x0  }
0x1b: {  	[sflag:s17] =	ssyncadd.s32 $0xFFFFC000  }
0x1c: {  	_ =	swait.ge [sflag:s17], $0x4000  }
0x1d: {  	[sflag:s17] =	ssyncset.done $0x0  }
0x1e: {  	[sflag:s17] =	ssyncadd.s32 $0xFFFFC000  }
0x1f: {  	_ =	swait.ge [sflag:s17], $0x4000  }
0x20: {  	[sflag:s17] =	ssyncset.done $0x0  }
0x21: {  	[sflag:s17] =	ssyncadd.s32 $0xFFFFC000  }
0x22: {  	_ =	swait.ge [sflag:s17], $0x4000  }
0x23: {  	s19 =	smul.u32 $0x30000, s19;
	[sflag:s17] =	ssyncset.done $0x0  }
0x24: {  	[sflag:s17] =	ssyncadd.s32 $0xFFFFC000  }
0x25: {  	s19 =	sshrl.u32 s19, $0x3;
	_ =	swait.ge [sflag:s17], $0x4000  }
0x26: {  	s26 =	sadd.s32 s19, s18;
	[sflag:s17] =	ssyncset.done $0x0  }
0x27: {  	s18 =	sadd.s32 $0xF4E000, s26;
	[sflag:s17] =	ssyncadd.s32 $0xFFFFC000  }
0x28: {  	[hbm4b:s18+s2] =	stream.linear.scatter [tilespmem:s7], [sflag:$0x2], $0x18000, $0x38;
	[tilespmem:$0x18800] =	vst v63  }
0x29: {  	_ =	swait.ge [sflag:s3], $0x18000  }
0x2a: {  	[sflag:s3] =	ssyncset.done $0x0  }
0x2b: {  	s19 =	simm.s32 $0x300;
	[sflag:s3] =	ssyncadd.s32 $0xFFFE8000  }
0x2c: {  	[tilespmem:s7], [sflag:$0x1] =	stream.indirect.gather [hbm4b:s5+s6], $0x80, s19, s6, $0xb8;
	[tilespmem:$0x18800] =	vst v63  }
0x2d: {  	s20 =	simm.s32 $0x380  }
0x2e: {  	[tilespmem:s8], [sflag:$0x1] =	stream.indirect.gather [hbm4b:s5+s6], $0x80, s20, s6, $0xb8;
	[tilespmem:$0x18800] =	vst v63  }
0x2f: {  	s21 =	simm.s32 $0x400  }
0x30: {  	[tilespmem:s10], [sflag:$0x1] =	stream.indirect.gather [hbm4b:s5+s6], $0x80, s21, s6, $0xb8;
	[tilespmem:$0x18800] =	vst v63  }
0x31: {  	s22 =	simm.s32 $0x480  }
0x32: {  	[tilespmem:s12], [sflag:$0x1] =	stream.indirect.gather [hbm4b:s5+s6], $0x80, s22, s6, $0xb8;
	[tilespmem:$0x18800] =	vst v63  }
0x33: {  	s23 =	simm.s32 $0x500  }
0x34: {  	[tilespmem:s14], [sflag:$0x1] =	stream.indirect.gather [hbm4b:s5+s6], $0x80, s23, s6, $0xb8;
	[tilespmem:$0x18800] =	vst v63  }
0x35: {  	s24 =	simm.s32 $0x580  }
0x36: {  	[tilespmem:s16], [sflag:$0x1] =	stream.indirect.gather [hbm4b:s5+s6], $0x80, s24, s6, $0xb8;
	[tilespmem:$0x18800] =	vst v63  }
0x37: {  	_ =	swait.ge [sflag:s17], $0x4000  }
0x38: {  	[sflag:s17] =	ssyncset.done $0x0  }
0x39: {  	[sflag:s17] =	ssyncadd.s32 $0xFFFFC000  }
0x3a: {  	_ =	swait.ge [sflag:s17], $0x4000  }
0x3b: {  	[sflag:s17] =	ssyncset.done $0x0  }
0x3c: {  	[sflag:s17] =	ssyncadd.s32 $0xFFFFC000  }
0x3d: {  	_ =	swait.ge [sflag:s17], $0x4000  }
0x3e: {  	[sflag:s17] =	ssyncset.done $0x0  }
0x3f: {  	[sflag:s17] =	ssyncadd.s32 $0xFFFFC000  }
0x40: {  	_ =	swait.ge [sflag:s17], $0x4000  }
0x41: {  	[sflag:s17] =	ssyncset.done $0x0  }
0x42: {  	s25 =	ssub.s32 $0x2, s25;
	[sflag:s17] =	ssyncadd.s32 $0xFFFFC000  }
0x43: {  	s28 =	sshrl.u32 s25, $0x1;
	_ =	swait.ge [sflag:s17], $0x4000  }
0x44: {  	s28 =	ssub.s32 s25, s28;
	[sflag:s17] =	ssyncset.done $0x0  }
0x45: {  	s31 =	smax.u32 s28, $0x1;
	[sflag:s17] =	ssyncadd.s32 $0xFFFFC000  }
0x46: {  	p0 =	sne.s32 s31, $0x1;
	_ =	swait.ge [sflag:s17], $0x4000  }
.Ltmp0:
0x47: {  	[sflag:s17] =	ssyncset.done $0x0;
	(pc) =	sbr.rel @!p0 .LBB2_2-.Ltmp0, $4  }
0x48: {  	s25 =	sadd.s32 $0xF51000, s26;
	[sflag:s17] =	ssyncadd.s32 $0xFFFFC000  }
0x49: {  	[hbm4b:s25+s2] =	stream.linear.scatter [tilespmem:s7], [sflag:$0x2], $0x18000, $0x38;
	[tilespmem:$0x18800] =	vst v63  }
0x4a: {  	_ =	swait.ge [sflag:s3], $0x18000  }
0x4b: {  	s26 =	sadd.s32 $0xFFFFFFFF, s31;
	[sflag:s3] =	ssyncset.done $0x0  }
.LBB2_1:
0x4c: {  	p0 =	sne.s32 s26, $0x1;
	s26 =	sadd.s32 $0xFFFFFFFF, s26;
	[sflag:s3] =	ssyncadd.s32 $0xFFFE8000  }
0x4d: {  	[tilespmem:s2], [sflag:$0x2] =	stream.linear.gather [hbm4b:s4+s2], $0x600, $0x38;
	[tilespmem:$0x18800] =	vst v63  }
0x4e: {  	_ =	swait.ge [sflag:s3], $0x600  }
0x4f: {  	[sflag:s3] =	ssyncset.done $0x0  }
0x50: {  	[sflag:s3] =	ssyncadd.s32 $0xFFFFFA00  }
0x51: {  	[tilespmem:s7], [sflag:$0x1] =	stream.indirect.gather [hbm4b:s5+s6], $0x80, s2, s6, $0xb8;
	[tilespmem:$0x18800] =	vst v63  }
0x52: {  	_ = 	snop  }
0x53: {  	[tilespmem:s8], [sflag:$0x1] =	stream.indirect.gather [hbm4b:s5+s6], $0x80, s6, s6, $0xb8;
	[tilespmem:$0x18800] =	vst v63  }
0x54: {  	_ = 	snop  }
0x55: {  	[tilespmem:s10], [sflag:$0x1] =	stream.indirect.gather [hbm4b:s5+s6], $0x80, s9, s6, $0xb8;
	[tilespmem:$0x18800] =	vst v63  }
0x56: {  	_ = 	snop  }
0x57: {  	[tilespmem:s12], [sflag:$0x1] =	stream.indirect.gather [hbm4b:s5+s6], $0x80, s11, s6, $0xb8;
	[tilespmem:$0x18800] =	vst v63  }
0x58: {  	_ = 	snop  }
0x59: {  	[tilespmem:s14], [sflag:$0x1] =	stream.indirect.gather [hbm4b:s5+s6], $0x80, s13, s6, $0xb8;
	[tilespmem:$0x18800] =	vst v63  }
0x5a: {  	_ = 	snop  }
0x5b: {  	[tilespmem:s16], [sflag:$0x1] =	stream.indirect.gather [hbm4b:s5+s6], $0x80, s15, s6, $0xb8;
	[tilespmem:$0x18800] =	vst v63  }
0x5c: {  	_ =	swait.ge [sflag:s17], $0x4000  }
0x5d: {  	[sflag:s17] =	ssyncset.done $0x0  }
0x5e: {  	[sflag:s17] =	ssyncadd.s32 $0xFFFFC000  }
0x5f: {  	_ =	swait.ge [sflag:s17], $0x4000  }
0x60: {  	[sflag:s17] =	ssyncset.done $0x0  }
0x61: {  	[sflag:s17] =	ssyncadd.s32 $0xFFFFC000  }
0x62: {  	_ =	swait.ge [sflag:s17], $0x4000  }
0x63: {  	[sflag:s17] =	ssyncset.done $0x0  }
0x64: {  	[sflag:s17] =	ssyncadd.s32 $0xFFFFC000  }
0x65: {  	_ =	swait.ge [sflag:s17], $0x4000  }
0x66: {  	[sflag:s17] =	ssyncset.done $0x0  }
0x67: {  	[sflag:s17] =	ssyncadd.s32 $0xFFFFC000  }
0x68: {  	_ =	swait.ge [sflag:s17], $0x4000  }
0x69: {  	[sflag:s17] =	ssyncset.done $0x0  }
0x6a: {  	[sflag:s17] =	ssyncadd.s32 $0xFFFFC000  }
0x6b: {  	_ =	swait.ge [sflag:s17], $0x4000  }
0x6c: {  	[sflag:s17] =	ssyncset.done $0x0  }
0x6d: {  	[sflag:s17] =	ssyncadd.s32 $0xFFFFC000  }
0x6e: {  	[hbm4b:s18+s2] =	stream.linear.scatter [tilespmem:s7], [sflag:$0x2], $0x18000, $0x38;
	[tilespmem:$0x18800] =	vst v63  }
0x6f: {  	_ =	swait.ge [sflag:s3], $0x18000  }
0x70: {  	[sflag:s3] =	ssyncset.done $0x0  }
0x71: {  	[sflag:s3] =	ssyncadd.s32 $0xFFFE8000  }
0x72: {  	[tilespmem:s7], [sflag:$0x1] =	stream.indirect.gather [hbm4b:s5+s6], $0x80, s19, s6, $0xb8;
	[tilespmem:$0x18800] =	vst v63  }
0x73: {  	_ = 	snop  }
0x74: {  	[tilespmem:s8], [sflag:$0x1] =	stream.indirect.gather [hbm4b:s5+s6], $0x80, s20, s6, $0xb8;
	[tilespmem:$0x18800] =	vst v63  }
0x75: {  	_ = 	snop  }
0x76: {  	[tilespmem:s10], [sflag:$0x1] =	stream.indirect.gather [hbm4b:s5+s6], $0x80, s21, s6, $0xb8;
	[tilespmem:$0x18800] =	vst v63  }
0x77: {  	_ = 	snop  }
0x78: {  	[tilespmem:s12], [sflag:$0x1] =	stream.indirect.gather [hbm4b:s5+s6], $0x80, s22, s6, $0xb8;
	[tilespmem:$0x18800] =	vst v63  }
0x79: {  	_ = 	snop  }
0x7a: {  	[tilespmem:s14], [sflag:$0x1] =	stream.indirect.gather [hbm4b:s5+s6], $0x80, s23, s6, $0xb8;
	[tilespmem:$0x18800] =	vst v63  }
0x7b: {  	_ = 	snop  }
0x7c: {  	[tilespmem:s16], [sflag:$0x1] =	stream.indirect.gather [hbm4b:s5+s6], $0x80, s24, s6, $0xb8;
	[tilespmem:$0x18800] =	vst v63  }
0x7d: {  	_ =	swait.ge [sflag:s17], $0x4000  }
0x7e: {  	[sflag:s17] =	ssyncset.done $0x0  }
0x7f: {  	[sflag:s17] =	ssyncadd.s32 $0xFFFFC000  }
0x80: {  	_ =	swait.ge [sflag:s17], $0x4000  }
0x81: {  	[sflag:s17] =	ssyncset.done $0x0  }
0x82: {  	[sflag:s17] =	ssyncadd.s32 $0xFFFFC000  }
0x83: {  	_ =	swait.ge [sflag:s17], $0x4000  }
0x84: {  	[sflag:s17] =	ssyncset.done $0x0  }
0x85: {  	[sflag:s17] =	ssyncadd.s32 $0xFFFFC000  }
0x86: {  	_ =	swait.ge [sflag:s17], $0x4000  }
0x87: {  	[sflag:s17] =	ssyncset.done $0x0  }
0x88: {  	[sflag:s17] =	ssyncadd.s32 $0xFFFFC000  }
0x89: {  	_ =	swait.ge [sflag:s17], $0x4000  }
0x8a: {  	[sflag:s17] =	ssyncset.done $0x0  }
0x8b: {  	[sflag:s17] =	ssyncadd.s32 $0xFFFFC000  }
0x8c: {  	_ =	swait.ge [sflag:s17], $0x4000  }
.Ltmp1:
0x8d: {  	[sflag:s17] =	ssyncset.done $0x0;
	(pc) =	sbr.rel @p0 .LBB2_1-.Ltmp1, $4  }
0x8e: {  	[sflag:s17] =	ssyncadd.s32 $0xFFFFC000  }
0x8f: {  	[hbm4b:s25+s2] =	stream.linear.scatter [tilespmem:s7], [sflag:$0x2], $0x18000, $0x38;
	[tilespmem:$0x18800] =	vst v63  }
0x90: {  	_ =	swait.ge [sflag:s3], $0x18000  }
0x91: {  	[sflag:s3] =	ssyncset.done $0x0  }
.LBB2_2:
0x92: {  	[sflag:s3] =	ssyncadd.s32 $0xFFFE8000  }
0x93: {  	_ =	sfence.sel $0x180000  }
0x94: {  	[bflag:$0x0] =	sbarrier.arrive $0xFFFF  }
0x95: {  	p0 =	sne.s32 s0, $0x0;
	_ =	strace $0x90000047  }
0x96: {  	s0 =	sadd.s32 @!p0 $0x100000, s1;
	[bflag:$0x2] =	sbarrier.arrive $0xFFFF  }
0x97: {  	[sflag:s0] =	ssyncadd.tile.s32 @!p0 $0x1;
	_ =	shalt  }
.Lfunc_end2:
_tile_overlayer_lowered:
.L_overlay_start_2:
0x98: {  	(tag) =	ssettag $0x2  }
0x99: {  	s0 =	rddreg [dreg:$0x0];
	s2 =	stileid.u32  }
0x9a: {  	s1 =	rddreg [dreg:$0x1];
	p0 =	sne.s32 s2, $0x0  }
0x9b: {  	s3 =	rddreg [dreg:$0x2];
	[bflag:$0x3] =	sbarrier.arrive $0xFFFF;
	s2 =	simm.s32 @!p0 $0x1C02  }
0x9c: {  	[timem:s3], [sflag:s2] =	dma.local @!p0 [hbm:s0], s1  }
0x9d: {  	s0 =	simm.s32 @!p0 $0x2  }
0x9e: {  	_ =	swait.ge @!p0 [sflag:s0], s1  }
0x9f: {  	s1 =	ssub.s32 @!p0 $0x0, s1;
	[sflag:s0] =	ssyncset.done @!p0 $0x0  }
0xa0: {  	[sflag:s0] =	ssyncadd.s32 @!p0 s1  }
0xa1: {  	[bflag:$0x3] =	sbarrier.arrive $0xFFFF  }
0xa2: {  	_ =	shalt  }

// kernel: kernel.17.cloned.1.call-start
scs
__scs_entry_jumppad:
0x0: {  	(pc) =	sbr.rel $0x88, $3  }
0x1: {  	(tag) =	ssettag $0x0;
	lr =	simm.s32 $0x1  }
0x2: {  	[smem:$0x3F98] =	sst lr;
	_ =	strace $0xD0000000  }
0x3: {  	_ = 	snop  }
0x4: {  	_ = 	snop  }
0x5: {  	_ = 	snop  }
0x6: {  	_ = 	snop  }
0x7: {  	_ = 	snop  }
__scs_overlays_trampoline_lowered:
0x8: {  	[smem:$0x3FA7] =	sst s0  }
0x9: {  	[smem:$0x3FA8] =	sst s1  }
0xa: {  	[smem:$0x3FA9] =	sst s2  }
0xb: {  	[smem:$0x3FAA] =	sst s3  }
0xc: {  	[smem:$0x3FAB] =	sst s4  }
0xd: {  	[smem:$0x3FAC] =	sst s5  }
0xe: {  	[smem:$0x3FAD] =	sst s6  }
0xf: {  	[smem:$0x3FAE] =	sst s7  }
0x10: {  	[smem:$0x3FAF] =	sst s8  }
0x11: {  	[smem:$0x3FB0] =	sst s9;
	s0 =	simm.s32 @!p0 $0x0  }
0x12: {  	s1 =	sld [smem:$0x3F96];
	s0 =	simm.s32 @p0 $0x1  }
0x13: {  	[smem:$0x3FB1] =	sst s0;
	s0 =	simm.s32 @!p1 $0x0  }
0x14: {  	s2 =	sld [smem:$0x3F95];
	s0 =	simm.s32 @p1 $0x1  }
0x15: {  	[smem:$0x3FB2] =	sst s0;
	s0 =	simm.s32 @!p2 $0x0  }
0x16: {  	s3 =	sld [smem:$0x3FDB];
	s0 =	simm.s32 @p2 $0x1  }
0x17: {  	s4 =	simm.s32 $0x1BF5;
	[smem:$0x3FB4] =	sst s0  }
0x18: {  	s0 =	sld [smem:$0x3F97];
	_ =	swait.ge [sflag:s4], $0x0  }
0x19: {  	s7 =	sld [smem:$0x3F98]  }
0x1a: {  	s8 =	sadd.s32 $0xFFFFE003, lr  }
0x1b: {  	s9 =	sadd.s32 $0xFFFFFEF7, lr;
	s5 =	simm.s32 $0xFFFFFFFF;
	p2 =	slt.u32 s8, $0xFFFFF086  }
0x1c: {  	p1 =	slt.u32 s9, $0xF7A;
	s5 =	simm.s32 @!p2 $0x0  }
0x1d: {  	s5 =	simm.s32 @p1 $0x1;
	p0 =	seq.s32 s7, s2  }
0x1e: {  	s7 =	smul.u32 @!p0 $0xF7A, s2;
	p2 =	seq.s32 @!p0 s5, $0x0  }
0x1f: {  	s9 =	smul.u32 $0xF7A, s1;
	s8 =	simm.s32 @!p0 $0x1BF5;
	p2 =	por !p2, p0  }
0x20: {  	[sflag:s8] =	ssyncset.s32 @!p0 $0xFFFFF086;
	s6 =	sadd.s32 @!p0 s3, s7;
	s7 =	simm.s32 @!p0 $0x108  }
0x21: {  	s3 =	sadd.s32 s3, s9;
	s6 =	sadd.s32 @!p0 $0x88, s6;
	s7 =	simm.s32 @p2 $0x1082  }
0x22: {  	[simem:s7], [sflag:s8] =	dma.local @!p0 [hbm:s6], $0xF7A  }
0x23: {  	s9 =	sor.u32 $0xD0000000, s2;
	s6 =	simm.s32 $0x108;
	_ =	swait.ge @!p0 [sflag:s8], $0x0  }
0x24: {  	s3 =	sadd.s32 $0x88, s3;
	s6 =	simm.s32 @!p1 $0x1082;
	[sflag:s4] =	ssyncset.s32 $0xFFFFF086  }
0x25: {  	[simem:s6], [sflag:s4] =	dma.local [hbm:s3], $0xF7A  }
0x26: {  	[smem:$0x3F98] =	sst s1;
	(tag) =	ssettag s2;
	_ =	strace s9  }
0x27: {  	s1 =	sld [smem:$0x3FA8]  }
0x28: {  	s2 =	sld [smem:$0x3FA9]  }
0x29: {  	s4 =	sld [smem:$0x3FAB]  }
0x2a: {  	p0 =	seq.s32 s5, $0x0;
	s5 =	sld [smem:$0x3FAC]  }
0x2b: {  	s6 =	sld [smem:$0x3FAD]  }
0x2c: {  	s7 =	sld [smem:$0x3FAE]  }
0x2d: {  	s3 =	simm.s32 $0x108;
	s8 =	sld [smem:$0x3FAF]  }
0x2e: {  	s3 =	simm.s32 @!p0 $0x1082;
	s9 =	sld [smem:$0x3FB0]  }
0x2f: {  	lr =	sadd.s32 s0, s3;
	s0 =	sld [smem:$0x3FA7]  }
0x30: {  	s3 =	sld [smem:$0x3FAA]  }
0x31: {  	[smem:$0x3FB3] =	sst s10  }
0x32: {  	s10 =	sld [smem:$0x3FB1];
	_ =	sdelay $0x3  }
0x33: {  	p0 =	seq.s32 s10, $0x1;
	s10 =	sld [smem:$0x3FB3];
	_ =	sdelay $0x3  }
0x34: {  	[smem:$0x3FB3] =	sst s10  }
0x35: {  	s10 =	sld [smem:$0x3FB2];
	_ =	sdelay $0x3  }
0x36: {  	p1 =	seq.s32 s10, $0x1;
	s10 =	sld [smem:$0x3FB3];
	_ =	sdelay $0x3  }
0x37: {  	[smem:$0x3FB3] =	sst s10  }
0x38: {  	s10 =	sld [smem:$0x3FB4]  }
0x39: {  	_ = 	snop;
	(pc) =	sbr.ind lr, $3  }
0x3a: {  	_ = 	snop  }
0x3b: {  	_ = 	snop  }
0x3c: {  	p2 =	seq.s32 s10, $0x1;
	s10 =	sld [smem:$0x3FB3]  }
0x3d: {  	_ =	shalt  }
0x3e: {  	_ =	shalt  }
0x3f: {  	_ =	shalt  }
0x40: {  	_ =	shalt  }
0x41: {  	_ =	shalt  }
0x42: {  	_ =	shalt  }
0x43: {  	_ =	shalt  }
0x44: {  	_ =	shalt  }
0x45: {  	_ =	shalt  }
0x46: {  	_ =	shalt  }
0x47: {  	_ =	shalt  }
0x48: {  	_ =	shalt  }
0x49: {  	_ =	shalt  }
0x4a: {  	_ =	shalt  }
0x4b: {  	_ =	shalt  }
0x4c: {  	_ =	shalt  }
0x4d: {  	_ =	shalt  }
0x4e: {  	_ =	shalt  }
0x4f: {  	_ =	shalt  }
0x50: {  	_ =	shalt  }
0x51: {  	_ =	shalt  }
0x52: {  	_ =	shalt  }
0x53: {  	_ =	shalt  }
0x54: {  	_ =	shalt  }
0x55: {  	_ =	shalt  }
0x56: {  	_ =	shalt  }
0x57: {  	_ =	shalt  }
0x58: {  	_ =	shalt  }
0x59: {  	_ =	shalt  }
0x5a: {  	_ =	shalt  }
0x5b: {  	_ =	shalt  }
0x5c: {  	_ =	shalt  }
0x5d: {  	_ =	shalt  }
0x5e: {  	_ =	shalt  }
0x5f: {  	_ =	shalt  }
0x60: {  	_ =	shalt  }
0x61: {  	_ =	shalt  }
0x62: {  	_ =	shalt  }
0x63: {  	_ =	shalt  }
0x64: {  	_ =	shalt  }
0x65: {  	_ =	shalt  }
0x66: {  	_ =	shalt  }
0x67: {  	_ =	shalt  }
0x68: {  	_ =	shalt  }
0x69: {  	_ =	shalt  }
0x6a: {  	_ =	shalt  }
0x6b: {  	_ =	shalt  }
0x6c: {  	_ =	shalt  }
0x6d: {  	_ =	shalt  }
0x6e: {  	_ =	shalt  }
0x6f: {  	_ =	shalt  }
0x70: {  	_ =	shalt  }
0x71: {  	_ =	shalt  }
0x72: {  	_ =	shalt  }
0x73: {  	_ =	shalt  }
0x74: {  	_ =	shalt  }
0x75: {  	_ =	shalt  }
0x76: {  	_ =	shalt  }
0x77: {  	_ =	shalt  }
0x78: {  	_ =	shalt  }
0x79: {  	_ =	shalt  }
0x7a: {  	_ =	shalt  }
0x7b: {  	_ =	shalt  }
0x7c: {  	_ =	shalt  }
0x7d: {  	_ =	shalt  }
0x7e: {  	_ =	shalt  }
0x7f: {  	_ =	shalt  }
0x80: {  	_ =	shalt  }
0x81: {  	_ =	shalt  }
0x82: {  	_ =	shalt  }
0x83: {  	_ =	shalt  }
0x84: {  	_ =	shalt  }
0x85: {  	_ =	shalt  }
0x86: {  	_ =	shalt  }
0x87: {  	_ =	shalt  }
.Lfunc_end0:
.L_simem_size_0:
called_computation.2_lowered:
.L_overlay_start_0:
0x88: {  	s2 =	sld [smem:$0x3FD9]  }
0x89: {  	s3 =	sld [smem:$0x3FFE];
	_ =	sdelay $0x1  }
0x8a: {  	s1 =	srdreg.scid  }
0x8b: {  	s0 =	sand.u32 $0x1, s1  }
0x8c: {  	s17 =	sshll.u32 s0, $0xA;
	s2 =	sadd.s32 s3, s2  }
0x8d: {  	s2 =	sadd.s32 s2, s17  }
0x8e: {  	[smem:$0x3FBF] =	sst s2  }
0x8f: {  	_ = 	snop  }
0x90: {  	(tm) =	ssettm $0x1  }
0x91: {  	s18 =	sld [smem:$0x3FFB];
	_ =	sdelay $0x3  }
0x92: {  	_ =	strace s18  }
0x93: {  	s2 =	sld [smem:$0x3FFC];
	_ =	sdelay $0x3  }
0x94: {  	_ =	strace s2  }
0x95: {  	s2 =	sld [smem:$0x3FFD];
	_ =	sdelay $0x3  }
0x96: {  	_ =	strace s2  }
0x97: {  	_ =	strace $0x8FFFFFFF  }
0x98: {  	s19 =	sld [smem:$0x3FDB];
	_ =	sdelay $0x1  }
0x99: {  	s20 =	simm.s32 $_scs_section_size  }
0x9a: {  	s4 =	simm.s32 $_size__tile_overlayer_lowered;
	s5 =	simm.s32 $_tile_overlayer_lowered  }
0x9b: {  	s6 =	simm.s32 $0x1BFF;
	s21 =	sshll.u32 s5, $0x1;
	s3 =	sadd.s32 s20, s19  }
0x9c: {  	s22 =	simm.s32 $0x0;
	s4 =	sshll.u32 s4, $0x1;
	s5 =	sadd.s32 s21, s3  }
0x9d: {  	[timem:s22], [sflag:s6] =	dma.local [hbm:s5], s4  }
0x9e: {  	_ =	swait.ge [sflag:s6], s4  }
0x9f: {  	s4 =	ssub.s32 $0x0, s4;
	[sflag:s6] =	ssyncset.done $0x0  }
0xa0: {  	[sflag:s6] =	ssyncadd.s32 s4;
	_ =	sdelay $0x1  }
0xa1: {  	s23 =	simm.s32 $0x1B8B  }
0xa2: {  	_ =	swait.ge [sflag:s23], $0x1  }
0xa3: {  	[sflag:s23] =	ssyncset.done $0x0  }
0xa4: {  	[sflag:s23] =	ssyncadd.s32 $0xFFFFFFFF  }
0xa5: {  	s4 =	sld [smem:$0x0]  }
0xa6: {  	s5 =	sand.u32 $0xFFFFFFFE, s1  }
0xa7: {  	p0 =	sne.s32 s1, s5  }
0xa8: {  	s5 =	sshll.u32 @p0 s5, $0xE  }
0xa9: {  	s5 =	sadd.s32 @p0 $0x11B8D, s5;
	s6 =	sshll.u32 @p0 s4, $0x11  }
0xaa: {  	s5 =	sor.u32 @p0 s6, s5  }
0xab: {  	[sflag:s5] =	ssyncadd.remote.s32 @p0 $0x1;
	_ =	sdelay $0x1  }
0xac: {  	s5 =	simm.s32 @p0 $0x1B8D  }
0xad: {  	_ =	swait.eq @p0 [sflag:s5], $0x1  }
0xae: {  	[sflag:s5] =	ssyncadd.s32 @p0 $0xFFFFFFFF  }
0xaf: {  	s6 =	sshll.u32 @!p0 s1, $0xE  }
0xb0: {  	s6 =	sor.u32 @!p0 $0x4000, s6;
	s5 =	simm.s32 @!p0 $0x1B8D  }
0xb1: {  	s4 =	sshll.u32 @!p0 s4, $0x11;
	s6 =	sadd.s32 @!p0 $0x11B8D, s6;
	_ =	swait.eq @!p0 [sflag:s5], $0x1  }
0xb2: {  	s4 =	sor.u32 @!p0 s4, s6;
	[sflag:s5] =	ssyncadd.s32 @!p0 $0xFFFFFFFF  }
0xb3: {  	s25 =	simm.s32 $0x1B8E;
	s24 =	sld [smem:$0x3FFE];
	[sflag:s4] =	ssyncadd.remote.s32 @!p0 $0x1  }
0xb4: {  	s26 =	simm.s32 $execute0_lowered;
	[smem:$0x3FD2] =	sst s25  }
0xb5: {  	s5 =	sshll.u32 s26, $0x1;
	_ =	strace $0x8000004C;
	[dreg:$0x1] =	wrdreg $0xFFFFFFFF  }
0xb6: {  	s28 =	simm.s32 $_size_execute0_lowered;
	s3 =	sadd.s32 s3, s5;
	[dreg:$0x0] =	wrdreg $0x0  }
0xb7: {  	s5 =	sshll.u32 s28, $0x1;
	[dreg:$0x2] =	wrdreg s3  }
0xb8: {  	[dreg:$0x3] =	wrdreg s5  }
0xb9: {  	[dreg:$0x4] =	wrdreg $0xC0  }
0xba: {  	_ =	task [dreg:s22], $0x5FFFF  }
0xbb: {  	[dreg:$0x1] =	wrdreg $0xFFFFFFFF  }
0xbc: {  	[dreg:$0x0] =	wrdreg $0x60  }
0xbd: {  	[dreg:$0x2] =	wrdreg s24  }
0xbe: {  	[dreg:$0x3] =	wrdreg $0xB  }
0xbf: {  	_ =	task.clear_ibuf [dreg:s22], $0x4FFFF;
	_ =	strace $0x9000004C  }
0xc0: {  	s29 =	simm.s32 $0xB;
	_ =	strace $0x8000004E  }
0xc1: {  	_ =	swait.ge [sflag:s29], $0x1  }
0xc2: {  	[sflag:s29] =	ssyncadd.s32 $0xFFFFFFFF  }
0xc3: {  	_ =	strace $0x9000004E  }
0xc4: {  	_ =	sfence  }
0xc5: {  	s30 =	sld [smem:$0x0];
	_ =	sdelay $0x2  }
0xc6: {  	s31 =	sshll.u32 s1, $0xD;
	s1 =	sshrl.u32 s1, $0x2  }
0xc7: {  	s4 =	sand.u32 $0x4000, s31;
	s1 =	sadd.s32 s1, s30  }
0xc8: {  	s0 =	sor.u32 s4, s0;
	s1 =	sshll.u32 s1, $0x11  }
0xc9: {  	s0 =	sor.u32 s1, s0  }
0xca: {  	s0 =	sadd.s32 $0x8F2B, s0  }
0xcb: {  	[sflag:s0] =	ssyncadd.remote.s32 $0x1  }
0xcc: {  	_ =	sfence.sel $0xFFFF  }
0xcd: {  	[dreg:$0x0] =	wrdreg $0xFFFFFFFF;
	(pc) =	sbr.abs _section_cstart, $3  }
0xce: {  	[dreg:$0x1] =	wrdreg $0xFFFFFFFF  }
0xcf: {  	_ =	task.clear_ibuf [dreg:s22], $0x2FFFF;
	_ =	strace $0x9FFFFFFF  }
0xd0: {  	(tm) =	ssettm $0x7FFFFFFF  }
0xd1: {  	_ =	shalt  }
tec
execute0_lowered:
.L_overlay_start_1:
0x0: {  	(tag) =	ssettag $0x1  }
0x1: {  	s1 =	srdreg.scid;
	s0 =	stileid.u32  }
0x2: {  	s25 =	sand.u32 $0x1, s1;
	s30 =	sshll.u32 s0, $0x1  }
0x3: {  	s18 =	rddreg [dreg:$0x0];
	s19 =	sor.u32 s25, s30  }
0x4: {  	s2 =	simm.s32 $0x0;
	s1 =	rddreg [dreg:$0x1];
	s3 =	sshll.u32 s19, $0x8  }
0x5: {  	[smem:$0x7FF] =	sst s2;
	s3 =	sadd.s32 s3, s18  }
0x6: {  	_ =	strace $0x8000004D;
	s4 =	sadd.s32 $0x5400, s3;
	s3 =	simm.s32 $0x2  }
0x7: {  	[tilespmem:s2], [sflag:$0x2] =	stream.linear.gather [hbm4b:s4+s2], $0x600, $0x38;
	[tilespmem:$0x18800] =	vst v63  }
0x8: {  	_ =	swait.ge [sflag:s3], $0x600  }
0x9: {  	s6 =	simm.s32 $0x80;
	[sflag:s3] =	ssyncset.done $0x0  }
0xa: {  	s7 =	simm.s32 $0x800;
	s5 =	sadd.s32 $0xBC00, s18;
	[sflag:s3] =	ssyncadd.s32 $0xFFFFFA00  }
0xb: {  	[tilespmem:s7], [sflag:$0x1] =	stream.indirect.gather [hbm4b:s5+s6], $0x80, s2, s6, $0xb8;
	[tilespmem:$0x18800] =	vst v63  }
0xc: {  	s8 =	simm.s32 $0x4800  }
0xd: {  	[tilespmem:s8], [sflag:$0x1] =	stream.indirect.gather [hbm4b:s5+s6], $0x80, s6, s6, $0xb8;
	[tilespmem:$0x18800] =	vst v63  }
0xe: {  	s9 =	simm.s32 $0x100;
	s10 =	simm.s32 $0x8800  }
0xf: {  	[tilespmem:s10], [sflag:$0x1] =	stream.indirect.gather [hbm4b:s5+s6], $0x80, s9, s6, $0xb8;
	[tilespmem:$0x18800] =	vst v63  }
0x10: {  	s11 =	simm.s32 $0x180;
	s12 =	simm.s32 $0xC800  }
0x11: {  	[tilespmem:s12], [sflag:$0x1] =	stream.indirect.gather [hbm4b:s5+s6], $0x80, s11, s6, $0xb8;
	[tilespmem:$0x18800] =	vst v63  }
0x12: {  	s13 =	simm.s32 $0x200;
	s14 =	simm.s32 $0x10800  }
0x13: {  	[tilespmem:s14], [sflag:$0x1] =	stream.indirect.gather [hbm4b:s5+s6], $0x80, s13, s6, $0xb8;
	[tilespmem:$0x18800] =	vst v63  }
0x14: {  	s15 =	simm.s32 $0x280;
	s16 =	simm.s32 $0x14800;
	s17 =	simm.s32 $0x1  }
0x15: {  	[tilespmem:s16], [sflag:$0x1] =	stream.indirect.gather [hbm4b:s5+s6], $0x80, s15, s6, $0xb8;
	[tilespmem:$0x18800] =	vst v63  }
0x16: {  	_ =	swait.ge [sflag:s17], $0x4000  }
0x17: {  	[sflag:s17] =	ssyncset.done $0x0  }
0x18: {  	[sflag:s17] =	ssyncadd.s32 $0xFFFFC000  }
0x19: {  	_ =	swait.ge [sflag:s17], $0x4000  }
0x1a: {  	[sflag:s17] =	ssyncset.done $0x0  }
0x1b: {  	[sflag:s17] =	ssyncadd.s32 $0xFFFFC000  }
0x1c: {  	_ =	swait.ge [sflag:s17], $0x4000  }
0x1d: {  	[sflag:s17] =	ssyncset.done $0x0  }
0x1e: {  	[sflag:s17] =	ssyncadd.s32 $0xFFFFC000  }
0x1f: {  	_ =	swait.ge [sflag:s17], $0x4000  }
0x20: {  	[sflag:s17] =	ssyncset.done $0x0  }
0x21: {  	[sflag:s17] =	ssyncadd.s32 $0xFFFFC000  }
0x22: {  	_ =	swait.ge [sflag:s17], $0x4000  }
0x23: {  	s19 =	smul.u32 $0x30000, s19;
	[sflag:s17] =	ssyncset.done $0x0  }
0x24: {  	[sflag:s17] =	ssyncadd.s32 $0xFFFFC000  }
0x25: {  	s19 =	sshrl.u32 s19, $0x3;
	_ =	swait.ge [sflag:s17], $0x4000  }
0x26: {  	s26 =	sadd.s32 s19, s18;
	[sflag:s17] =	ssyncset.done $0x0  }
0x27: {  	s18 =	sadd.s32 $0x10D0000, s26;
	[sflag:s17] =	ssyncadd.s32 $0xFFFFC000  }
0x28: {  	[hbm4b:s18+s2] =	stream.linear.scatter [tilespmem:s7], [sflag:$0x2], $0x18000, $0x38;
	[tilespmem:$0x18800] =	vst v63  }
0x29: {  	_ =	swait.ge [sflag:s3], $0x18000  }
0x2a: {  	[sflag:s3] =	ssyncset.done $0x0  }
0x2b: {  	s19 =	simm.s32 $0x300;
	[sflag:s3] =	ssyncadd.s32 $0xFFFE8000  }
0x2c: {  	[tilespmem:s7], [sflag:$0x1] =	stream.indirect.gather [hbm4b:s5+s6], $0x80, s19, s6, $0xb8;
	[tilespmem:$0x18800] =	vst v63  }
0x2d: {  	s20 =	simm.s32 $0x380  }
0x2e: {  	[tilespmem:s8], [sflag:$0x1] =	stream.indirect.gather [hbm4b:s5+s6], $0x80, s20, s6, $0xb8;
	[tilespmem:$0x18800] =	vst v63  }
0x2f: {  	s21 =	simm.s32 $0x400  }
0x30: {  	[tilespmem:s10], [sflag:$0x1] =	stream.indirect.gather [hbm4b:s5+s6], $0x80, s21, s6, $0xb8;
	[tilespmem:$0x18800] =	vst v63  }
0x31: {  	s22 =	simm.s32 $0x480  }
0x32: {  	[tilespmem:s12], [sflag:$0x1] =	stream.indirect.gather [hbm4b:s5+s6], $0x80, s22, s6, $0xb8;
	[tilespmem:$0x18800] =	vst v63  }
0x33: {  	s23 =	simm.s32 $0x500  }
0x34: {  	[tilespmem:s14], [sflag:$0x1] =	stream.indirect.gather [hbm4b:s5+s6], $0x80, s23, s6, $0xb8;
	[tilespmem:$0x18800] =	vst v63  }
0x35: {  	s24 =	simm.s32 $0x580  }
0x36: {  	[tilespmem:s16], [sflag:$0x1] =	stream.indirect.gather [hbm4b:s5+s6], $0x80, s24, s6, $0xb8;
	[tilespmem:$0x18800] =	vst v63  }
0x37: {  	_ =	swait.ge [sflag:s17], $0x4000  }
0x38: {  	[sflag:s17] =	ssyncset.done $0x0  }
0x39: {  	[sflag:s17] =	ssyncadd.s32 $0xFFFFC000  }
0x3a: {  	_ =	swait.ge [sflag:s17], $0x4000  }
0x3b: {  	[sflag:s17] =	ssyncset.done $0x0  }
0x3c: {  	[sflag:s17] =	ssyncadd.s32 $0xFFFFC000  }
0x3d: {  	_ =	swait.ge [sflag:s17], $0x4000  }
0x3e: {  	[sflag:s17] =	ssyncset.done $0x0  }
0x3f: {  	[sflag:s17] =	ssyncadd.s32 $0xFFFFC000  }
0x40: {  	_ =	swait.ge [sflag:s17], $0x4000  }
0x41: {  	[sflag:s17] =	ssyncset.done $0x0  }
0x42: {  	s25 =	ssub.s32 $0x2, s25;
	[sflag:s17] =	ssyncadd.s32 $0xFFFFC000  }
0x43: {  	s28 =	sshrl.u32 s25, $0x1;
	_ =	swait.ge [sflag:s17], $0x4000  }
0x44: {  	s28 =	ssub.s32 s25, s28;
	[sflag:s17] =	ssyncset.done $0x0  }
0x45: {  	s31 =	smax.u32 s28, $0x1;
	[sflag:s17] =	ssyncadd.s32 $0xFFFFC000  }
0x46: {  	p0 =	sne.s32 s31, $0x1;
	_ =	swait.ge [sflag:s17], $0x4000  }
.Ltmp0:
0x47: {  	[sflag:s17] =	ssyncset.done $0x0;
	(pc) =	sbr.rel @!p0 .LBB2_2-.Ltmp0, $4  }
0x48: {  	s25 =	sadd.s32 $0x10D3000, s26;
	[sflag:s17] =	ssyncadd.s32 $0xFFFFC000  }
0x49: {  	[hbm4b:s25+s2] =	stream.linear.scatter [tilespmem:s7], [sflag:$0x2], $0x18000, $0x38;
	[tilespmem:$0x18800] =	vst v63  }
0x4a: {  	_ =	swait.ge [sflag:s3], $0x18000  }
0x4b: {  	s26 =	sadd.s32 $0xFFFFFFFF, s31;
	[sflag:s3] =	ssyncset.done $0x0  }
.LBB2_1:
0x4c: {  	p0 =	sne.s32 s26, $0x1;
	s26 =	sadd.s32 $0xFFFFFFFF, s26;
	[sflag:s3] =	ssyncadd.s32 $0xFFFE8000  }
0x4d: {  	[tilespmem:s2], [sflag:$0x2] =	stream.linear.gather [hbm4b:s4+s2], $0x600, $0x38;
	[tilespmem:$0x18800] =	vst v63  }
0x4e: {  	_ =	swait.ge [sflag:s3], $0x600  }
0x4f: {  	[sflag:s3] =	ssyncset.done $0x0  }
0x50: {  	[sflag:s3] =	ssyncadd.s32 $0xFFFFFA00  }
0x51: {  	[tilespmem:s7], [sflag:$0x1] =	stream.indirect.gather [hbm4b:s5+s6], $0x80, s2, s6, $0xb8;
	[tilespmem:$0x18800] =	vst v63  }
0x52: {  	_ = 	snop  }
0x53: {  	[tilespmem:s8], [sflag:$0x1] =	stream.indirect.gather [hbm4b:s5+s6], $0x80, s6, s6, $0xb8;
	[tilespmem:$0x18800] =	vst v63  }
0x54: {  	_ = 	snop  }
0x55: {  	[tilespmem:s10], [sflag:$0x1] =	stream.indirect.gather [hbm4b:s5+s6], $0x80, s9, s6, $0xb8;
	[tilespmem:$0x18800] =	vst v63  }
0x56: {  	_ = 	snop  }
0x57: {  	[tilespmem:s12], [sflag:$0x1] =	stream.indirect.gather [hbm4b:s5+s6], $0x80, s11, s6, $0xb8;
	[tilespmem:$0x18800] =	vst v63  }
0x58: {  	_ = 	snop  }
0x59: {  	[tilespmem:s14], [sflag:$0x1] =	stream.indirect.gather [hbm4b:s5+s6], $0x80, s13, s6, $0xb8;
	[tilespmem:$0x18800] =	vst v63  }
0x5a: {  	_ = 	snop  }
0x5b: {  	[tilespmem:s16], [sflag:$0x1] =	stream.indirect.gather [hbm4b:s5+s6], $0x80, s15, s6, $0xb8;
	[tilespmem:$0x18800] =	vst v63  }
0x5c: {  	_ =	swait.ge [sflag:s17], $0x4000  }
0x5d: {  	[sflag:s17] =	ssyncset.done $0x0  }
0x5e: {  	[sflag:s17] =	ssyncadd.s32 $0xFFFFC000  }
0x5f: {  	_ =	swait.ge [sflag:s17], $0x4000  }
0x60: {  	[sflag:s17] =	ssyncset.done $0x0  }
0x61: {  	[sflag:s17] =	ssyncadd.s32 $0xFFFFC000  }
0x62: {  	_ =	swait.ge [sflag:s17], $0x4000  }
0x63: {  	[sflag:s17] =	ssyncset.done $0x0  }
0x64: {  	[sflag:s17] =	ssyncadd.s32 $0xFFFFC000  }
0x65: {  	_ =	swait.ge [sflag:s17], $0x4000  }
0x66: {  	[sflag:s17] =	ssyncset.done $0x0  }
0x67: {  	[sflag:s17] =	ssyncadd.s32 $0xFFFFC000  }
0x68: {  	_ =	swait.ge [sflag:s17], $0x4000  }
0x69: {  	[sflag:s17] =	ssyncset.done $0x0  }
0x6a: {  	[sflag:s17] =	ssyncadd.s32 $0xFFFFC000  }
0x6b: {  	_ =	swait.ge [sflag:s17], $0x4000  }
0x6c: {  	[sflag:s17] =	ssyncset.done $0x0  }
0x6d: {  	[sflag:s17] =	ssyncadd.s32 $0xFFFFC000  }
0x6e: {  	[hbm4b:s18+s2] =	stream.linear.scatter [tilespmem:s7], [sflag:$0x2], $0x18000, $0x38;
	[tilespmem:$0x18800] =	vst v63  }
0x6f: {  	_ =	swait.ge [sflag:s3], $0x18000  }
0x70: {  	[sflag:s3] =	ssyncset.done $0x0  }
0x71: {  	[sflag:s3] =	ssyncadd.s32 $0xFFFE8000  }
0x72: {  	[tilespmem:s7], [sflag:$0x1] =	stream.indirect.gather [hbm4b:s5+s6], $0x80, s19, s6, $0xb8;
	[tilespmem:$0x18800] =	vst v63  }
0x73: {  	_ = 	snop  }
0x74: {  	[tilespmem:s8], [sflag:$0x1] =	stream.indirect.gather [hbm4b:s5+s6], $0x80, s20, s6, $0xb8;
	[tilespmem:$0x18800] =	vst v63  }
0x75: {  	_ = 	snop  }
0x76: {  	[tilespmem:s10], [sflag:$0x1] =	stream.indirect.gather [hbm4b:s5+s6], $0x80, s21, s6, $0xb8;
	[tilespmem:$0x18800] =	vst v63  }
0x77: {  	_ = 	snop  }
0x78: {  	[tilespmem:s12], [sflag:$0x1] =	stream.indirect.gather [hbm4b:s5+s6], $0x80, s22, s6, $0xb8;
	[tilespmem:$0x18800] =	vst v63  }
0x79: {  	_ = 	snop  }
0x7a: {  	[tilespmem:s14], [sflag:$0x1] =	stream.indirect.gather [hbm4b:s5+s6], $0x80, s23, s6, $0xb8;
	[tilespmem:$0x18800] =	vst v63  }
0x7b: {  	_ = 	snop  }
0x7c: {  	[tilespmem:s16], [sflag:$0x1] =	stream.indirect.gather [hbm4b:s5+s6], $0x80, s24, s6, $0xb8;
	[tilespmem:$0x18800] =	vst v63  }
0x7d: {  	_ =	swait.ge [sflag:s17], $0x4000  }
0x7e: {  	[sflag:s17] =	ssyncset.done $0x0  }
0x7f: {  	[sflag:s17] =	ssyncadd.s32 $0xFFFFC000  }
0x80: {  	_ =	swait.ge [sflag:s17], $0x4000  }
0x81: {  	[sflag:s17] =	ssyncset.done $0x0  }
0x82: {  	[sflag:s17] =	ssyncadd.s32 $0xFFFFC000  }
0x83: {  	_ =	swait.ge [sflag:s17], $0x4000  }
0x84: {  	[sflag:s17] =	ssyncset.done $0x0  }
0x85: {  	[sflag:s17] =	ssyncadd.s32 $0xFFFFC000  }
0x86: {  	_ =	swait.ge [sflag:s17], $0x4000  }
0x87: {  	[sflag:s17] =	ssyncset.done $0x0  }
0x88: {  	[sflag:s17] =	ssyncadd.s32 $0xFFFFC000  }
0x89: {  	_ =	swait.ge [sflag:s17], $0x4000  }
0x8a: {  	[sflag:s17] =	ssyncset.done $0x0  }
0x8b: {  	[sflag:s17] =	ssyncadd.s32 $0xFFFFC000  }
0x8c: {  	_ =	swait.ge [sflag:s17], $0x4000  }
.Ltmp1:
0x8d: {  	[sflag:s17] =	ssyncset.done $0x0;
	(pc) =	sbr.rel @p0 .LBB2_1-.Ltmp1, $4  }
0x8e: {  	[sflag:s17] =	ssyncadd.s32 $0xFFFFC000  }
0x8f: {  	[hbm4b:s25+s2] =	stream.linear.scatter [tilespmem:s7], [sflag:$0x2], $0x18000, $0x38;
	[tilespmem:$0x18800] =	vst v63  }
0x90: {  	_ =	swait.ge [sflag:s3], $0x18000  }
0x91: {  	[sflag:s3] =	ssyncset.done $0x0  }
.LBB2_2:
0x92: {  	[sflag:s3] =	ssyncadd.s32 $0xFFFE8000  }
0x93: {  	_ =	sfence.sel $0x180000  }
0x94: {  	[bflag:$0x0] =	sbarrier.arrive $0xFFFF  }
0x95: {  	p0 =	sne.s32 s0, $0x0;
	_ =	strace $0x9000004D  }
0x96: {  	s0 =	sadd.s32 @!p0 $0x100000, s1;
	[bflag:$0x2] =	sbarrier.arrive $0xFFFF  }
0x97: {  	[sflag:s0] =	ssyncadd.tile.s32 @!p0 $0x1;
	_ =	shalt  }
.Lfunc_end2:
_tile_overlayer_lowered:
.L_overlay_start_2:
0x98: {  	(tag) =	ssettag $0x2  }
0x99: {  	s0 =	rddreg [dreg:$0x0];
	s2 =	stileid.u32  }
0x9a: {  	s1 =	rddreg [dreg:$0x1];
	p0 =	sne.s32 s2, $0x0  }
0x9b: {  	s3 =	rddreg [dreg:$0x2];
	[bflag:$0x3] =	sbarrier.arrive $0xFFFF;
	s2 =	simm.s32 @!p0 $0x1C02  }
0x9c: {  	[timem:s3], [sflag:s2] =	dma.local @!p0 [hbm:s0], s1  }
0x9d: {  	s0 =	simm.s32 @!p0 $0x2  }
0x9e: {  	_ =	swait.ge @!p0 [sflag:s0], s1  }
0x9f: {  	s1 =	ssub.s32 @!p0 $0x0, s1;
	[sflag:s0] =	ssyncset.done @!p0 $0x0  }
0xa0: {  	[sflag:s0] =	ssyncadd.s32 @!p0 s1  }
0xa1: {  	[bflag:$0x3] =	sbarrier.arrive $0xFFFF  }
0xa2: {  	_ =	shalt  }

// kernel: kernel.20.cloned.1.call-start
scs
__scs_entry_jumppad:
0x0: {  	(pc) =	sbr.rel $0x88, $3  }
0x1: {  	(tag) =	ssettag $0x0;
	lr =	simm.s32 $0x1  }
0x2: {  	[smem:$0x3F98] =	sst lr;
	_ =	strace $0xD0000000  }
0x3: {  	_ = 	snop  }
0x4: {  	_ = 	snop  }
0x5: {  	_ = 	snop  }
0x6: {  	_ = 	snop  }
0x7: {  	_ = 	snop  }
__scs_overlays_trampoline_lowered:
0x8: {  	[smem:$0x3FA7] =	sst s0  }
0x9: {  	[smem:$0x3FA8] =	sst s1  }
0xa: {  	[smem:$0x3FA9] =	sst s2  }
0xb: {  	[smem:$0x3FAA] =	sst s3  }
0xc: {  	[smem:$0x3FAB] =	sst s4  }
0xd: {  	[smem:$0x3FAC] =	sst s5  }
0xe: {  	[smem:$0x3FAD] =	sst s6  }
0xf: {  	[smem:$0x3FAE] =	sst s7  }
0x10: {  	[smem:$0x3FAF] =	sst s8  }
0x11: {  	[smem:$0x3FB0] =	sst s9;
	s0 =	simm.s32 @!p0 $0x0  }
0x12: {  	s1 =	sld [smem:$0x3F96];
	s0 =	simm.s32 @p0 $0x1  }
0x13: {  	[smem:$0x3FB1] =	sst s0;
	s0 =	simm.s32 @!p1 $0x0  }
0x14: {  	s2 =	sld [smem:$0x3F95];
	s0 =	simm.s32 @p1 $0x1  }
0x15: {  	[smem:$0x3FB2] =	sst s0;
	s0 =	simm.s32 @!p2 $0x0  }
0x16: {  	s3 =	sld [smem:$0x3FDB];
	s0 =	simm.s32 @p2 $0x1  }
0x17: {  	s4 =	simm.s32 $0x1BF5;
	[smem:$0x3FB4] =	sst s0  }
0x18: {  	s0 =	sld [smem:$0x3F97];
	_ =	swait.ge [sflag:s4], $0x0  }
0x19: {  	s7 =	sld [smem:$0x3F98]  }
0x1a: {  	s8 =	sadd.s32 $0xFFFFE003, lr  }
0x1b: {  	s9 =	sadd.s32 $0xFFFFFEF7, lr;
	s5 =	simm.s32 $0xFFFFFFFF;
	p2 =	slt.u32 s8, $0xFFFFF086  }
0x1c: {  	p1 =	slt.u32 s9, $0xF7A;
	s5 =	simm.s32 @!p2 $0x0  }
0x1d: {  	s5 =	simm.s32 @p1 $0x1;
	p0 =	seq.s32 s7, s2  }
0x1e: {  	s7 =	smul.u32 @!p0 $0xF7A, s2;
	p2 =	seq.s32 @!p0 s5, $0x0  }
0x1f: {  	s9 =	smul.u32 $0xF7A, s1;
	s8 =	simm.s32 @!p0 $0x1BF5;
	p2 =	por !p2, p0  }
0x20: {  	[sflag:s8] =	ssyncset.s32 @!p0 $0xFFFFF086;
	s6 =	sadd.s32 @!p0 s3, s7;
	s7 =	simm.s32 @!p0 $0x108  }
0x21: {  	s3 =	sadd.s32 s3, s9;
	s6 =	sadd.s32 @!p0 $0x88, s6;
	s7 =	simm.s32 @p2 $0x1082  }
0x22: {  	[simem:s7], [sflag:s8] =	dma.local @!p0 [hbm:s6], $0xF7A  }
0x23: {  	s9 =	sor.u32 $0xD0000000, s2;
	s6 =	simm.s32 $0x108;
	_ =	swait.ge @!p0 [sflag:s8], $0x0  }
0x24: {  	s3 =	sadd.s32 $0x88, s3;
	s6 =	simm.s32 @!p1 $0x1082;
	[sflag:s4] =	ssyncset.s32 $0xFFFFF086  }
0x25: {  	[simem:s6], [sflag:s4] =	dma.local [hbm:s3], $0xF7A  }
0x26: {  	[smem:$0x3F98] =	sst s1;
	(tag) =	ssettag s2;
	_ =	strace s9  }
0x27: {  	s1 =	sld [smem:$0x3FA8]  }
0x28: {  	s2 =	sld [smem:$0x3FA9]  }
0x29: {  	s4 =	sld [smem:$0x3FAB]  }
0x2a: {  	p0 =	seq.s32 s5, $0x0;
	s5 =	sld [smem:$0x3FAC]  }
0x2b: {  	s6 =	sld [smem:$0x3FAD]  }
0x2c: {  	s7 =	sld [smem:$0x3FAE]  }
0x2d: {  	s3 =	simm.s32 $0x108;
	s8 =	sld [smem:$0x3FAF]  }
0x2e: {  	s3 =	simm.s32 @!p0 $0x1082;
	s9 =	sld [smem:$0x3FB0]  }
0x2f: {  	lr =	sadd.s32 s0, s3;
	s0 =	sld [smem:$0x3FA7]  }
0x30: {  	s3 =	sld [smem:$0x3FAA]  }
0x31: {  	[smem:$0x3FB3] =	sst s10  }
0x32: {  	s10 =	sld [smem:$0x3FB1];
	_ =	sdelay $0x3  }
0x33: {  	p0 =	seq.s32 s10, $0x1;
	s10 =	sld [smem:$0x3FB3];
	_ =	sdelay $0x3  }
0x34: {  	[smem:$0x3FB3] =	sst s10  }
0x35: {  	s10 =	sld [smem:$0x3FB2];
	_ =	sdelay $0x3  }
0x36: {  	p1 =	seq.s32 s10, $0x1;
	s10 =	sld [smem:$0x3FB3];
	_ =	sdelay $0x3  }
0x37: {  	[smem:$0x3FB3] =	sst s10  }
0x38: {  	s10 =	sld [smem:$0x3FB4]  }
0x39: {  	_ = 	snop;
	(pc) =	sbr.ind lr, $3  }
0x3a: {  	_ = 	snop  }
0x3b: {  	_ = 	snop  }
0x3c: {  	p2 =	seq.s32 s10, $0x1;
	s10 =	sld [smem:$0x3FB3]  }
0x3d: {  	_ =	shalt  }
0x3e: {  	_ =	shalt  }
0x3f: {  	_ =	shalt  }
0x40: {  	_ =	shalt  }
0x41: {  	_ =	shalt  }
0x42: {  	_ =	shalt  }
0x43: {  	_ =	shalt  }
0x44: {  	_ =	shalt  }
0x45: {  	_ =	shalt  }
0x46: {  	_ =	shalt  }
0x47: {  	_ =	shalt  }
0x48: {  	_ =	shalt  }
0x49: {  	_ =	shalt  }
0x4a: {  	_ =	shalt  }
0x4b: {  	_ =	shalt  }
0x4c: {  	_ =	shalt  }
0x4d: {  	_ =	shalt  }
0x4e: {  	_ =	shalt  }
0x4f: {  	_ =	shalt  }
0x50: {  	_ =	shalt  }
0x51: {  	_ =	shalt  }
0x52: {  	_ =	shalt  }
0x53: {  	_ =	shalt  }
0x54: {  	_ =	shalt  }
0x55: {  	_ =	shalt  }
0x56: {  	_ =	shalt  }
0x57: {  	_ =	shalt  }
0x58: {  	_ =	shalt  }
0x59: {  	_ =	shalt  }
0x5a: {  	_ =	shalt  }
0x5b: {  	_ =	shalt  }
0x5c: {  	_ =	shalt  }
0x5d: {  	_ =	shalt  }
0x5e: {  	_ =	shalt  }
0x5f: {  	_ =	shalt  }
0x60: {  	_ =	shalt  }
0x61: {  	_ =	shalt  }
0x62: {  	_ =	shalt  }
0x63: {  	_ =	shalt  }
0x64: {  	_ =	shalt  }
0x65: {  	_ =	shalt  }
0x66: {  	_ =	shalt  }
0x67: {  	_ =	shalt  }
0x68: {  	_ =	shalt  }
0x69: {  	_ =	shalt  }
0x6a: {  	_ =	shalt  }
0x6b: {  	_ =	shalt  }
0x6c: {  	_ =	shalt  }
0x6d: {  	_ =	shalt  }
0x6e: {  	_ =	shalt  }
0x6f: {  	_ =	shalt  }
0x70: {  	_ =	shalt  }
0x71: {  	_ =	shalt  }
0x72: {  	_ =	shalt  }
0x73: {  	_ =	shalt  }
0x74: {  	_ =	shalt  }
0x75: {  	_ =	shalt  }
0x76: {  	_ =	shalt  }
0x77: {  	_ =	shalt  }
0x78: {  	_ =	shalt  }
0x79: {  	_ =	shalt  }
0x7a: {  	_ =	shalt  }
0x7b: {  	_ =	shalt  }
0x7c: {  	_ =	shalt  }
0x7d: {  	_ =	shalt  }
0x7e: {  	_ =	shalt  }
0x7f: {  	_ =	shalt  }
0x80: {  	_ =	shalt  }
0x81: {  	_ =	shalt  }
0x82: {  	_ =	shalt  }
0x83: {  	_ =	shalt  }
0x84: {  	_ =	shalt  }
0x85: {  	_ =	shalt  }
0x86: {  	_ =	shalt  }
0x87: {  	_ =	shalt  }
.Lfunc_end0:
.L_simem_size_0:
called_computation.3_lowered:
.L_overlay_start_0:
0x88: {  	s2 =	sld [smem:$0x3FD9]  }
0x89: {  	s3 =	sld [smem:$0x3FFE];
	_ =	sdelay $0x1  }
0x8a: {  	s1 =	srdreg.scid  }
0x8b: {  	s0 =	sand.u32 $0x1, s1  }
0x8c: {  	s17 =	sshll.u32 s0, $0xA;
	s2 =	sadd.s32 s3, s2  }
0x8d: {  	s2 =	sadd.s32 s2, s17  }
0x8e: {  	[smem:$0x3FBF] =	sst s2  }
0x8f: {  	_ = 	snop  }
0x90: {  	(tm) =	ssettm $0x1  }
0x91: {  	s18 =	sld [smem:$0x3FFB];
	_ =	sdelay $0x3  }
0x92: {  	_ =	strace s18  }
0x93: {  	s2 =	sld [smem:$0x3FFC];
	_ =	sdelay $0x3  }
0x94: {  	_ =	strace s2  }
0x95: {  	s2 =	sld [smem:$0x3FFD];
	_ =	sdelay $0x3  }
0x96: {  	_ =	strace s2  }
0x97: {  	_ =	strace $0x8FFFFFFF  }
0x98: {  	s19 =	sld [smem:$0x3FDB];
	_ =	sdelay $0x1  }
0x99: {  	s20 =	simm.s32 $_scs_section_size  }
0x9a: {  	s4 =	simm.s32 $_size__tile_overlayer_lowered;
	s5 =	simm.s32 $_tile_overlayer_lowered  }
0x9b: {  	s6 =	simm.s32 $0x1BFF;
	s21 =	sshll.u32 s5, $0x1;
	s3 =	sadd.s32 s20, s19  }
0x9c: {  	s22 =	simm.s32 $0x0;
	s4 =	sshll.u32 s4, $0x1;
	s5 =	sadd.s32 s21, s3  }
0x9d: {  	[timem:s22], [sflag:s6] =	dma.local [hbm:s5], s4  }
0x9e: {  	_ =	swait.ge [sflag:s6], s4  }
0x9f: {  	s4 =	ssub.s32 $0x0, s4;
	[sflag:s6] =	ssyncset.done $0x0  }
0xa0: {  	[sflag:s6] =	ssyncadd.s32 s4;
	_ =	sdelay $0x1  }
0xa1: {  	s23 =	simm.s32 $0x1B8B  }
0xa2: {  	_ =	swait.ge [sflag:s23], $0x1  }
0xa3: {  	[sflag:s23] =	ssyncset.done $0x0  }
0xa4: {  	[sflag:s23] =	ssyncadd.s32 $0xFFFFFFFF  }
0xa5: {  	s4 =	sld [smem:$0x0]  }
0xa6: {  	s5 =	sand.u32 $0xFFFFFFFE, s1  }
0xa7: {  	p0 =	sne.s32 s1, s5  }
0xa8: {  	s5 =	sshll.u32 @p0 s5, $0xE  }
0xa9: {  	s5 =	sadd.s32 @p0 $0x11B8D, s5;
	s6 =	sshll.u32 @p0 s4, $0x11  }
0xaa: {  	s5 =	sor.u32 @p0 s6, s5  }
0xab: {  	[sflag:s5] =	ssyncadd.remote.s32 @p0 $0x1;
	_ =	sdelay $0x1  }
0xac: {  	s5 =	simm.s32 @p0 $0x1B8D  }
0xad: {  	_ =	swait.eq @p0 [sflag:s5], $0x1  }
0xae: {  	[sflag:s5] =	ssyncadd.s32 @p0 $0xFFFFFFFF  }
0xaf: {  	s6 =	sshll.u32 @!p0 s1, $0xE  }
0xb0: {  	s6 =	sor.u32 @!p0 $0x4000, s6;
	s5 =	simm.s32 @!p0 $0x1B8D  }
0xb1: {  	s4 =	sshll.u32 @!p0 s4, $0x11;
	s6 =	sadd.s32 @!p0 $0x11B8D, s6;
	_ =	swait.eq @!p0 [sflag:s5], $0x1  }
0xb2: {  	s4 =	sor.u32 @!p0 s4, s6;
	[sflag:s5] =	ssyncadd.s32 @!p0 $0xFFFFFFFF  }
0xb3: {  	s25 =	simm.s32 $0x1B8E;
	s24 =	sld [smem:$0x3FFE];
	[sflag:s4] =	ssyncadd.remote.s32 @!p0 $0x1  }
0xb4: {  	s26 =	simm.s32 $execute0_lowered;
	[smem:$0x3FD2] =	sst s25  }
0xb5: {  	s5 =	sshll.u32 s26, $0x1;
	_ =	strace $0x8000004F;
	[dreg:$0x1] =	wrdreg $0xFFFFFFFF  }
0xb6: {  	s28 =	simm.s32 $_size_execute0_lowered;
	s3 =	sadd.s32 s3, s5;
	[dreg:$0x0] =	wrdreg $0x0  }
0xb7: {  	s5 =	sshll.u32 s28, $0x1;
	[dreg:$0x2] =	wrdreg s3  }
0xb8: {  	[dreg:$0x3] =	wrdreg s5  }
0xb9: {  	[dreg:$0x4] =	wrdreg $0xC0  }
0xba: {  	_ =	task [dreg:s22], $0x5FFFF  }
0xbb: {  	[dreg:$0x1] =	wrdreg $0xFFFFFFFF  }
0xbc: {  	[dreg:$0x0] =	wrdreg $0x60  }
0xbd: {  	[dreg:$0x2] =	wrdreg s24  }
0xbe: {  	[dreg:$0x3] =	wrdreg $0xC  }
0xbf: {  	_ =	task.clear_ibuf [dreg:s22], $0x4FFFF;
	_ =	strace $0x9000004F  }
0xc0: {  	s29 =	simm.s32 $0xC;
	_ =	strace $0x80000051  }
0xc1: {  	_ =	swait.ge [sflag:s29], $0x1  }
0xc2: {  	[sflag:s29] =	ssyncadd.s32 $0xFFFFFFFF  }
0xc3: {  	_ =	strace $0x90000051  }
0xc4: {  	_ =	sfence  }
0xc5: {  	s30 =	sld [smem:$0x0];
	_ =	sdelay $0x2  }
0xc6: {  	s31 =	sshll.u32 s1, $0xD;
	s1 =	sshrl.u32 s1, $0x2  }
0xc7: {  	s4 =	sand.u32 $0x4000, s31;
	s1 =	sadd.s32 s1, s30  }
0xc8: {  	s0 =	sor.u32 s4, s0;
	s1 =	sshll.u32 s1, $0x11  }
0xc9: {  	s0 =	sor.u32 s1, s0  }
0xca: {  	s0 =	sadd.s32 $0x8F2B, s0  }
0xcb: {  	[sflag:s0] =	ssyncadd.remote.s32 $0x1  }
0xcc: {  	_ =	sfence.sel $0xFFFF  }
0xcd: {  	[dreg:$0x0] =	wrdreg $0xFFFFFFFF;
	(pc) =	sbr.abs _section_cstart, $3  }
0xce: {  	[dreg:$0x1] =	wrdreg $0xFFFFFFFF  }
0xcf: {  	_ =	task.clear_ibuf [dreg:s22], $0x2FFFF;
	_ =	strace $0x9FFFFFFF  }
0xd0: {  	(tm) =	ssettm $0x7FFFFFFF  }
0xd1: {  	_ =	shalt  }
tec
execute0_lowered:
.L_overlay_start_1:
0x0: {  	(tag) =	ssettag $0x1  }
0x1: {  	s1 =	srdreg.scid;
	s0 =	stileid.u32  }
0x2: {  	s25 =	sand.u32 $0x1, s1;
	s30 =	sshll.u32 s0, $0x1  }
0x3: {  	s18 =	rddreg [dreg:$0x0];
	s19 =	sor.u32 s25, s30  }
0x4: {  	s2 =	simm.s32 $0x0;
	s1 =	rddreg [dreg:$0x1];
	s3 =	sshll.u32 s19, $0x8  }
0x5: {  	[smem:$0x7FF] =	sst s2;
	s3 =	sadd.s32 s3, s18  }
0x6: {  	_ =	strace $0x80000050;
	s4 =	sadd.s32 $0x7400, s3;
	s3 =	simm.s32 $0x2  }
0x7: {  	[tilespmem:s2], [sflag:$0x2] =	stream.linear.gather [hbm4b:s4+s2], $0x600, $0x38;
	[tilespmem:$0x18800] =	vst v63  }
0x8: {  	_ =	swait.ge [sflag:s3], $0x600  }
0x9: {  	s6 =	simm.s32 $0x80;
	[sflag:s3] =	ssyncset.done $0x0  }
0xa: {  	s7 =	simm.s32 $0x800;
	s5 =	sadd.s32 $0xBC00, s18;
	[sflag:s3] =	ssyncadd.s32 $0xFFFFFA00  }
0xb: {  	[tilespmem:s7], [sflag:$0x1] =	stream.indirect.gather [hbm4b:s5+s6], $0x80, s2, s6, $0xb8;
	[tilespmem:$0x18800] =	vst v63  }
0xc: {  	s8 =	simm.s32 $0x4800  }
0xd: {  	[tilespmem:s8], [sflag:$0x1] =	stream.indirect.gather [hbm4b:s5+s6], $0x80, s6, s6, $0xb8;
	[tilespmem:$0x18800] =	vst v63  }
0xe: {  	s9 =	simm.s32 $0x100;
	s10 =	simm.s32 $0x8800  }
0xf: {  	[tilespmem:s10], [sflag:$0x1] =	stream.indirect.gather [hbm4b:s5+s6], $0x80, s9, s6, $0xb8;
	[tilespmem:$0x18800] =	vst v63  }
0x10: {  	s11 =	simm.s32 $0x180;
	s12 =	simm.s32 $0xC800  }
0x11: {  	[tilespmem:s12], [sflag:$0x1] =	stream.indirect.gather [hbm4b:s5+s6], $0x80, s11, s6, $0xb8;
	[tilespmem:$0x18800] =	vst v63  }
0x12: {  	s13 =	simm.s32 $0x200;
	s14 =	simm.s32 $0x10800  }
0x13: {  	[tilespmem:s14], [sflag:$0x1] =	stream.indirect.gather [hbm4b:s5+s6], $0x80, s13, s6, $0xb8;
	[tilespmem:$0x18800] =	vst v63  }
0x14: {  	s15 =	simm.s32 $0x280;
	s16 =	simm.s32 $0x14800;
	s17 =	simm.s32 $0x1  }
0x15: {  	[tilespmem:s16], [sflag:$0x1] =	stream.indirect.gather [hbm4b:s5+s6], $0x80, s15, s6, $0xb8;
	[tilespmem:$0x18800] =	vst v63  }
0x16: {  	_ =	swait.ge [sflag:s17], $0x4000  }
0x17: {  	[sflag:s17] =	ssyncset.done $0x0  }
0x18: {  	[sflag:s17] =	ssyncadd.s32 $0xFFFFC000  }
0x19: {  	_ =	swait.ge [sflag:s17], $0x4000  }
0x1a: {  	[sflag:s17] =	ssyncset.done $0x0  }
0x1b: {  	[sflag:s17] =	ssyncadd.s32 $0xFFFFC000  }
0x1c: {  	_ =	swait.ge [sflag:s17], $0x4000  }
0x1d: {  	[sflag:s17] =	ssyncset.done $0x0  }
0x1e: {  	[sflag:s17] =	ssyncadd.s32 $0xFFFFC000  }
0x1f: {  	_ =	swait.ge [sflag:s17], $0x4000  }
0x20: {  	[sflag:s17] =	ssyncset.done $0x0  }
0x21: {  	[sflag:s17] =	ssyncadd.s32 $0xFFFFC000  }
0x22: {  	_ =	swait.ge [sflag:s17], $0x4000  }
0x23: {  	s19 =	smul.u32 $0x30000, s19;
	[sflag:s17] =	ssyncset.done $0x0  }
0x24: {  	[sflag:s17] =	ssyncadd.s32 $0xFFFFC000  }
0x25: {  	s19 =	sshrl.u32 s19, $0x3;
	_ =	swait.ge [sflag:s17], $0x4000  }
0x26: {  	s26 =	sadd.s32 s19, s18;
	[sflag:s17] =	ssyncset.done $0x0  }
0x27: {  	s18 =	sadd.s32 $0x1190000, s26;
	[sflag:s17] =	ssyncadd.s32 $0xFFFFC000  }
0x28: {  	[hbm4b:s18+s2] =	stream.linear.scatter [tilespmem:s7], [sflag:$0x2], $0x18000, $0x38;
	[tilespmem:$0x18800] =	vst v63  }
0x29: {  	_ =	swait.ge [sflag:s3], $0x18000  }
0x2a: {  	[sflag:s3] =	ssyncset.done $0x0  }
0x2b: {  	s19 =	simm.s32 $0x300;
	[sflag:s3] =	ssyncadd.s32 $0xFFFE8000  }
0x2c: {  	[tilespmem:s7], [sflag:$0x1] =	stream.indirect.gather [hbm4b:s5+s6], $0x80, s19, s6, $0xb8;
	[tilespmem:$0x18800] =	vst v63  }
0x2d: {  	s20 =	simm.s32 $0x380  }
0x2e: {  	[tilespmem:s8], [sflag:$0x1] =	stream.indirect.gather [hbm4b:s5+s6], $0x80, s20, s6, $0xb8;
	[tilespmem:$0x18800] =	vst v63  }
0x2f: {  	s21 =	simm.s32 $0x400  }
0x30: {  	[tilespmem:s10], [sflag:$0x1] =	stream.indirect.gather [hbm4b:s5+s6], $0x80, s21, s6, $0xb8;
	[tilespmem:$0x18800] =	vst v63  }
0x31: {  	s22 =	simm.s32 $0x480  }
0x32: {  	[tilespmem:s12], [sflag:$0x1] =	stream.indirect.gather [hbm4b:s5+s6], $0x80, s22, s6, $0xb8;
	[tilespmem:$0x18800] =	vst v63  }
0x33: {  	s23 =	simm.s32 $0x500  }
0x34: {  	[tilespmem:s14], [sflag:$0x1] =	stream.indirect.gather [hbm4b:s5+s6], $0x80, s23, s6, $0xb8;
	[tilespmem:$0x18800] =	vst v63  }
0x35: {  	s24 =	simm.s32 $0x580  }
0x36: {  	[tilespmem:s16], [sflag:$0x1] =	stream.indirect.gather [hbm4b:s5+s6], $0x80, s24, s6, $0xb8;
	[tilespmem:$0x18800] =	vst v63  }
0x37: {  	_ =	swait.ge [sflag:s17], $0x4000  }
0x38: {  	[sflag:s17] =	ssyncset.done $0x0  }
0x39: {  	[sflag:s17] =	ssyncadd.s32 $0xFFFFC000  }
0x3a: {  	_ =	swait.ge [sflag:s17], $0x4000  }
0x3b: {  	[sflag:s17] =	ssyncset.done $0x0  }
0x3c: {  	[sflag:s17] =	ssyncadd.s32 $0xFFFFC000  }
0x3d: {  	_ =	swait.ge [sflag:s17], $0x4000  }
0x3e: {  	[sflag:s17] =	ssyncset.done $0x0  }
0x3f: {  	[sflag:s17] =	ssyncadd.s32 $0xFFFFC000  }
0x40: {  	_ =	swait.ge [sflag:s17], $0x4000  }
0x41: {  	[sflag:s17] =	ssyncset.done $0x0  }
0x42: {  	s25 =	ssub.s32 $0x2, s25;
	[sflag:s17] =	ssyncadd.s32 $0xFFFFC000  }
0x43: {  	s28 =	sshrl.u32 s25, $0x1;
	_ =	swait.ge [sflag:s17], $0x4000  }
0x44: {  	s28 =	ssub.s32 s25, s28;
	[sflag:s17] =	ssyncset.done $0x0  }
0x45: {  	s31 =	smax.u32 s28, $0x1;
	[sflag:s17] =	ssyncadd.s32 $0xFFFFC000  }
0x46: {  	p0 =	sne.s32 s31, $0x1;
	_ =	swait.ge [sflag:s17], $0x4000  }
.Ltmp0:
0x47: {  	[sflag:s17] =	ssyncset.done $0x0;
	(pc) =	sbr.rel @!p0 .LBB2_2-.Ltmp0, $4  }
0x48: {  	s25 =	sadd.s32 $0x1193000, s26;
	[sflag:s17] =	ssyncadd.s32 $0xFFFFC000  }
0x49: {  	[hbm4b:s25+s2] =	stream.linear.scatter [tilespmem:s7], [sflag:$0x2], $0x18000, $0x38;
	[tilespmem:$0x18800] =	vst v63  }
0x4a: {  	_ =	swait.ge [sflag:s3], $0x18000  }
0x4b: {  	s26 =	sadd.s32 $0xFFFFFFFF, s31;
	[sflag:s3] =	ssyncset.done $0x0  }
.LBB2_1:
0x4c: {  	p0 =	sne.s32 s26, $0x1;
	s26 =	sadd.s32 $0xFFFFFFFF, s26;
	[sflag:s3] =	ssyncadd.s32 $0xFFFE8000  }
0x4d: {  	[tilespmem:s2], [sflag:$0x2] =	stream.linear.gather [hbm4b:s4+s2], $0x600, $0x38;
	[tilespmem:$0x18800] =	vst v63  }
0x4e: {  	_ =	swait.ge [sflag:s3], $0x600  }
0x4f: {  	[sflag:s3] =	ssyncset.done $0x0  }
0x50: {  	[sflag:s3] =	ssyncadd.s32 $0xFFFFFA00  }
0x51: {  	[tilespmem:s7], [sflag:$0x1] =	stream.indirect.gather [hbm4b:s5+s6], $0x80, s2, s6, $0xb8;
	[tilespmem:$0x18800] =	vst v63  }
0x52: {  	_ = 	snop  }
0x53: {  	[tilespmem:s8], [sflag:$0x1] =	stream.indirect.gather [hbm4b:s5+s6], $0x80, s6, s6, $0xb8;
	[tilespmem:$0x18800] =	vst v63  }
0x54: {  	_ = 	snop  }
0x55: {  	[tilespmem:s10], [sflag:$0x1] =	stream.indirect.gather [hbm4b:s5+s6], $0x80, s9, s6, $0xb8;
	[tilespmem:$0x18800] =	vst v63  }
0x56: {  	_ = 	snop  }
0x57: {  	[tilespmem:s12], [sflag:$0x1] =	stream.indirect.gather [hbm4b:s5+s6], $0x80, s11, s6, $0xb8;
	[tilespmem:$0x18800] =	vst v63  }
0x58: {  	_ = 	snop  }
0x59: {  	[tilespmem:s14], [sflag:$0x1] =	stream.indirect.gather [hbm4b:s5+s6], $0x80, s13, s6, $0xb8;
	[tilespmem:$0x18800] =	vst v63  }
0x5a: {  	_ = 	snop  }
0x5b: {  	[tilespmem:s16], [sflag:$0x1] =	stream.indirect.gather [hbm4b:s5+s6], $0x80, s15, s6, $0xb8;
	[tilespmem:$0x18800] =	vst v63  }
0x5c: {  	_ =	swait.ge [sflag:s17], $0x4000  }
0x5d: {  	[sflag:s17] =	ssyncset.done $0x0  }
0x5e: {  	[sflag:s17] =	ssyncadd.s32 $0xFFFFC000  }
0x5f: {  	_ =	swait.ge [sflag:s17], $0x4000  }
0x60: {  	[sflag:s17] =	ssyncset.done $0x0  }
0x61: {  	[sflag:s17] =	ssyncadd.s32 $0xFFFFC000  }
0x62: {  	_ =	swait.ge [sflag:s17], $0x4000  }
0x63: {  	[sflag:s17] =	ssyncset.done $0x0  }
0x64: {  	[sflag:s17] =	ssyncadd.s32 $0xFFFFC000  }
0x65: {  	_ =	swait.ge [sflag:s17], $0x4000  }
0x66: {  	[sflag:s17] =	ssyncset.done $0x0  }
0x67: {  	[sflag:s17] =	ssyncadd.s32 $0xFFFFC000  }
0x68: {  	_ =	swait.ge [sflag:s17], $0x4000  }
0x69: {  	[sflag:s17] =	ssyncset.done $0x0  }
0x6a: {  	[sflag:s17] =	ssyncadd.s32 $0xFFFFC000  }
0x6b: {  	_ =	swait.ge [sflag:s17], $0x4000  }
0x6c: {  	[sflag:s17] =	ssyncset.done $0x0  }
0x6d: {  	[sflag:s17] =	ssyncadd.s32 $0xFFFFC000  }
0x6e: {  	[hbm4b:s18+s2] =	stream.linear.scatter [tilespmem:s7], [sflag:$0x2], $0x18000, $0x38;
	[tilespmem:$0x18800] =	vst v63  }
0x6f: {  	_ =	swait.ge [sflag:s3], $0x18000  }
0x70: {  	[sflag:s3] =	ssyncset.done $0x0  }
0x71: {  	[sflag:s3] =	ssyncadd.s32 $0xFFFE8000  }
0x72: {  	[tilespmem:s7], [sflag:$0x1] =	stream.indirect.gather [hbm4b:s5+s6], $0x80, s19, s6, $0xb8;
	[tilespmem:$0x18800] =	vst v63  }
0x73: {  	_ = 	snop  }
0x74: {  	[tilespmem:s8], [sflag:$0x1] =	stream.indirect.gather [hbm4b:s5+s6], $0x80, s20, s6, $0xb8;
	[tilespmem:$0x18800] =	vst v63  }
0x75: {  	_ = 	snop  }
0x76: {  	[tilespmem:s10], [sflag:$0x1] =	stream.indirect.gather [hbm4b:s5+s6], $0x80, s21, s6, $0xb8;
	[tilespmem:$0x18800] =	vst v63  }
0x77: {  	_ = 	snop  }
0x78: {  	[tilespmem:s12], [sflag:$0x1] =	stream.indirect.gather [hbm4b:s5+s6], $0x80, s22, s6, $0xb8;
	[tilespmem:$0x18800] =	vst v63  }
0x79: {  	_ = 	snop  }
0x7a: {  	[tilespmem:s14], [sflag:$0x1] =	stream.indirect.gather [hbm4b:s5+s6], $0x80, s23, s6, $0xb8;
	[tilespmem:$0x18800] =	vst v63  }
0x7b: {  	_ = 	snop  }
0x7c: {  	[tilespmem:s16], [sflag:$0x1] =	stream.indirect.gather [hbm4b:s5+s6], $0x80, s24, s6, $0xb8;
	[tilespmem:$0x18800] =	vst v63  }
0x7d: {  	_ =	swait.ge [sflag:s17], $0x4000  }
0x7e: {  	[sflag:s17] =	ssyncset.done $0x0  }
0x7f: {  	[sflag:s17] =	ssyncadd.s32 $0xFFFFC000  }
0x80: {  	_ =	swait.ge [sflag:s17], $0x4000  }
0x81: {  	[sflag:s17] =	ssyncset.done $0x0  }
0x82: {  	[sflag:s17] =	ssyncadd.s32 $0xFFFFC000  }
0x83: {  	_ =	swait.ge [sflag:s17], $0x4000  }
0x84: {  	[sflag:s17] =	ssyncset.done $0x0  }
0x85: {  	[sflag:s17] =	ssyncadd.s32 $0xFFFFC000  }
0x86: {  	_ =	swait.ge [sflag:s17], $0x4000  }
0x87: {  	[sflag:s17] =	ssyncset.done $0x0  }
0x88: {  	[sflag:s17] =	ssyncadd.s32 $0xFFFFC000  }
0x89: {  	_ =	swait.ge [sflag:s17], $0x4000  }
0x8a: {  	[sflag:s17] =	ssyncset.done $0x0  }
0x8b: {  	[sflag:s17] =	ssyncadd.s32 $0xFFFFC000  }
0x8c: {  	_ =	swait.ge [sflag:s17], $0x4000  }
.Ltmp1:
0x8d: {  	[sflag:s17] =	ssyncset.done $0x0;
	(pc) =	sbr.rel @p0 .LBB2_1-.Ltmp1, $4  }
0x8e: {  	[sflag:s17] =	ssyncadd.s32 $0xFFFFC000  }
0x8f: {  	[hbm4b:s25+s2] =	stream.linear.scatter [tilespmem:s7], [sflag:$0x2], $0x18000, $0x38;
	[tilespmem:$0x18800] =	vst v63  }
0x90: {  	_ =	swait.ge [sflag:s3], $0x18000  }
0x91: {  	[sflag:s3] =	ssyncset.done $0x0  }
.LBB2_2:
0x92: {  	[sflag:s3] =	ssyncadd.s32 $0xFFFE8000  }
0x93: {  	_ =	sfence.sel $0x180000  }
0x94: {  	[bflag:$0x0] =	sbarrier.arrive $0xFFFF  }
0x95: {  	p0 =	sne.s32 s0, $0x0;
	_ =	strace $0x90000050  }
0x96: {  	s0 =	sadd.s32 @!p0 $0x100000, s1;
	[bflag:$0x2] =	sbarrier.arrive $0xFFFF  }
0x97: {  	[sflag:s0] =	ssyncadd.tile.s32 @!p0 $0x1;
	_ =	shalt  }
.Lfunc_end2:
_tile_overlayer_lowered:
.L_overlay_start_2:
0x98: {  	(tag) =	ssettag $0x2  }
0x99: {  	s0 =	rddreg [dreg:$0x0];
	s2 =	stileid.u32  }
0x9a: {  	s1 =	rddreg [dreg:$0x1];
	p0 =	sne.s32 s2, $0x0  }
0x9b: {  	s3 =	rddreg [dreg:$0x2];
	[bflag:$0x3] =	sbarrier.arrive $0xFFFF;
	s2 =	simm.s32 @!p0 $0x1C02  }
0x9c: {  	[timem:s3], [sflag:s2] =	dma.local @!p0 [hbm:s0], s1  }
0x9d: {  	s0 =	simm.s32 @!p0 $0x2  }
0x9e: {  	_ =	swait.ge @!p0 [sflag:s0], s1  }
0x9f: {  	s1 =	ssub.s32 @!p0 $0x0, s1;
	[sflag:s0] =	ssyncset.done @!p0 $0x0  }
0xa0: {  	[sflag:s0] =	ssyncadd.s32 @!p0 s1  }
0xa1: {  	[bflag:$0x3] =	sbarrier.arrive $0xFFFF  }
0xa2: {  	_ =	shalt  }

</sc_bundles>
